<compile_context>
chip_gen: v7x
topology: tpu7x:2x2x1
jax: 0.10.2.dev20260603
libtpu: 0.0.44.dev20260713+nightly
codegen_flags: <defaults>
</compile_context>

<pallas_src>
import functools

import jax
import jax.numpy as jnp
from jax import lax
from jax.experimental import pallas as pl
from jax.experimental.pallas import tpu as pltpu
from jax.experimental.pallas import tpu_sc as plsc

_B = 16384
_D = 32
_NNEG = 20
_NSC = 21
_NC, _NS = 2, 16
_NW = _NC * _NS
_ROWS_W = _B // _NW
_CHUNK = 16
_NCHUNK = _ROWS_W // _CHUNK
_NEG_PER_CHUNK = _CHUNK * _NNEG
_VEC_PER_CHUNK = _CHUNK * _NSC
_OUT_ROWS_PER_CHUNK = _VEC_PER_CHUNK * 16 // 128
_OUT_ROWS = _B * _NSC * 16 // 128

_CV = 8192
_CQ = _CV // 4
_CGRID = (1000000 + _CV - 1) // _CV
_VPAD = _CGRID * _CV


def _conv_body(a_ref, b_ref, oa_ref, ob_ref):
    for (in_ref, o_ref) in ((a_ref, oa_ref), (b_ref, ob_ref)):
        o_ref[...] = jnp.concatenate(
            [jnp.transpose(in_ref[:, pl.ds(_CQ * g, _CQ)]) for g in range(4)],
            axis=1)


_conv_call = pl.pallas_call(
    _conv_body,
    grid=(_CGRID,),
    in_specs=[pl.BlockSpec((32, _CV), lambda i: (0, i)),
              pl.BlockSpec((32, _CV), lambda i: (0, i))],
    out_specs=[pl.BlockSpec((_CQ, 128), lambda i: (i, 0)),
               pl.BlockSpec((_CQ, 128), lambda i: (i, 0))],
    out_shape=[jax.ShapeDtypeStruct((_VPAD // 4, 128), jnp.float32),
               jax.ShapeDtypeStruct((_VPAD // 4, 128), jnp.float32)],
)


def _permute_idx(ref, nvec):
    def body(k, carry):
        v = ref[pl.ds(k * 16, 16)]
        c = jnp.bitwise_and(v, _CV - 1)
        r = jnp.bitwise_and(c, _CQ - 1)
        g = jnp.right_shift(c, _CQ.bit_length() - 1)
        ref[pl.ds(k * 16, 16)] = (v - c) + jnp.left_shift(r, 2) + g
        return carry

    lax.fori_loop(0, nvec, body, 0)


def _sc_partial_body(cW_hbm, xW_hbm, cidx_hbm, pidx_hbm, nidx_hbm, out_hbm,
                     cidx_v, pidx_v, nidx_v, crow_v, prow_v, nrow_v,
                     crow2_v, prow2_v, nrow2_v, part_v, sem, sem2):
    wid = lax.axis_index("s") * _NC + lax.axis_index("c")
    base = wid * _ROWS_W
    pltpu.sync_copy(cidx_hbm.at[pl.ds(base, _ROWS_W)], cidx_v)
    pltpu.sync_copy(pidx_hbm.at[pl.ds(base, _ROWS_W)], pidx_v)
    pltpu.sync_copy(nidx_hbm.at[pl.ds(base * _NNEG, _ROWS_W * _NNEG)], nidx_v)
    _permute_idx(cidx_v, _ROWS_W // 16)
    _permute_idx(pidx_v, _ROWS_W // 16)
    _permute_idx(nidx_v, _ROWS_W * _NNEG // 16)

    bufs = ((crow_v, prow_v, nrow_v, sem), (crow2_v, prow2_v, nrow2_v, sem2))

    def fire(ci, b):
        crow, prow, nrow, bsem = bufs[b]
        pltpu.async_copy(
            cW_hbm.at[cidx_v.at[pl.ds(ci * _CHUNK, _CHUNK)]], crow, bsem)
        pltpu.async_copy(
            xW_hbm.at[pidx_v.at[pl.ds(ci * _CHUNK, _CHUNK)]], prow, bsem)
        for off in range(0, _NEG_PER_CHUNK, 128):
            ln = min(128, _NEG_PER_CHUNK - off)
            pltpu.async_copy(
                xW_hbm.at[nidx_v.at[pl.ds(ci * _NEG_PER_CHUNK + off, ln)]],
                nrow.at[pl.ds(off, ln)], bsem)

    def drain(b):
        crow, prow, nrow, bsem = bufs[b]
        for dst in (crow, prow, nrow):
            pltpu.make_async_copy(cW_hbm.at[pl.ds(0, dst.shape[0])],
                                  dst, bsem).wait()

    def compute(ci, b):
        crow, prow, nrow, _ = bufs[b]

        def row_body(r, rcarry):
            c_lo = crow[r, pl.ds(0, 16)]
            c_hi = crow[r, pl.ds(16, 16)]
            ncl, nch = -c_lo, -c_hi
            x_lo = prow[r, pl.ds(0, 16)]
            x_hi = prow[r, pl.ds(16, 16)]
            part_v[r // 8, pl.ds((r % 8) * 16, 16)] = c_lo * x_lo + c_hi * x_hi
            for j in range(_NNEG):
                k = r * _NNEG + j
                n_lo = nrow[k, pl.ds(0, 16)]
                n_hi = nrow[k, pl.ds(16, 16)]
                part_v[2 + k // 8, pl.ds((k % 8) * 16, 16)] = (
                    ncl * n_lo + nch * n_hi)
            return rcarry

        lax.fori_loop(0, _CHUNK, row_body, 0)
        pltpu.sync_copy(
            part_v,
            out_hbm.at[pl.ds((wid * _NCHUNK + ci) * _OUT_ROWS_PER_CHUNK,
                             _OUT_ROWS_PER_CHUNK)])

    fire(0, 0)

    def outer_body(h, carry):
        ci0 = 2 * h
        fire(ci0 + 1, 1)
        drain(0)
        compute(ci0, 0)

        @pl.when(ci0 + 2 < _NCHUNK)
        def _():
            fire(ci0 + 2, 0)

        drain(1)
        compute(ci0 + 1, 1)
        return carry

    lax.fori_loop(0, _NCHUNK // 2, outer_body, 0)


_sc_partial = functools.partial(
    pl.kernel,
    mesh=plsc.VectorSubcoreMesh(core_axis_name="c", subcore_axis_name="s"),
    out_type=jax.ShapeDtypeStruct((_OUT_ROWS, 128), jnp.float32),
    scratch_types=[
        pltpu.VMEM((_ROWS_W,), jnp.int32),
        pltpu.VMEM((_ROWS_W,), jnp.int32),
        pltpu.VMEM((_ROWS_W * _NNEG,), jnp.int32),
        pltpu.VMEM((_CHUNK, _D), jnp.float32),
        pltpu.VMEM((_CHUNK, _D), jnp.float32),
        pltpu.VMEM((_NEG_PER_CHUNK, _D), jnp.float32),
        pltpu.VMEM((_CHUNK, _D), jnp.float32),
        pltpu.VMEM((_CHUNK, _D), jnp.float32),
        pltpu.VMEM((_NEG_PER_CHUNK, _D), jnp.float32),
        pltpu.VMEM((_OUT_ROWS_PER_CHUNK, 128), jnp.float32),
        pltpu.SemaphoreType.DMA,
        pltpu.SemaphoreType.DMA,
    ],
    compiler_params=pltpu.CompilerParams(use_tc_tiling_on_sc=False),
)(_sc_partial_body)

_BLK = 7168
_NBLK = _OUT_ROWS // _BLK


def _loss_body(p_ref, o_ref):
    i = pl.program_id(0)
    x = p_ref[...]
    lane = lax.broadcasted_iota(jnp.int32, (128, 8), 0)
    grp = lax.broadcasted_iota(jnp.int32, (128, 8), 1)
    m = jnp.where(lane // 16 == grp, 1.0, 0.0).astype(jnp.float32)
    s = jnp.dot(x, m, preferred_element_type=jnp.float32)
    ls = jnp.minimum(s, 0.0) - jnp.log1p(jnp.exp(-jnp.abs(s)))

    @pl.when(i == 0)
    def _init():
        o_ref[...] = jnp.zeros((1, 1), jnp.float32)

    o_ref[...] += jnp.sum(ls).reshape(1, 1)

    @pl.when(i == _NBLK - 1)
    def _fini():
        o_ref[...] = -o_ref[...] / _B


_loss_call = pl.pallas_call(
    _loss_body,
    grid=(_NBLK,),
    in_specs=[pl.BlockSpec((_BLK, 128), lambda i: (i, 0))],
    out_specs=pl.BlockSpec((1, 1), lambda i: (0, 0)),
    out_shape=jax.ShapeDtypeStruct((1, 1), jnp.float32),
)


def kernel(center, context, negatives, center_W, context_W):
    cidx = center.reshape(_B).astype(jnp.int32)
    pidx = context.reshape(_B).astype(jnp.int32)
    nidx = negatives.reshape(_B * _NNEG).astype(jnp.int32)
    cw4, xw4 = _conv_call(center_W.T, context_W.T)
    part = _sc_partial(cw4.reshape(_VPAD, 32), xw4.reshape(_VPAD, 32),
                       cidx, pidx, nidx)
    return _loss_call(part).reshape(())

# --- scband reference (transcript-rebuilt; emitter-appended) ---
"""Pipeline reference for scband-item2-vec-model-90563680403916 (READ-ONLY COPY).

The authoritative reference and input builder live on the scoring server;
editing this copy changes nothing except your own understanding.
"""

import jax, jax.numpy as jnp
import numpy as np

VOCAB = 1000000
EMBED = 32
BATCH = 16384
N_NEG = 20

def setup_inputs(seed: int = 0) -> dict:
    key = jax.random.key(seed)
    k1, k2, k3, k4, k5 = jax.random.split(key, 5)
    center = jax.random.randint(k1, (BATCH, 1), 0, VOCAB, dtype=jnp.int64 if jax.config.jax_enable_x64 else jnp.int32)
    context = jax.random.randint(k2, (BATCH, 1), 0, VOCAB, dtype=center.dtype)
    negatives = jax.random.randint(k3, (BATCH, N_NEG), 0, VOCAB, dtype=center.dtype)
    # xavier_uniform init for both embedding tables
    bound = float(np.sqrt(6.0 / (VOCAB + EMBED)))
    center_W = jax.random.uniform(k4, (VOCAB, EMBED), minval=-bound, maxval=bound, dtype=jnp.float32)
    context_W = jax.random.uniform(k5, (VOCAB, EMBED), minval=-bound, maxval=bound, dtype=jnp.float32)
    return {"center": center, "context": context, "negatives": negatives, "center_W": center_W, "context_W": context_W}

def reference(center, context, negatives, center_W, context_W):
    # embedding lookups (gather)
    center_emb = jnp.take(center_W, center, axis=0)      # (B, 1, D)
    context_emb = jnp.take(context_W, context, axis=0)   # (B, 1, D)
    neg_emb = jnp.take(context_W, negatives, axis=0)     # (B, N_NEG, D)
    # pos_score: bmm (B,1,D) x (B,D,1) -> (B,1,1) -> squeeze -> (B,)
    pos_score = jnp.squeeze(jnp.einsum('bid,bjd->bij', center_emb, context_emb))
    pos_loss = jax.nn.log_sigmoid(pos_score)             # (B,)
    # neg_score: bmm (B,1,D) x (B,D,N) -> (B,1,N) -> squeeze -> (B,N)
    neg_score = jnp.squeeze(jnp.einsum('bid,bnd->bin', center_emb, neg_emb))
    neg_loss = jnp.sum(jax.nn.log_sigmoid(-neg_score), axis=1)  # (B,)
    loss = -jnp.mean(pos_loss + neg_loss)
    return loss

if __name__ == "__main__":
    import jax
    _d = setup_inputs()
    print(jax.jit(kernel)(*tuple(_d.values())))

</pallas_src>

<mosaic_0001>
#map = affine_map<(d0, d1) -> (0, 0)>
#map1 = affine_map<(d0, d1) -> (0)>
module attributes {stable_mosaic.version = 14 : i64} {
  func.func @_sc_partial_body(%arg0: i32, %arg1: i32, %arg2: memref<1007616x32xf32, #tpu.memory_space<hbm>>, %arg3: memref<1007616x32xf32, #tpu.memory_space<hbm>>, %arg4: memref<16384xi32, #tpu.memory_space<hbm>>, %arg5: memref<16384xi32, #tpu.memory_space<hbm>>, %arg6: memref<327680xi32, #tpu.memory_space<hbm>>, %arg7: memref<43008x128xf32, #tpu.memory_space<hbm>>, %arg8: memref<512xi32, #tpu.memory_space<vmem>>, %arg9: memref<512xi32, #tpu.memory_space<vmem>>, %arg10: memref<10240xi32, #tpu.memory_space<vmem>>, %arg11: memref<16x32xf32, #tpu.memory_space<vmem>>, %arg12: memref<16x32xf32, #tpu.memory_space<vmem>>, %arg13: memref<320x32xf32, #tpu.memory_space<vmem>>, %arg14: memref<16x32xf32, #tpu.memory_space<vmem>>, %arg15: memref<16x32xf32, #tpu.memory_space<vmem>>, %arg16: memref<320x32xf32, #tpu.memory_space<vmem>>, %arg17: memref<42x128xf32, #tpu.memory_space<vmem>>, %arg18: memref<!tpu.dma_semaphore, #tpu.memory_space<semaphore_mem>>, %arg19: memref<!tpu.dma_semaphore, #tpu.memory_space<semaphore_mem>>) attributes {dimension_semantics = [#tpu.dimension_semantics<core_parallel>, #tpu.dimension_semantics<subcore_parallel>], iteration_bounds = array<i64: 2, 16>, scalar_prefetch = 0 : i64, scratch_operands = 12 : i64, tpu.core_type = #tpu.core_type<sc_vector_subcore>, window_params = [{transform_indices = #map}, {transform_indices = #map}, {transform_indices = #map1}, {transform_indices = #map1}, {transform_indices = #map1}, {transform_indices = #map}]} {
    %mul3A = arith.constant 2 : i32
    %mul3A_0 = arith.muli %arg1, %mul3A : i32
    %add3A = arith.addi %mul3A_0, %arg0 : i32
    %mul3A_1 = arith.constant 512 : i32
    %mul3A_2 = arith.muli %add3A, %mul3A_1 : i32
    "tpu.region"() ({
      %run_scoped3A = tpu.sem_alloc : memref<!tpu.dma_semaphore, #tpu.memory_space<semaphore_mem>>
      %dma_start3A_61 = tpu.memref_slice %arg4[%mul3A_2] : memref<16384xi32, #tpu.memory_space<hbm>> -> memref<512xi32, #tpu.memory_space<hbm>>
      %dma_start3A_62 = tpu.memref_slice %arg4[%mul3A_2] : memref<16384xi32, #tpu.memory_space<hbm>> -> memref<512xi32, #tpu.memory_space<hbm>>
      tpu.enqueue_dma source(%dma_start3A_62 : memref<512xi32, #tpu.memory_space<hbm>>) target(%arg8 : memref<512xi32, #tpu.memory_space<vmem>>) target_semaphore(%run_scoped3A : memref<!tpu.dma_semaphore, #tpu.memory_space<semaphore_mem>>)
      %dma_wait3A = tpu.memref_slice %arg4[%mul3A_2] : memref<16384xi32, #tpu.memory_space<hbm>> -> memref<512xi32, #tpu.memory_space<hbm>>
      %dma_wait3A_63 = tpu.memref_slice %arg4[%mul3A_2] : memref<16384xi32, #tpu.memory_space<hbm>> -> memref<512xi32, #tpu.memory_space<hbm>>
      tpu.wait_dma2 semaphore(%run_scoped3A : memref<!tpu.dma_semaphore, #tpu.memory_space<semaphore_mem>>) src(%dma_wait3A_63 : memref<512xi32, #tpu.memory_space<hbm>>) dst(%arg8 : memref<512xi32, #tpu.memory_space<vmem>>)
      tpu.yield
    }) : () -> ()
    "tpu.region"() ({
      %run_scoped3A = tpu.sem_alloc : memref<!tpu.dma_semaphore, #tpu.memory_space<semaphore_mem>>
      %dma_start3A_61 = tpu.memref_slice %arg5[%mul3A_2] : memref<16384xi32, #tpu.memory_space<hbm>> -> memref<512xi32, #tpu.memory_space<hbm>>
      %dma_start3A_62 = tpu.memref_slice %arg5[%mul3A_2] : memref<16384xi32, #tpu.memory_space<hbm>> -> memref<512xi32, #tpu.memory_space<hbm>>
      tpu.enqueue_dma source(%dma_start3A_62 : memref<512xi32, #tpu.memory_space<hbm>>) target(%arg9 : memref<512xi32, #tpu.memory_space<vmem>>) target_semaphore(%run_scoped3A : memref<!tpu.dma_semaphore, #tpu.memory_space<semaphore_mem>>)
      %dma_wait3A = tpu.memref_slice %arg5[%mul3A_2] : memref<16384xi32, #tpu.memory_space<hbm>> -> memref<512xi32, #tpu.memory_space<hbm>>
      %dma_wait3A_63 = tpu.memref_slice %arg5[%mul3A_2] : memref<16384xi32, #tpu.memory_space<hbm>> -> memref<512xi32, #tpu.memory_space<hbm>>
      tpu.wait_dma2 semaphore(%run_scoped3A : memref<!tpu.dma_semaphore, #tpu.memory_space<semaphore_mem>>) src(%dma_wait3A_63 : memref<512xi32, #tpu.memory_space<hbm>>) dst(%arg9 : memref<512xi32, #tpu.memory_space<vmem>>)
      tpu.yield
    }) : () -> ()
    %mul3A_3 = arith.constant 20 : i32
    %mul3A_4 = arith.muli %mul3A_2, %mul3A_3 : i32
    "tpu.region"() ({
      %run_scoped3A = tpu.sem_alloc : memref<!tpu.dma_semaphore, #tpu.memory_space<semaphore_mem>>
      %dma_start3A_61 = tpu.memref_slice %arg6[%mul3A_4] : memref<327680xi32, #tpu.memory_space<hbm>> -> memref<10240xi32, #tpu.memory_space<hbm>>
      %dma_start3A_62 = tpu.memref_slice %arg6[%mul3A_4] : memref<327680xi32, #tpu.memory_space<hbm>> -> memref<10240xi32, #tpu.memory_space<hbm>>
      tpu.enqueue_dma source(%dma_start3A_62 : memref<10240xi32, #tpu.memory_space<hbm>>) target(%arg10 : memref<10240xi32, #tpu.memory_space<vmem>>) target_semaphore(%run_scoped3A : memref<!tpu.dma_semaphore, #tpu.memory_space<semaphore_mem>>)
      %dma_wait3A = tpu.memref_slice %arg6[%mul3A_4] : memref<327680xi32, #tpu.memory_space<hbm>> -> memref<10240xi32, #tpu.memory_space<hbm>>
      %dma_wait3A_63 = tpu.memref_slice %arg6[%mul3A_4] : memref<327680xi32, #tpu.memory_space<hbm>> -> memref<10240xi32, #tpu.memory_space<hbm>>
      tpu.wait_dma2 semaphore(%run_scoped3A : memref<!tpu.dma_semaphore, #tpu.memory_space<semaphore_mem>>) src(%dma_wait3A_63 : memref<10240xi32, #tpu.memory_space<hbm>>) dst(%arg10 : memref<10240xi32, #tpu.memory_space<vmem>>)
      tpu.yield
    }) : () -> ()
    %scan3A = arith.constant 0 : i32
    %scan3A_5 = arith.constant 0 : i32
    %scan3A_6 = arith.constant 32 : i32
    %scan3A_7 = arith.addi %scan3A_5, %scan3A_6 : i32
    %scan3A_8 = arith.constant 1 : i32
    scf.for %scan3A_61 = %scan3A_5 to %scan3A_7 step %scan3A_8  : i32 {
      %mul3A_62 = arith.constant 16 : i32
      %mul3A_63 = arith.muli %scan3A_61, %mul3A_62 : i32
      %get3A = arith.index_cast %mul3A_63 : i32 to index
      %get3A_64 = tpu.vector_load %arg8[%get3A] {strides = array<i32>} : memref<512xi32, #tpu.memory_space<vmem>>, vector<16xi32>,
      %get3A_65 = vector.shape_cast %get3A_64 : vector<16xi32> to vector<16xi32>
      %and3A = arith.constant 8191 : i32
      %and3A_66 = vector.broadcast %and3A : i32 to vector<16xi32>
      %and3A_67 = arith.andi %get3A_65, %and3A_66 : vector<16xi32>
      %and3A_68 = arith.constant 2047 : i32
      %and3A_69 = vector.broadcast %and3A_68 : i32 to vector<16xi32>
      %and3A_70 = arith.andi %and3A_67, %and3A_69 : vector<16xi32>
      %shift_right_arithmetic3A = arith.constant 11 : i32
      %shift_right_arithmetic3A_71 = vector.broadcast %shift_right_arithmetic3A : i32 to vector<16xi32>
      %shift_right_arithmetic3A_72 = arith.shrsi %and3A_67, %shift_right_arithmetic3A_71 : vector<16xi32>
      %sub3A = arith.subi %get3A_65, %and3A_67 : vector<16xi32>
      %shift_left3A = arith.constant 2 : i32
      %shift_left3A_73 = vector.broadcast %shift_left3A : i32 to vector<16xi32>
      %shift_left3A_74 = arith.shli %and3A_70, %shift_left3A_73 : vector<16xi32>
      %add3A_75 = arith.addi %sub3A, %shift_left3A_74 : vector<16xi32>
      %add3A_76 = arith.addi %add3A_75, %shift_right_arithmetic3A_72 : vector<16xi32>
      %mul3A_77 = arith.constant 16 : i32
      %mul3A_78 = arith.muli %scan3A_61, %mul3A_77 : i32
      %swap3A = arith.index_cast %mul3A_78 : i32 to index
      %swap3A_79 = tpu.vector_load %arg8[%swap3A] {strides = array<i32>} : memref<512xi32, #tpu.memory_space<vmem>>, vector<16xi32>,
      %swap3A_80 = vector.shape_cast %swap3A_79 : vector<16xi32> to vector<16xi32>
      %swap3A_81 = vector.shape_cast %add3A_76 : vector<16xi32> to vector<16xi32>
      tpu.vector_store %arg8[%swap3A], %swap3A_81 {strides = array<i32>} : memref<512xi32, #tpu.memory_space<vmem>>, vector<16xi32>,
    }
    %scan3A_9 = arith.constant 32 : i32
    %scan3A_10 = arith.constant 0 : i32
    %scan3A_11 = arith.constant 0 : i32
    %scan3A_12 = arith.constant 32 : i32
    %scan3A_13 = arith.addi %scan3A_11, %scan3A_12 : i32
    %scan3A_14 = arith.constant 1 : i32
    scf.for %scan3A_61 = %scan3A_11 to %scan3A_13 step %scan3A_14  : i32 {
      %mul3A_62 = arith.constant 16 : i32
      %mul3A_63 = arith.muli %scan3A_61, %mul3A_62 : i32
      %get3A = arith.index_cast %mul3A_63 : i32 to index
      %get3A_64 = tpu.vector_load %arg9[%get3A] {strides = array<i32>} : memref<512xi32, #tpu.memory_space<vmem>>, vector<16xi32>,
      %get3A_65 = vector.shape_cast %get3A_64 : vector<16xi32> to vector<16xi32>
      %and3A = arith.constant 8191 : i32
      %and3A_66 = vector.broadcast %and3A : i32 to vector<16xi32>
      %and3A_67 = arith.andi %get3A_65, %and3A_66 : vector<16xi32>
      %and3A_68 = arith.constant 2047 : i32
      %and3A_69 = vector.broadcast %and3A_68 : i32 to vector<16xi32>
      %and3A_70 = arith.andi %and3A_67, %and3A_69 : vector<16xi32>
      %shift_right_arithmetic3A = arith.constant 11 : i32
      %shift_right_arithmetic3A_71 = vector.broadcast %shift_right_arithmetic3A : i32 to vector<16xi32>
      %shift_right_arithmetic3A_72 = arith.shrsi %and3A_67, %shift_right_arithmetic3A_71 : vector<16xi32>
      %sub3A = arith.subi %get3A_65, %and3A_67 : vector<16xi32>
      %shift_left3A = arith.constant 2 : i32
      %shift_left3A_73 = vector.broadcast %shift_left3A : i32 to vector<16xi32>
      %shift_left3A_74 = arith.shli %and3A_70, %shift_left3A_73 : vector<16xi32>
      %add3A_75 = arith.addi %sub3A, %shift_left3A_74 : vector<16xi32>
      %add3A_76 = arith.addi %add3A_75, %shift_right_arithmetic3A_72 : vector<16xi32>
      %mul3A_77 = arith.constant 16 : i32
      %mul3A_78 = arith.muli %scan3A_61, %mul3A_77 : i32
      %swap3A = arith.index_cast %mul3A_78 : i32 to index
      %swap3A_79 = tpu.vector_load %arg9[%swap3A] {strides = array<i32>} : memref<512xi32, #tpu.memory_space<vmem>>, vector<16xi32>,
      %swap3A_80 = vector.shape_cast %swap3A_79 : vector<16xi32> to vector<16xi32>
      %swap3A_81 = vector.shape_cast %add3A_76 : vector<16xi32> to vector<16xi32>
      tpu.vector_store %arg9[%swap3A], %swap3A_81 {strides = array<i32>} : memref<512xi32, #tpu.memory_space<vmem>>, vector<16xi32>,
    }
    %scan3A_15 = arith.constant 32 : i32
    %scan3A_16 = arith.constant 0 : i32
    %scan3A_17 = arith.constant 0 : i32
    %scan3A_18 = arith.constant 640 : i32
    %scan3A_19 = arith.addi %scan3A_17, %scan3A_18 : i32
    %scan3A_20 = arith.constant 1 : i32
    scf.for %scan3A_61 = %scan3A_17 to %scan3A_19 step %scan3A_20  : i32 {
      %mul3A_62 = arith.constant 16 : i32
      %mul3A_63 = arith.muli %scan3A_61, %mul3A_62 : i32
      %get3A = arith.index_cast %mul3A_63 : i32 to index
      %get3A_64 = tpu.vector_load %arg10[%get3A] {strides = array<i32>} : memref<10240xi32, #tpu.memory_space<vmem>>, vector<16xi32>,
      %get3A_65 = vector.shape_cast %get3A_64 : vector<16xi32> to vector<16xi32>
      %and3A = arith.constant 8191 : i32
      %and3A_66 = vector.broadcast %and3A : i32 to vector<16xi32>
      %and3A_67 = arith.andi %get3A_65, %and3A_66 : vector<16xi32>
      %and3A_68 = arith.constant 2047 : i32
      %and3A_69 = vector.broadcast %and3A_68 : i32 to vector<16xi32>
      %and3A_70 = arith.andi %and3A_67, %and3A_69 : vector<16xi32>
      %shift_right_arithmetic3A = arith.constant 11 : i32
      %shift_right_arithmetic3A_71 = vector.broadcast %shift_right_arithmetic3A : i32 to vector<16xi32>
      %shift_right_arithmetic3A_72 = arith.shrsi %and3A_67, %shift_right_arithmetic3A_71 : vector<16xi32>
      %sub3A = arith.subi %get3A_65, %and3A_67 : vector<16xi32>
      %shift_left3A = arith.constant 2 : i32
      %shift_left3A_73 = vector.broadcast %shift_left3A : i32 to vector<16xi32>
      %shift_left3A_74 = arith.shli %and3A_70, %shift_left3A_73 : vector<16xi32>
      %add3A_75 = arith.addi %sub3A, %shift_left3A_74 : vector<16xi32>
      %add3A_76 = arith.addi %add3A_75, %shift_right_arithmetic3A_72 : vector<16xi32>
      %mul3A_77 = arith.constant 16 : i32
      %mul3A_78 = arith.muli %scan3A_61, %mul3A_77 : i32
      %swap3A = arith.index_cast %mul3A_78 : i32 to index
      %swap3A_79 = tpu.vector_load %arg10[%swap3A] {strides = array<i32>} : memref<10240xi32, #tpu.memory_space<vmem>>, vector<16xi32>,
      %swap3A_80 = vector.shape_cast %swap3A_79 : vector<16xi32> to vector<16xi32>
      %swap3A_81 = vector.shape_cast %add3A_76 : vector<16xi32> to vector<16xi32>
      tpu.vector_store %arg10[%swap3A], %swap3A_81 {strides = array<i32>} : memref<10240xi32, #tpu.memory_space<vmem>>, vector<16xi32>,
    }
    %scan3A_21 = arith.constant 640 : i32
    %dma_start3A = arith.constant 0 : i32
    %dma_start3A_22 = tpu.memref_slice %arg8[%dma_start3A] : memref<512xi32, #tpu.memory_space<vmem>> -> memref<16xi32, #tpu.memory_space<vmem>>
    %dma_start3A_23 = arith.constant 0 : i32
    %dma_start3A_24 = arith.constant 0 : i32
    %dma_start3A_25 = tpu.memref_slice %arg2[%dma_start3A_23, %dma_start3A_24] : memref<1007616x32xf32, #tpu.memory_space<hbm>> -> memref<1007616x32xf32, #tpu.memory_space<hbm>>
    tpu.enqueue_indirect_dma source(%dma_start3A_25 : memref<1007616x32xf32, #tpu.memory_space<hbm>>) target(%arg11 : memref<16x32xf32, #tpu.memory_space<vmem>>) offsets(%dma_start3A_22 : memref<16xi32, #tpu.memory_space<vmem>>) semaphore(%arg18 : memref<!tpu.dma_semaphore, #tpu.memory_space<semaphore_mem>>)
    %dma_start3A_26 = arith.constant 0 : i32
    %dma_start3A_27 = tpu.memref_slice %arg9[%dma_start3A_26] : memref<512xi32, #tpu.memory_space<vmem>> -> memref<16xi32, #tpu.memory_space<vmem>>
    %dma_start3A_28 = arith.constant 0 : i32
    %dma_start3A_29 = arith.constant 0 : i32
    %dma_start3A_30 = tpu.memref_slice %arg3[%dma_start3A_28, %dma_start3A_29] : memref<1007616x32xf32, #tpu.memory_space<hbm>> -> memref<1007616x32xf32, #tpu.memory_space<hbm>>
    tpu.enqueue_indirect_dma source(%dma_start3A_30 : memref<1007616x32xf32, #tpu.memory_space<hbm>>) target(%arg12 : memref<16x32xf32, #tpu.memory_space<vmem>>) offsets(%dma_start3A_27 : memref<16xi32, #tpu.memory_space<vmem>>) semaphore(%arg18 : memref<!tpu.dma_semaphore, #tpu.memory_space<semaphore_mem>>)
    %dma_start3A_31 = arith.constant 0 : i32
    %dma_start3A_32 = arith.constant 0 : i32
    %dma_start3A_33 = tpu.memref_slice %arg13[%dma_start3A_31, %dma_start3A_32] : memref<320x32xf32, #tpu.memory_space<vmem>> -> memref<128x32xf32, #tpu.memory_space<vmem>>
    %dma_start3A_34 = arith.constant 0 : i32
    %dma_start3A_35 = tpu.memref_slice %arg10[%dma_start3A_34] : memref<10240xi32, #tpu.memory_space<vmem>> -> memref<128xi32, #tpu.memory_space<vmem>>
    %dma_start3A_36 = arith.constant 0 : i32
    %dma_start3A_37 = arith.constant 0 : i32
    %dma_start3A_38 = tpu.memref_slice %arg3[%dma_start3A_36, %dma_start3A_37] : memref<1007616x32xf32, #tpu.memory_space<hbm>> -> memref<1007616x32xf32, #tpu.memory_space<hbm>>
    tpu.enqueue_indirect_dma source(%dma_start3A_38 : memref<1007616x32xf32, #tpu.memory_space<hbm>>) target(%dma_start3A_33 : memref<128x32xf32, #tpu.memory_space<vmem>>) offsets(%dma_start3A_35 : memref<128xi32, #tpu.memory_space<vmem>>) semaphore(%arg18 : memref<!tpu.dma_semaphore, #tpu.memory_space<semaphore_mem>>)
    %dma_start3A_39 = arith.constant 128 : i32
    %dma_start3A_40 = arith.constant 0 : i32
    %dma_start3A_41 = tpu.memref_slice %arg13[%dma_start3A_39, %dma_start3A_40] : memref<320x32xf32, #tpu.memory_space<vmem>> -> memref<128x32xf32, #tpu.memory_space<vmem>>
    %dma_start3A_42 = arith.constant 128 : i32
    %dma_start3A_43 = tpu.memref_slice %arg10[%dma_start3A_42] : memref<10240xi32, #tpu.memory_space<vmem>> -> memref<128xi32, #tpu.memory_space<vmem>>
    %dma_start3A_44 = arith.constant 0 : i32
    %dma_start3A_45 = arith.constant 0 : i32
    %dma_start3A_46 = tpu.memref_slice %arg3[%dma_start3A_44, %dma_start3A_45] : memref<1007616x32xf32, #tpu.memory_space<hbm>> -> memref<1007616x32xf32, #tpu.memory_space<hbm>>
    tpu.enqueue_indirect_dma source(%dma_start3A_46 : memref<1007616x32xf32, #tpu.memory_space<hbm>>) target(%dma_start3A_41 : memref<128x32xf32, #tpu.memory_space<vmem>>) offsets(%dma_start3A_43 : memref<128xi32, #tpu.memory_space<vmem>>) semaphore(%arg18 : memref<!tpu.dma_semaphore, #tpu.memory_space<semaphore_mem>>)
    %dma_start3A_47 = arith.constant 256 : i32
    %dma_start3A_48 = arith.constant 0 : i32
    %dma_start3A_49 = tpu.memref_slice %arg13[%dma_start3A_47, %dma_start3A_48] : memref<320x32xf32, #tpu.memory_space<vmem>> -> memref<64x32xf32, #tpu.memory_space<vmem>>
    %dma_start3A_50 = arith.constant 256 : i32
    %dma_start3A_51 = tpu.memref_slice %arg10[%dma_start3A_50] : memref<10240xi32, #tpu.memory_space<vmem>> -> memref<64xi32, #tpu.memory_space<vmem>>
    %dma_start3A_52 = arith.constant 0 : i32
    %dma_start3A_53 = arith.constant 0 : i32
    %dma_start3A_54 = tpu.memref_slice %arg3[%dma_start3A_52, %dma_start3A_53] : memref<1007616x32xf32, #tpu.memory_space<hbm>> -> memref<1007616x32xf32, #tpu.memory_space<hbm>>
    tpu.enqueue_indirect_dma source(%dma_start3A_54 : memref<1007616x32xf32, #tpu.memory_space<hbm>>) target(%dma_start3A_49 : memref<64x32xf32, #tpu.memory_space<vmem>>) offsets(%dma_start3A_51 : memref<64xi32, #tpu.memory_space<vmem>>) semaphore(%arg18 : memref<!tpu.dma_semaphore, #tpu.memory_space<semaphore_mem>>)
    %scan3A_55 = arith.constant 0 : i32
    %scan3A_56 = arith.constant 0 : i32
    %scan3A_57 = arith.constant 16 : i32
    %scan3A_58 = arith.addi %scan3A_56, %scan3A_57 : i32
    %scan3A_59 = arith.constant 1 : i32
    scf.for %scan3A_61 = %scan3A_56 to %scan3A_58 step %scan3A_59  : i32 {
      %mul3A_62 = arith.constant 2 : i32
      %mul3A_63 = arith.muli %mul3A_62, %scan3A_61 : i32
      %add3A_64 = arith.constant 1 : i32
      %add3A_65 = arith.addi %mul3A_63, %add3A_64 : i32
      %mul3A_66 = arith.constant 16 : i32
      %mul3A_67 = arith.muli %add3A_65, %mul3A_66 : i32
      %dma_start3A_68 = tpu.memref_slice %arg8[%mul3A_67] : memref<512xi32, #tpu.memory_space<vmem>> -> memref<16xi32, #tpu.memory_space<vmem>>
      %dma_start3A_69 = arith.constant 0 : i32
      %dma_start3A_70 = arith.constant 0 : i32
      %dma_start3A_71 = tpu.memref_slice %arg2[%dma_start3A_69, %dma_start3A_70] : memref<1007616x32xf32, #tpu.memory_space<hbm>> -> memref<1007616x32xf32, #tpu.memory_space<hbm>>
      tpu.enqueue_indirect_dma source(%dma_start3A_71 : memref<1007616x32xf32, #tpu.memory_space<hbm>>) target(%arg14 : memref<16x32xf32, #tpu.memory_space<vmem>>) offsets(%dma_start3A_68 : memref<16xi32, #tpu.memory_space<vmem>>) semaphore(%arg19 : memref<!tpu.dma_semaphore, #tpu.memory_space<semaphore_mem>>)
      %mul3A_72 = arith.constant 16 : i32
      %mul3A_73 = arith.muli %add3A_65, %mul3A_72 : i32
      %dma_start3A_74 = tpu.memref_slice %arg9[%mul3A_73] : memref<512xi32, #tpu.memory_space<vmem>> -> memref<16xi32, #tpu.memory_space<vmem>>
      %dma_start3A_75 = arith.constant 0 : i32
      %dma_start3A_76 = arith.constant 0 : i32
      %dma_start3A_77 = tpu.memref_slice %arg3[%dma_start3A_75, %dma_start3A_76] : memref<1007616x32xf32, #tpu.memory_space<hbm>> -> memref<1007616x32xf32, #tpu.memory_space<hbm>>
      tpu.enqueue_indirect_dma source(%dma_start3A_77 : memref<1007616x32xf32, #tpu.memory_space<hbm>>) target(%arg15 : memref<16x32xf32, #tpu.memory_space<vmem>>) offsets(%dma_start3A_74 : memref<16xi32, #tpu.memory_space<vmem>>) semaphore(%arg19 : memref<!tpu.dma_semaphore, #tpu.memory_space<semaphore_mem>>)
      %mul3A_78 = arith.constant 320 : i32
      %mul3A_79 = arith.muli %add3A_65, %mul3A_78 : i32
      %add3A_80 = arith.constant 0 : i32
      %add3A_81 = arith.addi %mul3A_79, %add3A_80 : i32
      %dma_start3A_82 = arith.constant 0 : i32
      %dma_start3A_83 = arith.constant 0 : i32
      %dma_start3A_84 = tpu.memref_slice %arg16[%dma_start3A_82, %dma_start3A_83] : memref<320x32xf32, #tpu.memory_space<vmem>> -> memref<128x32xf32, #tpu.memory_space<vmem>>
      %dma_start3A_85 = tpu.memref_slice %arg10[%add3A_81] : memref<10240xi32, #tpu.memory_space<vmem>> -> memref<128xi32, #tpu.memory_space<vmem>>
      %dma_start3A_86 = arith.constant 0 : i32
      %dma_start3A_87 = arith.constant 0 : i32
      %dma_start3A_88 = tpu.memref_slice %arg3[%dma_start3A_86, %dma_start3A_87] : memref<1007616x32xf32, #tpu.memory_space<hbm>> -> memref<1007616x32xf32, #tpu.memory_space<hbm>>
      tpu.enqueue_indirect_dma source(%dma_start3A_88 : memref<1007616x32xf32, #tpu.memory_space<hbm>>) target(%dma_start3A_84 : memref<128x32xf32, #tpu.memory_space<vmem>>) offsets(%dma_start3A_85 : memref<128xi32, #tpu.memory_space<vmem>>) semaphore(%arg19 : memref<!tpu.dma_semaphore, #tpu.memory_space<semaphore_mem>>)
      %mul3A_89 = arith.constant 320 : i32
      %mul3A_90 = arith.muli %add3A_65, %mul3A_89 : i32
      %add3A_91 = arith.constant 128 : i32
      %add3A_92 = arith.addi %mul3A_90, %add3A_91 : i32
      %dma_start3A_93 = arith.constant 128 : i32
      %dma_start3A_94 = arith.constant 0 : i32
      %dma_start3A_95 = tpu.memref_slice %arg16[%dma_start3A_93, %dma_start3A_94] : memref<320x32xf32, #tpu.memory_space<vmem>> -> memref<128x32xf32, #tpu.memory_space<vmem>>
      %dma_start3A_96 = tpu.memref_slice %arg10[%add3A_92] : memref<10240xi32, #tpu.memory_space<vmem>> -> memref<128xi32, #tpu.memory_space<vmem>>
      %dma_start3A_97 = arith.constant 0 : i32
      %dma_start3A_98 = arith.constant 0 : i32
      %dma_start3A_99 = tpu.memref_slice %arg3[%dma_start3A_97, %dma_start3A_98] : memref<1007616x32xf32, #tpu.memory_space<hbm>> -> memref<1007616x32xf32, #tpu.memory_space<hbm>>
      tpu.enqueue_indirect_dma source(%dma_start3A_99 : memref<1007616x32xf32, #tpu.memory_space<hbm>>) target(%dma_start3A_95 : memref<128x32xf32, #tpu.memory_space<vmem>>) offsets(%dma_start3A_96 : memref<128xi32, #tpu.memory_space<vmem>>) semaphore(%arg19 : memref<!tpu.dma_semaphore, #tpu.memory_space<semaphore_mem>>)
      %mul3A_100 = arith.constant 320 : i32
      %mul3A_101 = arith.muli %add3A_65, %mul3A_100 : i32
      %add3A_102 = arith.constant 256 : i32
      %add3A_103 = arith.addi %mul3A_101, %add3A_102 : i32
      %dma_start3A_104 = arith.constant 256 : i32
      %dma_start3A_105 = arith.constant 0 : i32
      %dma_start3A_106 = tpu.memref_slice %arg16[%dma_start3A_104, %dma_start3A_105] : memref<320x32xf32, #tpu.memory_space<vmem>> -> memref<64x32xf32, #tpu.memory_space<vmem>>
      %dma_start3A_107 = tpu.memref_slice %arg10[%add3A_103] : memref<10240xi32, #tpu.memory_space<vmem>> -> memref<64xi32, #tpu.memory_space<vmem>>
      %dma_start3A_108 = arith.constant 0 : i32
      %dma_start3A_109 = arith.constant 0 : i32
      %dma_start3A_110 = tpu.memref_slice %arg3[%dma_start3A_108, %dma_start3A_109] : memref<1007616x32xf32, #tpu.memory_space<hbm>> -> memref<1007616x32xf32, #tpu.memory_space<hbm>>
      tpu.enqueue_indirect_dma source(%dma_start3A_110 : memref<1007616x32xf32, #tpu.memory_space<hbm>>) target(%dma_start3A_106 : memref<64x32xf32, #tpu.memory_space<vmem>>) offsets(%dma_start3A_107 : memref<64xi32, #tpu.memory_space<vmem>>) semaphore(%arg19 : memref<!tpu.dma_semaphore, #tpu.memory_space<semaphore_mem>>)
      %dma_wait3A = arith.constant 0 : i32
      %dma_wait3A_111 = arith.constant 0 : i32
      %dma_wait3A_112 = tpu.memref_slice %arg2[%dma_wait3A, %dma_wait3A_111] : memref<1007616x32xf32, #tpu.memory_space<hbm>> -> memref<16x32xf32, #tpu.memory_space<hbm>>
      %dma_wait3A_113 = arith.constant 0 : i32
      %dma_wait3A_114 = arith.constant 0 : i32
      %dma_wait3A_115 = tpu.memref_slice %arg2[%dma_wait3A_113, %dma_wait3A_114] : memref<1007616x32xf32, #tpu.memory_space<hbm>> -> memref<16x32xf32, #tpu.memory_space<hbm>>
      tpu.wait_dma2 semaphore(%arg18 : memref<!tpu.dma_semaphore, #tpu.memory_space<semaphore_mem>>) src(%dma_wait3A_115 : memref<16x32xf32, #tpu.memory_space<hbm>>) dst(%arg11 : memref<16x32xf32, #tpu.memory_space<vmem>>)
      %dma_wait3A_116 = arith.constant 0 : i32
      %dma_wait3A_117 = arith.constant 0 : i32
      %dma_wait3A_118 = tpu.memref_slice %arg2[%dma_wait3A_116, %dma_wait3A_117] : memref<1007616x32xf32, #tpu.memory_space<hbm>> -> memref<16x32xf32, #tpu.memory_space<hbm>>
      %dma_wait3A_119 = arith.constant 0 : i32
      %dma_wait3A_120 = arith.constant 0 : i32
      %dma_wait3A_121 = tpu.memref_slice %arg2[%dma_wait3A_119, %dma_wait3A_120] : memref<1007616x32xf32, #tpu.memory_space<hbm>> -> memref<16x32xf32, #tpu.memory_space<hbm>>
      tpu.wait_dma2 semaphore(%arg18 : memref<!tpu.dma_semaphore, #tpu.memory_space<semaphore_mem>>) src(%dma_wait3A_121 : memref<16x32xf32, #tpu.memory_space<hbm>>) dst(%arg12 : memref<16x32xf32, #tpu.memory_space<vmem>>)
      %dma_wait3A_122 = arith.constant 0 : i32
      %dma_wait3A_123 = arith.constant 0 : i32
      %dma_wait3A_124 = tpu.memref_slice %arg2[%dma_wait3A_122, %dma_wait3A_123] : memref<1007616x32xf32, #tpu.memory_space<hbm>> -> memref<320x32xf32, #tpu.memory_space<hbm>>
      %dma_wait3A_125 = arith.constant 0 : i32
      %dma_wait3A_126 = arith.constant 0 : i32
      %dma_wait3A_127 = tpu.memref_slice %arg2[%dma_wait3A_125, %dma_wait3A_126] : memref<1007616x32xf32, #tpu.memory_space<hbm>> -> memref<320x32xf32, #tpu.memory_space<hbm>>
      tpu.wait_dma2 semaphore(%arg18 : memref<!tpu.dma_semaphore, #tpu.memory_space<semaphore_mem>>) src(%dma_wait3A_127 : memref<320x32xf32, #tpu.memory_space<hbm>>) dst(%arg13 : memref<320x32xf32, #tpu.memory_space<vmem>>)
      %scan3A_128 = arith.constant 0 : i32
      %scan3A_129 = arith.constant 0 : i32
      %scan3A_130 = arith.constant 16 : i32
      %scan3A_131 = arith.addi %scan3A_129, %scan3A_130 : i32
      %scan3A_132 = arith.constant 1 : i32
      scf.for %scan3A_174 = %scan3A_129 to %scan3A_131 step %scan3A_132  : i32 {
        %get3A = arith.index_cast %scan3A_174 : i32 to index
        %get3A_175 = arith.constant 0 : index
        %get3A_176 = tpu.vector_load %arg11[%get3A, %get3A_175] {strides = array<i32>} : memref<16x32xf32, #tpu.memory_space<vmem>>, vector<1x16xf32>,
        %get3A_177 = vector.shape_cast %get3A_176 : vector<1x16xf32> to vector<16xf32>
        %get3A_178 = arith.index_cast %scan3A_174 : i32 to index
        %get3A_179 = arith.constant 16 : index
        %get3A_180 = tpu.vector_load %arg11[%get3A_178, %get3A_179] {strides = array<i32>} : memref<16x32xf32, #tpu.memory_space<vmem>>, vector<1x16xf32>,
        %get3A_181 = vector.shape_cast %get3A_180 : vector<1x16xf32> to vector<16xf32>
        %neg3A = arith.constant 0.000000e+00 : f32
        %neg3A_182 = vector.broadcast %neg3A : f32 to vector<16xf32>
        %neg3A_183 = arith.subf %neg3A_182, %get3A_177 : vector<16xf32>
        %neg3A_184 = arith.constant 0.000000e+00 : f32
        %neg3A_185 = vector.broadcast %neg3A_184 : f32 to vector<16xf32>
        %neg3A_186 = arith.subf %neg3A_185, %get3A_181 : vector<16xf32>
        %get3A_187 = arith.index_cast %scan3A_174 : i32 to index
        %get3A_188 = arith.constant 0 : index
        %get3A_189 = tpu.vector_load %arg12[%get3A_187, %get3A_188] {strides = array<i32>} : memref<16x32xf32, #tpu.memory_space<vmem>>, vector<1x16xf32>,
        %get3A_190 = vector.shape_cast %get3A_189 : vector<1x16xf32> to vector<16xf32>
        %get3A_191 = arith.index_cast %scan3A_174 : i32 to index
        %get3A_192 = arith.constant 16 : index
        %get3A_193 = tpu.vector_load %arg12[%get3A_191, %get3A_192] {strides = array<i32>} : memref<16x32xf32, #tpu.memory_space<vmem>>, vector<1x16xf32>,
        %get3A_194 = vector.shape_cast %get3A_193 : vector<1x16xf32> to vector<16xf32>
        %mul3A_195 = arith.mulf %get3A_177, %get3A_190 : vector<16xf32>
        %mul3A_196 = arith.mulf %get3A_181, %get3A_194 : vector<16xf32>
        %add3A_197 = arith.addf %mul3A_195, %mul3A_196 : vector<16xf32>
        %jit3A = arith.constant 8 : i32
        %div3A = arith.divsi %scan3A_174, %jit3A : i32
        %sign3A = arith.constant 0 : i32
        %sign3A_198 = arith.cmpi sgt, %scan3A_174, %sign3A : i32
        %sign3A_199 = arith.extui %sign3A_198 : i1 to i32
        %sign3A_200 = arith.constant 0 : i32
        %sign3A_201 = arith.cmpi slt, %scan3A_174, %sign3A_200 : i32
        %sign3A_202 = arith.extui %sign3A_201 : i1 to i32
        %sign3A_203 = arith.subi %sign3A_199, %sign3A_202 : i32
        %sign3A_204 = arith.constant 0 : i32
        %sign3A_205 = arith.cmpi sgt, %jit3A, %sign3A_204 : i32
        %sign3A_206 = arith.extui %sign3A_205 : i1 to i32
        %sign3A_207 = arith.constant 0 : i32
        %sign3A_208 = arith.cmpi slt, %jit3A, %sign3A_207 : i32
        %sign3A_209 = arith.extui %sign3A_208 : i1 to i32
        %sign3A_210 = arith.subi %sign3A_206, %sign3A_209 : i32
        %ne3A = arith.cmpi ne, %sign3A_203, %sign3A_210 : i32
        %rem3A = arith.remsi %scan3A_174, %jit3A : i32
        %ne3A_211 = arith.constant 0 : i32
        %ne3A_212 = arith.cmpi ne, %rem3A, %ne3A_211 : i32
        %and3A = arith.andi %ne3A, %ne3A_212 : i1
        %sub3A = arith.constant 1 : i32
        %sub3A_213 = arith.subi %div3A, %sub3A : i32
        %select_n3A = arith.select %and3A, %sub3A_213, %div3A : i32
        %jit3A_214 = arith.constant 8 : i32
        %eq3A = arith.constant 0 : i32
        %eq3A_215 = arith.cmpi eq, %jit3A_214, %eq3A : i32
        %jit3A_216 = arith.constant 1 : i32
        %select_n3A_217 = arith.select %eq3A_215, %jit3A_216, %jit3A_214 : i32
        %rem3A_218 = arith.remsi %scan3A_174, %select_n3A_217 : i32
        %ne3A_219 = arith.constant 0 : i32
        %ne3A_220 = arith.cmpi ne, %rem3A_218, %ne3A_219 : i32
        %lt3A_221 = arith.constant 0 : i32
        %lt3A_222 = arith.cmpi slt, %rem3A_218, %lt3A_221 : i32
        %lt3A_223 = arith.constant 0 : i32
        %lt3A_224 = arith.cmpi slt, %select_n3A_217, %lt3A_223 : i32
        %ne3A_225 = arith.xori %lt3A_222, %lt3A_224 : i1
        %and3A_226 = arith.andi %ne3A_225, %ne3A_220 : i1
        %add3A_227 = arith.addi %rem3A_218, %select_n3A_217 : i32
        %select_n3A_228 = arith.select %and3A_226, %add3A_227, %rem3A_218 : i32
        %mul3A_229 = arith.constant 16 : i32
        %mul3A_230 = arith.muli %select_n3A_228, %mul3A_229 : i32
        %swap3A = arith.index_cast %select_n3A : i32 to index
        %swap3A_231 = arith.index_cast %mul3A_230 : i32 to index
        %swap3A_232 = tpu.vector_load %arg17[%swap3A, %swap3A_231] {strides = array<i32>} : memref<42x128xf32, #tpu.memory_space<vmem>>, vector<1x16xf32>,
        %swap3A_233 = vector.shape_cast %swap3A_232 : vector<1x16xf32> to vector<16xf32>
        %swap3A_234 = vector.shape_cast %add3A_197 : vector<16xf32> to vector<1x16xf32>
        tpu.vector_store %arg17[%swap3A, %swap3A_231], %swap3A_234 {strides = array<i32>} : memref<42x128xf32, #tpu.memory_space<vmem>>, vector<1x16xf32>,
        %mul3A_235 = arith.constant 20 : i32
        %mul3A_236 = arith.muli %scan3A_174, %mul3A_235 : i32
        %add3A_237 = arith.constant 0 : i32
        %add3A_238 = arith.addi %mul3A_236, %add3A_237 : i32
        %get3A_239 = arith.index_cast %add3A_238 : i32 to index
        %get3A_240 = arith.constant 0 : index
        %get3A_241 = tpu.vector_load %arg13[%get3A_239, %get3A_240] {strides = array<i32>} : memref<320x32xf32, #tpu.memory_space<vmem>>, vector<1x16xf32>,
        %get3A_242 = vector.shape_cast %get3A_241 : vector<1x16xf32> to vector<16xf32>
        %get3A_243 = arith.index_cast %add3A_238 : i32 to index
        %get3A_244 = arith.constant 16 : index
        %get3A_245 = tpu.vector_load %arg13[%get3A_243, %get3A_244] {strides = array<i32>} : memref<320x32xf32, #tpu.memory_space<vmem>>, vector<1x16xf32>,
        %get3A_246 = vector.shape_cast %get3A_245 : vector<1x16xf32> to vector<16xf32>
        %mul3A_247 = arith.mulf %neg3A_183, %get3A_242 : vector<16xf32>
        %mul3A_248 = arith.mulf %neg3A_186, %get3A_246 : vector<16xf32>
        %add3A_249 = arith.addf %mul3A_247, %mul3A_248 : vector<16xf32>
        %jit3A_250 = arith.constant 8 : i32
        %div3A_251 = arith.divsi %add3A_238, %jit3A_250 : i32
        %sign3A_252 = arith.constant 0 : i32
        %sign3A_253 = arith.cmpi sgt, %add3A_238, %sign3A_252 : i32
        %sign3A_254 = arith.extui %sign3A_253 : i1 to i32
        %sign3A_255 = arith.constant 0 : i32
        %sign3A_256 = arith.cmpi slt, %add3A_238, %sign3A_255 : i32
        %sign3A_257 = arith.extui %sign3A_256 : i1 to i32
        %sign3A_258 = arith.subi %sign3A_254, %sign3A_257 : i32
        %sign3A_259 = arith.constant 0 : i32
        %sign3A_260 = arith.cmpi sgt, %jit3A_250, %sign3A_259 : i32
        %sign3A_261 = arith.extui %sign3A_260 : i1 to i32
        %sign3A_262 = arith.constant 0 : i32
        %sign3A_263 = arith.cmpi slt, %jit3A_250, %sign3A_262 : i32
        %sign3A_264 = arith.extui %sign3A_263 : i1 to i32
        %sign3A_265 = arith.subi %sign3A_261, %sign3A_264 : i32
        %ne3A_266 = arith.cmpi ne, %sign3A_258, %sign3A_265 : i32
        %rem3A_267 = arith.remsi %add3A_238, %jit3A_250 : i32
        %ne3A_268 = arith.constant 0 : i32
        %ne3A_269 = arith.cmpi ne, %rem3A_267, %ne3A_268 : i32
        %and3A_270 = arith.andi %ne3A_266, %ne3A_269 : i1
        %sub3A_271 = arith.constant 1 : i32
        %sub3A_272 = arith.subi %div3A_251, %sub3A_271 : i32
        %select_n3A_273 = arith.select %and3A_270, %sub3A_272, %div3A_251 : i32
        %add3A_274 = arith.constant 2 : i32
        %add3A_275 = arith.addi %add3A_274, %select_n3A_273 : i32
        %jit3A_276 = arith.constant 8 : i32
        %eq3A_277 = arith.constant 0 : i32
        %eq3A_278 = arith.cmpi eq, %jit3A_276, %eq3A_277 : i32
        %jit3A_279 = arith.constant 1 : i32
        %select_n3A_280 = arith.select %eq3A_278, %jit3A_279, %jit3A_276 : i32
        %rem3A_281 = arith.remsi %add3A_238, %select_n3A_280 : i32
        %ne3A_282 = arith.constant 0 : i32
        %ne3A_283 = arith.cmpi ne, %rem3A_281, %ne3A_282 : i32
        %lt3A_284 = arith.constant 0 : i32
        %lt3A_285 = arith.cmpi slt, %rem3A_281, %lt3A_284 : i32
        %lt3A_286 = arith.constant 0 : i32
        %lt3A_287 = arith.cmpi slt, %select_n3A_280, %lt3A_286 : i32
        %ne3A_288 = arith.xori %lt3A_285, %lt3A_287 : i1
        %and3A_289 = arith.andi %ne3A_288, %ne3A_283 : i1
        %add3A_290 = arith.addi %rem3A_281, %select_n3A_280 : i32
        %select_n3A_291 = arith.select %and3A_289, %add3A_290, %rem3A_281 : i32
        %mul3A_292 = arith.constant 16 : i32
        %mul3A_293 = arith.muli %select_n3A_291, %mul3A_292 : i32
        %swap3A_294 = arith.index_cast %add3A_275 : i32 to index
        %swap3A_295 = arith.index_cast %mul3A_293 : i32 to index
        %swap3A_296 = tpu.vector_load %arg17[%swap3A_294, %swap3A_295] {strides = array<i32>} : memref<42x128xf32, #tpu.memory_space<vmem>>, vector<1x16xf32>,
        %swap3A_297 = vector.shape_cast %swap3A_296 : vector<1x16xf32> to vector<16xf32>
        %swap3A_298 = vector.shape_cast %add3A_249 : vector<16xf32> to vector<1x16xf32>
        tpu.vector_store %arg17[%swap3A_294, %swap3A_295], %swap3A_298 {strides = array<i32>} : memref<42x128xf32, #tpu.memory_space<vmem>>, vector<1x16xf32>,
        %mul3A_299 = arith.constant 20 : i32
        %mul3A_300 = arith.muli %scan3A_174, %mul3A_299 : i32
        %add3A_301 = arith.constant 1 : i32
        %add3A_302 = arith.addi %mul3A_300, %add3A_301 : i32
        %get3A_303 = arith.index_cast %add3A_302 : i32 to index
        %get3A_304 = arith.constant 0 : index
        %get3A_305 = tpu.vector_load %arg13[%get3A_303, %get3A_304] {strides = array<i32>} : memref<320x32xf32, #tpu.memory_space<vmem>>, vector<1x16xf32>,
        %get3A_306 = vector.shape_cast %get3A_305 : vector<1x16xf32> to vector<16xf32>
        %get3A_307 = arith.index_cast %add3A_302 : i32 to index
        %get3A_308 = arith.constant 16 : index
        %get3A_309 = tpu.vector_load %arg13[%get3A_307, %get3A_308] {strides = array<i32>} : memref<320x32xf32, #tpu.memory_space<vmem>>, vector<1x16xf32>,
        %get3A_310 = vector.shape_cast %get3A_309 : vector<1x16xf32> to vector<16xf32>
        %mul3A_311 = arith.mulf %neg3A_183, %get3A_306 : vector<16xf32>
        %mul3A_312 = arith.mulf %neg3A_186, %get3A_310 : vector<16xf32>
        %add3A_313 = arith.addf %mul3A_311, %mul3A_312 : vector<16xf32>
        %jit3A_314 = arith.constant 8 : i32
        %div3A_315 = arith.divsi %add3A_302, %jit3A_314 : i32
        %sign3A_316 = arith.constant 0 : i32
        %sign3A_317 = arith.cmpi sgt, %add3A_302, %sign3A_316 : i32
        %sign3A_318 = arith.extui %sign3A_317 : i1 to i32
        %sign3A_319 = arith.constant 0 : i32
        %sign3A_320 = arith.cmpi slt, %add3A_302, %sign3A_319 : i32
        %sign3A_321 = arith.extui %sign3A_320 : i1 to i32
        %sign3A_322 = arith.subi %sign3A_318, %sign3A_321 : i32
        %sign3A_323 = arith.constant 0 : i32
        %sign3A_324 = arith.cmpi sgt, %jit3A_314, %sign3A_323 : i32
        %sign3A_325 = arith.extui %sign3A_324 : i1 to i32
        %sign3A_326 = arith.constant 0 : i32
        %sign3A_327 = arith.cmpi slt, %jit3A_314, %sign3A_326 : i32
        %sign3A_328 = arith.extui %sign3A_327 : i1 to i32
        %sign3A_329 = arith.subi %sign3A_325, %sign3A_328 : i32
        %ne3A_330 = arith.cmpi ne, %sign3A_322, %sign3A_329 : i32
        %rem3A_331 = arith.remsi %add3A_302, %jit3A_314 : i32
        %ne3A_332 = arith.constant 0 : i32
        %ne3A_333 = arith.cmpi ne, %rem3A_331, %ne3A_332 : i32
        %and3A_334 = arith.andi %ne3A_330, %ne3A_333 : i1
        %sub3A_335 = arith.constant 1 : i32
        %sub3A_336 = arith.subi %div3A_315, %sub3A_335 : i32
        %select_n3A_337 = arith.select %and3A_334, %sub3A_336, %div3A_315 : i32
        %add3A_338 = arith.constant 2 : i32
        %add3A_339 = arith.addi %add3A_338, %select_n3A_337 : i32
        %jit3A_340 = arith.constant 8 : i32
        %eq3A_341 = arith.constant 0 : i32
        %eq3A_342 = arith.cmpi eq, %jit3A_340, %eq3A_341 : i32
        %jit3A_343 = arith.constant 1 : i32
        %select_n3A_344 = arith.select %eq3A_342, %jit3A_343, %jit3A_340 : i32
        %rem3A_345 = arith.remsi %add3A_302, %select_n3A_344 : i32
        %ne3A_346 = arith.constant 0 : i32
        %ne3A_347 = arith.cmpi ne, %rem3A_345, %ne3A_346 : i32
        %lt3A_348 = arith.constant 0 : i32
        %lt3A_349 = arith.cmpi slt, %rem3A_345, %lt3A_348 : i32
        %lt3A_350 = arith.constant 0 : i32
        %lt3A_351 = arith.cmpi slt, %select_n3A_344, %lt3A_350 : i32
        %ne3A_352 = arith.xori %lt3A_349, %lt3A_351 : i1
        %and3A_353 = arith.andi %ne3A_352, %ne3A_347 : i1
        %add3A_354 = arith.addi %rem3A_345, %select_n3A_344 : i32
        %select_n3A_355 = arith.select %and3A_353, %add3A_354, %rem3A_345 : i32
        %mul3A_356 = arith.constant 16 : i32
        %mul3A_357 = arith.muli %select_n3A_355, %mul3A_356 : i32
        %swap3A_358 = arith.index_cast %add3A_339 : i32 to index
        %swap3A_359 = arith.index_cast %mul3A_357 : i32 to index
        %swap3A_360 = tpu.vector_load %arg17[%swap3A_358, %swap3A_359] {strides = array<i32>} : memref<42x128xf32, #tpu.memory_space<vmem>>, vector<1x16xf32>,
        %swap3A_361 = vector.shape_cast %swap3A_360 : vector<1x16xf32> to vector<16xf32>
        %swap3A_362 = vector.shape_cast %add3A_313 : vector<16xf32> to vector<1x16xf32>
        tpu.vector_store %arg17[%swap3A_358, %swap3A_359], %swap3A_362 {strides = array<i32>} : memref<42x128xf32, #tpu.memory_space<vmem>>, vector<1x16xf32>,
        %mul3A_363 = arith.constant 20 : i32
        %mul3A_364 = arith.muli %scan3A_174, %mul3A_363 : i32
        %add3A_365 = arith.constant 2 : i32
        %add3A_366 = arith.addi %mul3A_364, %add3A_365 : i32
        %get3A_367 = arith.index_cast %add3A_366 : i32 to index
        %get3A_368 = arith.constant 0 : index
        %get3A_369 = tpu.vector_load %arg13[%get3A_367, %get3A_368] {strides = array<i32>} : memref<320x32xf32, #tpu.memory_space<vmem>>, vector<1x16xf32>,
        %get3A_370 = vector.shape_cast %get3A_369 : vector<1x16xf32> to vector<16xf32>
        %get3A_371 = arith.index_cast %add3A_366 : i32 to index
        %get3A_372 = arith.constant 16 : index
        %get3A_373 = tpu.vector_load %arg13[%get3A_371, %get3A_372] {strides = array<i32>} : memref<320x32xf32, #tpu.memory_space<vmem>>, vector<1x16xf32>,
        %get3A_374 = vector.shape_cast %get3A_373 : vector<1x16xf32> to vector<16xf32>
        %mul3A_375 = arith.mulf %neg3A_183, %get3A_370 : vector<16xf32>
        %mul3A_376 = arith.mulf %neg3A_186, %get3A_374 : vector<16xf32>
        %add3A_377 = arith.addf %mul3A_375, %mul3A_376 : vector<16xf32>
        %jit3A_378 = arith.constant 8 : i32
        %div3A_379 = arith.divsi %add3A_366, %jit3A_378 : i32
        %sign3A_380 = arith.constant 0 : i32
        %sign3A_381 = arith.cmpi sgt, %add3A_366, %sign3A_380 : i32
        %sign3A_382 = arith.extui %sign3A_381 : i1 to i32
        %sign3A_383 = arith.constant 0 : i32
        %sign3A_384 = arith.cmpi slt, %add3A_366, %sign3A_383 : i32
        %sign3A_385 = arith.extui %sign3A_384 : i1 to i32
        %sign3A_386 = arith.subi %sign3A_382, %sign3A_385 : i32
        %sign3A_387 = arith.constant 0 : i32
        %sign3A_388 = arith.cmpi sgt, %jit3A_378, %sign3A_387 : i32
        %sign3A_389 = arith.extui %sign3A_388 : i1 to i32
        %sign3A_390 = arith.constant 0 : i32
        %sign3A_391 = arith.cmpi slt, %jit3A_378, %sign3A_390 : i32
        %sign3A_392 = arith.extui %sign3A_391 : i1 to i32
        %sign3A_393 = arith.subi %sign3A_389, %sign3A_392 : i32
        %ne3A_394 = arith.cmpi ne, %sign3A_386, %sign3A_393 : i32
        %rem3A_395 = arith.remsi %add3A_366, %jit3A_378 : i32
        %ne3A_396 = arith.constant 0 : i32
        %ne3A_397 = arith.cmpi ne, %rem3A_395, %ne3A_396 : i32
        %and3A_398 = arith.andi %ne3A_394, %ne3A_397 : i1
        %sub3A_399 = arith.constant 1 : i32
        %sub3A_400 = arith.subi %div3A_379, %sub3A_399 : i32
        %select_n3A_401 = arith.select %and3A_398, %sub3A_400, %div3A_379 : i32
        %add3A_402 = arith.constant 2 : i32
        %add3A_403 = arith.addi %add3A_402, %select_n3A_401 : i32
        %jit3A_404 = arith.constant 8 : i32
        %eq3A_405 = arith.constant 0 : i32
        %eq3A_406 = arith.cmpi eq, %jit3A_404, %eq3A_405 : i32
        %jit3A_407 = arith.constant 1 : i32
        %select_n3A_408 = arith.select %eq3A_406, %jit3A_407, %jit3A_404 : i32
        %rem3A_409 = arith.remsi %add3A_366, %select_n3A_408 : i32
        %ne3A_410 = arith.constant 0 : i32
        %ne3A_411 = arith.cmpi ne, %rem3A_409, %ne3A_410 : i32
        %lt3A_412 = arith.constant 0 : i32
        %lt3A_413 = arith.cmpi slt, %rem3A_409, %lt3A_412 : i32
        %lt3A_414 = arith.constant 0 : i32
        %lt3A_415 = arith.cmpi slt, %select_n3A_408, %lt3A_414 : i32
        %ne3A_416 = arith.xori %lt3A_413, %lt3A_415 : i1
        %and3A_417 = arith.andi %ne3A_416, %ne3A_411 : i1
        %add3A_418 = arith.addi %rem3A_409, %select_n3A_408 : i32
        %select_n3A_419 = arith.select %and3A_417, %add3A_418, %rem3A_409 : i32
        %mul3A_420 = arith.constant 16 : i32
        %mul3A_421 = arith.muli %select_n3A_419, %mul3A_420 : i32
        %swap3A_422 = arith.index_cast %add3A_403 : i32 to index
        %swap3A_423 = arith.index_cast %mul3A_421 : i32 to index
        %swap3A_424 = tpu.vector_load %arg17[%swap3A_422, %swap3A_423] {strides = array<i32>} : memref<42x128xf32, #tpu.memory_space<vmem>>, vector<1x16xf32>,
        %swap3A_425 = vector.shape_cast %swap3A_424 : vector<1x16xf32> to vector<16xf32>
        %swap3A_426 = vector.shape_cast %add3A_377 : vector<16xf32> to vector<1x16xf32>
        tpu.vector_store %arg17[%swap3A_422, %swap3A_423], %swap3A_426 {strides = array<i32>} : memref<42x128xf32, #tpu.memory_space<vmem>>, vector<1x16xf32>,
        %mul3A_427 = arith.constant 20 : i32
        %mul3A_428 = arith.muli %scan3A_174, %mul3A_427 : i32
        %add3A_429 = arith.constant 3 : i32
        %add3A_430 = arith.addi %mul3A_428, %add3A_429 : i32
        %get3A_431 = arith.index_cast %add3A_430 : i32 to index
        %get3A_432 = arith.constant 0 : index
        %get3A_433 = tpu.vector_load %arg13[%get3A_431, %get3A_432] {strides = array<i32>} : memref<320x32xf32, #tpu.memory_space<vmem>>, vector<1x16xf32>,
        %get3A_434 = vector.shape_cast %get3A_433 : vector<1x16xf32> to vector<16xf32>
        %get3A_435 = arith.index_cast %add3A_430 : i32 to index
        %get3A_436 = arith.constant 16 : index
        %get3A_437 = tpu.vector_load %arg13[%get3A_435, %get3A_436] {strides = array<i32>} : memref<320x32xf32, #tpu.memory_space<vmem>>, vector<1x16xf32>,
        %get3A_438 = vector.shape_cast %get3A_437 : vector<1x16xf32> to vector<16xf32>
        %mul3A_439 = arith.mulf %neg3A_183, %get3A_434 : vector<16xf32>
        %mul3A_440 = arith.mulf %neg3A_186, %get3A_438 : vector<16xf32>
        %add3A_441 = arith.addf %mul3A_439, %mul3A_440 : vector<16xf32>
        %jit3A_442 = arith.constant 8 : i32
        %div3A_443 = arith.divsi %add3A_430, %jit3A_442 : i32
        %sign3A_444 = arith.constant 0 : i32
        %sign3A_445 = arith.cmpi sgt, %add3A_430, %sign3A_444 : i32
        %sign3A_446 = arith.extui %sign3A_445 : i1 to i32
        %sign3A_447 = arith.constant 0 : i32
        %sign3A_448 = arith.cmpi slt, %add3A_430, %sign3A_447 : i32
        %sign3A_449 = arith.extui %sign3A_448 : i1 to i32
        %sign3A_450 = arith.subi %sign3A_446, %sign3A_449 : i32
        %sign3A_451 = arith.constant 0 : i32
        %sign3A_452 = arith.cmpi sgt, %jit3A_442, %sign3A_451 : i32
        %sign3A_453 = arith.extui %sign3A_452 : i1 to i32
        %sign3A_454 = arith.constant 0 : i32
        %sign3A_455 = arith.cmpi slt, %jit3A_442, %sign3A_454 : i32
        %sign3A_456 = arith.extui %sign3A_455 : i1 to i32
        %sign3A_457 = arith.subi %sign3A_453, %sign3A_456 : i32
        %ne3A_458 = arith.cmpi ne, %sign3A_450, %sign3A_457 : i32
        %rem3A_459 = arith.remsi %add3A_430, %jit3A_442 : i32
        %ne3A_460 = arith.constant 0 : i32
        %ne3A_461 = arith.cmpi ne, %rem3A_459, %ne3A_460 : i32
        %and3A_462 = arith.andi %ne3A_458, %ne3A_461 : i1
        %sub3A_463 = arith.constant 1 : i32
        %sub3A_464 = arith.subi %div3A_443, %sub3A_463 : i32
        %select_n3A_465 = arith.select %and3A_462, %sub3A_464, %div3A_443 : i32
        %add3A_466 = arith.constant 2 : i32
        %add3A_467 = arith.addi %add3A_466, %select_n3A_465 : i32
        %jit3A_468 = arith.constant 8 : i32
        %eq3A_469 = arith.constant 0 : i32
        %eq3A_470 = arith.cmpi eq, %jit3A_468, %eq3A_469 : i32
        %jit3A_471 = arith.constant 1 : i32
        %select_n3A_472 = arith.select %eq3A_470, %jit3A_471, %jit3A_468 : i32
        %rem3A_473 = arith.remsi %add3A_430, %select_n3A_472 : i32
        %ne3A_474 = arith.constant 0 : i32
        %ne3A_475 = arith.cmpi ne, %rem3A_473, %ne3A_474 : i32
        %lt3A_476 = arith.constant 0 : i32
        %lt3A_477 = arith.cmpi slt, %rem3A_473, %lt3A_476 : i32
        %lt3A_478 = arith.constant 0 : i32
        %lt3A_479 = arith.cmpi slt, %select_n3A_472, %lt3A_478 : i32
        %ne3A_480 = arith.xori %lt3A_477, %lt3A_479 : i1
        %and3A_481 = arith.andi %ne3A_480, %ne3A_475 : i1
        %add3A_482 = arith.addi %rem3A_473, %select_n3A_472 : i32
        %select_n3A_483 = arith.select %and3A_481, %add3A_482, %rem3A_473 : i32
        %mul3A_484 = arith.constant 16 : i32
        %mul3A_485 = arith.muli %select_n3A_483, %mul3A_484 : i32
        %swap3A_486 = arith.index_cast %add3A_467 : i32 to index
        %swap3A_487 = arith.index_cast %mul3A_485 : i32 to index
        %swap3A_488 = tpu.vector_load %arg17[%swap3A_486, %swap3A_487] {strides = array<i32>} : memref<42x128xf32, #tpu.memory_space<vmem>>, vector<1x16xf32>,
        %swap3A_489 = vector.shape_cast %swap3A_488 : vector<1x16xf32> to vector<16xf32>
        %swap3A_490 = vector.shape_cast %add3A_441 : vector<16xf32> to vector<1x16xf32>
        tpu.vector_store %arg17[%swap3A_486, %swap3A_487], %swap3A_490 {strides = array<i32>} : memref<42x128xf32, #tpu.memory_space<vmem>>, vector<1x16xf32>,
        %mul3A_491 = arith.constant 20 : i32
        %mul3A_492 = arith.muli %scan3A_174, %mul3A_491 : i32
        %add3A_493 = arith.constant 4 : i32
        %add3A_494 = arith.addi %mul3A_492, %add3A_493 : i32
        %get3A_495 = arith.index_cast %add3A_494 : i32 to index
        %get3A_496 = arith.constant 0 : index
        %get3A_497 = tpu.vector_load %arg13[%get3A_495, %get3A_496] {strides = array<i32>} : memref<320x32xf32, #tpu.memory_space<vmem>>, vector<1x16xf32>,
        %get3A_498 = vector.shape_cast %get3A_497 : vector<1x16xf32> to vector<16xf32>
        %get3A_499 = arith.index_cast %add3A_494 : i32 to index
        %get3A_500 = arith.constant 16 : index
        %get3A_501 = tpu.vector_load %arg13[%get3A_499, %get3A_500] {strides = array<i32>} : memref<320x32xf32, #tpu.memory_space<vmem>>, vector<1x16xf32>,
        %get3A_502 = vector.shape_cast %get3A_501 : vector<1x16xf32> to vector<16xf32>
        %mul3A_503 = arith.mulf %neg3A_183, %get3A_498 : vector<16xf32>
        %mul3A_504 = arith.mulf %neg3A_186, %get3A_502 : vector<16xf32>
        %add3A_505 = arith.addf %mul3A_503, %mul3A_504 : vector<16xf32>
        %jit3A_506 = arith.constant 8 : i32
        %div3A_507 = arith.divsi %add3A_494, %jit3A_506 : i32
        %sign3A_508 = arith.constant 0 : i32
        %sign3A_509 = arith.cmpi sgt, %add3A_494, %sign3A_508 : i32
        %sign3A_510 = arith.extui %sign3A_509 : i1 to i32
        %sign3A_511 = arith.constant 0 : i32
        %sign3A_512 = arith.cmpi slt, %add3A_494, %sign3A_511 : i32
        %sign3A_513 = arith.extui %sign3A_512 : i1 to i32
        %sign3A_514 = arith.subi %sign3A_510, %sign3A_513 : i32
        %sign3A_515 = arith.constant 0 : i32
        %sign3A_516 = arith.cmpi sgt, %jit3A_506, %sign3A_515 : i32
        %sign3A_517 = arith.extui %sign3A_516 : i1 to i32
        %sign3A_518 = arith.constant 0 : i32
        %sign3A_519 = arith.cmpi slt, %jit3A_506, %sign3A_518 : i32
        %sign3A_520 = arith.extui %sign3A_519 : i1 to i32
        %sign3A_521 = arith.subi %sign3A_517, %sign3A_520 : i32
        %ne3A_522 = arith.cmpi ne, %sign3A_514, %sign3A_521 : i32
        %rem3A_523 = arith.remsi %add3A_494, %jit3A_506 : i32
        %ne3A_524 = arith.constant 0 : i32
        %ne3A_525 = arith.cmpi ne, %rem3A_523, %ne3A_524 : i32
        %and3A_526 = arith.andi %ne3A_522, %ne3A_525 : i1
        %sub3A_527 = arith.constant 1 : i32
        %sub3A_528 = arith.subi %div3A_507, %sub3A_527 : i32
        %select_n3A_529 = arith.select %and3A_526, %sub3A_528, %div3A_507 : i32
        %add3A_530 = arith.constant 2 : i32
        %add3A_531 = arith.addi %add3A_530, %select_n3A_529 : i32
        %jit3A_532 = arith.constant 8 : i32
        %eq3A_533 = arith.constant 0 : i32
        %eq3A_534 = arith.cmpi eq, %jit3A_532, %eq3A_533 : i32
        %jit3A_535 = arith.constant 1 : i32
        %select_n3A_536 = arith.select %eq3A_534, %jit3A_535, %jit3A_532 : i32
        %rem3A_537 = arith.remsi %add3A_494, %select_n3A_536 : i32
        %ne3A_538 = arith.constant 0 : i32
        %ne3A_539 = arith.cmpi ne, %rem3A_537, %ne3A_538 : i32
        %lt3A_540 = arith.constant 0 : i32
        %lt3A_541 = arith.cmpi slt, %rem3A_537, %lt3A_540 : i32
        %lt3A_542 = arith.constant 0 : i32
        %lt3A_543 = arith.cmpi slt, %select_n3A_536, %lt3A_542 : i32
        %ne3A_544 = arith.xori %lt3A_541, %lt3A_543 : i1
        %and3A_545 = arith.andi %ne3A_544, %ne3A_539 : i1
        %add3A_546 = arith.addi %rem3A_537, %select_n3A_536 : i32
        %select_n3A_547 = arith.select %and3A_545, %add3A_546, %rem3A_537 : i32
        %mul3A_548 = arith.constant 16 : i32
        %mul3A_549 = arith.muli %select_n3A_547, %mul3A_548 : i32
        %swap3A_550 = arith.index_cast %add3A_531 : i32 to index
        %swap3A_551 = arith.index_cast %mul3A_549 : i32 to index
        %swap3A_552 = tpu.vector_load %arg17[%swap3A_550, %swap3A_551] {strides = array<i32>} : memref<42x128xf32, #tpu.memory_space<vmem>>, vector<1x16xf32>,
        %swap3A_553 = vector.shape_cast %swap3A_552 : vector<1x16xf32> to vector<16xf32>
        %swap3A_554 = vector.shape_cast %add3A_505 : vector<16xf32> to vector<1x16xf32>
        tpu.vector_store %arg17[%swap3A_550, %swap3A_551], %swap3A_554 {strides = array<i32>} : memref<42x128xf32, #tpu.memory_space<vmem>>, vector<1x16xf32>,
        %mul3A_555 = arith.constant 20 : i32
        %mul3A_556 = arith.muli %scan3A_174, %mul3A_555 : i32
        %add3A_557 = arith.constant 5 : i32
        %add3A_558 = arith.addi %mul3A_556, %add3A_557 : i32
        %get3A_559 = arith.index_cast %add3A_558 : i32 to index
        %get3A_560 = arith.constant 0 : index
        %get3A_561 = tpu.vector_load %arg13[%get3A_559, %get3A_560] {strides = array<i32>} : memref<320x32xf32, #tpu.memory_space<vmem>>, vector<1x16xf32>,
        %get3A_562 = vector.shape_cast %get3A_561 : vector<1x16xf32> to vector<16xf32>
        %get3A_563 = arith.index_cast %add3A_558 : i32 to index
        %get3A_564 = arith.constant 16 : index
        %get3A_565 = tpu.vector_load %arg13[%get3A_563, %get3A_564] {strides = array<i32>} : memref<320x32xf32, #tpu.memory_space<vmem>>, vector<1x16xf32>,
        %get3A_566 = vector.shape_cast %get3A_565 : vector<1x16xf32> to vector<16xf32>
        %mul3A_567 = arith.mulf %neg3A_183, %get3A_562 : vector<16xf32>
        %mul3A_568 = arith.mulf %neg3A_186, %get3A_566 : vector<16xf32>
        %add3A_569 = arith.addf %mul3A_567, %mul3A_568 : vector<16xf32>
        %jit3A_570 = arith.constant 8 : i32
        %div3A_571 = arith.divsi %add3A_558, %jit3A_570 : i32
        %sign3A_572 = arith.constant 0 : i32
        %sign3A_573 = arith.cmpi sgt, %add3A_558, %sign3A_572 : i32
        %sign3A_574 = arith.extui %sign3A_573 : i1 to i32
        %sign3A_575 = arith.constant 0 : i32
        %sign3A_576 = arith.cmpi slt, %add3A_558, %sign3A_575 : i32
        %sign3A_577 = arith.extui %sign3A_576 : i1 to i32
        %sign3A_578 = arith.subi %sign3A_574, %sign3A_577 : i32
        %sign3A_579 = arith.constant 0 : i32
        %sign3A_580 = arith.cmpi sgt, %jit3A_570, %sign3A_579 : i32
        %sign3A_581 = arith.extui %sign3A_580 : i1 to i32
        %sign3A_582 = arith.constant 0 : i32
        %sign3A_583 = arith.cmpi slt, %jit3A_570, %sign3A_582 : i32
        %sign3A_584 = arith.extui %sign3A_583 : i1 to i32
        %sign3A_585 = arith.subi %sign3A_581, %sign3A_584 : i32
        %ne3A_586 = arith.cmpi ne, %sign3A_578, %sign3A_585 : i32
        %rem3A_587 = arith.remsi %add3A_558, %jit3A_570 : i32
        %ne3A_588 = arith.constant 0 : i32
        %ne3A_589 = arith.cmpi ne, %rem3A_587, %ne3A_588 : i32
        %and3A_590 = arith.andi %ne3A_586, %ne3A_589 : i1
        %sub3A_591 = arith.constant 1 : i32
        %sub3A_592 = arith.subi %div3A_571, %sub3A_591 : i32
        %select_n3A_593 = arith.select %and3A_590, %sub3A_592, %div3A_571 : i32
        %add3A_594 = arith.constant 2 : i32
        %add3A_595 = arith.addi %add3A_594, %select_n3A_593 : i32
        %jit3A_596 = arith.constant 8 : i32
        %eq3A_597 = arith.constant 0 : i32
        %eq3A_598 = arith.cmpi eq, %jit3A_596, %eq3A_597 : i32
        %jit3A_599 = arith.constant 1 : i32
        %select_n3A_600 = arith.select %eq3A_598, %jit3A_599, %jit3A_596 : i32
        %rem3A_601 = arith.remsi %add3A_558, %select_n3A_600 : i32
        %ne3A_602 = arith.constant 0 : i32
        %ne3A_603 = arith.cmpi ne, %rem3A_601, %ne3A_602 : i32
        %lt3A_604 = arith.constant 0 : i32
        %lt3A_605 = arith.cmpi slt, %rem3A_601, %lt3A_604 : i32
        %lt3A_606 = arith.constant 0 : i32
        %lt3A_607 = arith.cmpi slt, %select_n3A_600, %lt3A_606 : i32
        %ne3A_608 = arith.xori %lt3A_605, %lt3A_607 : i1
        %and3A_609 = arith.andi %ne3A_608, %ne3A_603 : i1
        %add3A_610 = arith.addi %rem3A_601, %select_n3A_600 : i32
        %select_n3A_611 = arith.select %and3A_609, %add3A_610, %rem3A_601 : i32
        %mul3A_612 = arith.constant 16 : i32
        %mul3A_613 = arith.muli %select_n3A_611, %mul3A_612 : i32
        %swap3A_614 = arith.index_cast %add3A_595 : i32 to index
        %swap3A_615 = arith.index_cast %mul3A_613 : i32 to index
        %swap3A_616 = tpu.vector_load %arg17[%swap3A_614, %swap3A_615] {strides = array<i32>} : memref<42x128xf32, #tpu.memory_space<vmem>>, vector<1x16xf32>,
        %swap3A_617 = vector.shape_cast %swap3A_616 : vector<1x16xf32> to vector<16xf32>
        %swap3A_618 = vector.shape_cast %add3A_569 : vector<16xf32> to vector<1x16xf32>
        tpu.vector_store %arg17[%swap3A_614, %swap3A_615], %swap3A_618 {strides = array<i32>} : memref<42x128xf32, #tpu.memory_space<vmem>>, vector<1x16xf32>,
        %mul3A_619 = arith.constant 20 : i32
        %mul3A_620 = arith.muli %scan3A_174, %mul3A_619 : i32
        %add3A_621 = arith.constant 6 : i32
        %add3A_622 = arith.addi %mul3A_620, %add3A_621 : i32
        %get3A_623 = arith.index_cast %add3A_622 : i32 to index
        %get3A_624 = arith.constant 0 : index
        %get3A_625 = tpu.vector_load %arg13[%get3A_623, %get3A_624] {strides = array<i32>} : memref<320x32xf32, #tpu.memory_space<vmem>>, vector<1x16xf32>,
        %get3A_626 = vector.shape_cast %get3A_625 : vector<1x16xf32> to vector<16xf32>
        %get3A_627 = arith.index_cast %add3A_622 : i32 to index
        %get3A_628 = arith.constant 16 : index
        %get3A_629 = tpu.vector_load %arg13[%get3A_627, %get3A_628] {strides = array<i32>} : memref<320x32xf32, #tpu.memory_space<vmem>>, vector<1x16xf32>,
        %get3A_630 = vector.shape_cast %get3A_629 : vector<1x16xf32> to vector<16xf32>
        %mul3A_631 = arith.mulf %neg3A_183, %get3A_626 : vector<16xf32>
        %mul3A_632 = arith.mulf %neg3A_186, %get3A_630 : vector<16xf32>
        %add3A_633 = arith.addf %mul3A_631, %mul3A_632 : vector<16xf32>
        %jit3A_634 = arith.constant 8 : i32
        %div3A_635 = arith.divsi %add3A_622, %jit3A_634 : i32
        %sign3A_636 = arith.constant 0 : i32
        %sign3A_637 = arith.cmpi sgt, %add3A_622, %sign3A_636 : i32
        %sign3A_638 = arith.extui %sign3A_637 : i1 to i32
        %sign3A_639 = arith.constant 0 : i32
        %sign3A_640 = arith.cmpi slt, %add3A_622, %sign3A_639 : i32
        %sign3A_641 = arith.extui %sign3A_640 : i1 to i32
        %sign3A_642 = arith.subi %sign3A_638, %sign3A_641 : i32
        %sign3A_643 = arith.constant 0 : i32
        %sign3A_644 = arith.cmpi sgt, %jit3A_634, %sign3A_643 : i32
        %sign3A_645 = arith.extui %sign3A_644 : i1 to i32
        %sign3A_646 = arith.constant 0 : i32
        %sign3A_647 = arith.cmpi slt, %jit3A_634, %sign3A_646 : i32
        %sign3A_648 = arith.extui %sign3A_647 : i1 to i32
        %sign3A_649 = arith.subi %sign3A_645, %sign3A_648 : i32
        %ne3A_650 = arith.cmpi ne, %sign3A_642, %sign3A_649 : i32
        %rem3A_651 = arith.remsi %add3A_622, %jit3A_634 : i32
        %ne3A_652 = arith.constant 0 : i32
        %ne3A_653 = arith.cmpi ne, %rem3A_651, %ne3A_652 : i32
        %and3A_654 = arith.andi %ne3A_650, %ne3A_653 : i1
        %sub3A_655 = arith.constant 1 : i32
        %sub3A_656 = arith.subi %div3A_635, %sub3A_655 : i32
        %select_n3A_657 = arith.select %and3A_654, %sub3A_656, %div3A_635 : i32
        %add3A_658 = arith.constant 2 : i32
        %add3A_659 = arith.addi %add3A_658, %select_n3A_657 : i32
        %jit3A_660 = arith.constant 8 : i32
        %eq3A_661 = arith.constant 0 : i32
        %eq3A_662 = arith.cmpi eq, %jit3A_660, %eq3A_661 : i32
        %jit3A_663 = arith.constant 1 : i32
        %select_n3A_664 = arith.select %eq3A_662, %jit3A_663, %jit3A_660 : i32
        %rem3A_665 = arith.remsi %add3A_622, %select_n3A_664 : i32
        %ne3A_666 = arith.constant 0 : i32
        %ne3A_667 = arith.cmpi ne, %rem3A_665, %ne3A_666 : i32
        %lt3A_668 = arith.constant 0 : i32
        %lt3A_669 = arith.cmpi slt, %rem3A_665, %lt3A_668 : i32
        %lt3A_670 = arith.constant 0 : i32
        %lt3A_671 = arith.cmpi slt, %select_n3A_664, %lt3A_670 : i32
        %ne3A_672 = arith.xori %lt3A_669, %lt3A_671 : i1
        %and3A_673 = arith.andi %ne3A_672, %ne3A_667 : i1
        %add3A_674 = arith.addi %rem3A_665, %select_n3A_664 : i32
        %select_n3A_675 = arith.select %and3A_673, %add3A_674, %rem3A_665 : i32
        %mul3A_676 = arith.constant 16 : i32
        %mul3A_677 = arith.muli %select_n3A_675, %mul3A_676 : i32
        %swap3A_678 = arith.index_cast %add3A_659 : i32 to index
        %swap3A_679 = arith.index_cast %mul3A_677 : i32 to index
        %swap3A_680 = tpu.vector_load %arg17[%swap3A_678, %swap3A_679] {strides = array<i32>} : memref<42x128xf32, #tpu.memory_space<vmem>>, vector<1x16xf32>,
        %swap3A_681 = vector.shape_cast %swap3A_680 : vector<1x16xf32> to vector<16xf32>
        %swap3A_682 = vector.shape_cast %add3A_633 : vector<16xf32> to vector<1x16xf32>
        tpu.vector_store %arg17[%swap3A_678, %swap3A_679], %swap3A_682 {strides = array<i32>} : memref<42x128xf32, #tpu.memory_space<vmem>>, vector<1x16xf32>,
        %mul3A_683 = arith.constant 20 : i32
        %mul3A_684 = arith.muli %scan3A_174, %mul3A_683 : i32
        %add3A_685 = arith.constant 7 : i32
        %add3A_686 = arith.addi %mul3A_684, %add3A_685 : i32
        %get3A_687 = arith.index_cast %add3A_686 : i32 to index
        %get3A_688 = arith.constant 0 : index
        %get3A_689 = tpu.vector_load %arg13[%get3A_687, %get3A_688] {strides = array<i32>} : memref<320x32xf32, #tpu.memory_space<vmem>>, vector<1x16xf32>,
        %get3A_690 = vector.shape_cast %get3A_689 : vector<1x16xf32> to vector<16xf32>
        %get3A_691 = arith.index_cast %add3A_686 : i32 to index
        %get3A_692 = arith.constant 16 : index
        %get3A_693 = tpu.vector_load %arg13[%get3A_691, %get3A_692] {strides = array<i32>} : memref<320x32xf32, #tpu.memory_space<vmem>>, vector<1x16xf32>,
        %get3A_694 = vector.shape_cast %get3A_693 : vector<1x16xf32> to vector<16xf32>
        %mul3A_695 = arith.mulf %neg3A_183, %get3A_690 : vector<16xf32>
        %mul3A_696 = arith.mulf %neg3A_186, %get3A_694 : vector<16xf32>
        %add3A_697 = arith.addf %mul3A_695, %mul3A_696 : vector<16xf32>
        %jit3A_698 = arith.constant 8 : i32
        %div3A_699 = arith.divsi %add3A_686, %jit3A_698 : i32
        %sign3A_700 = arith.constant 0 : i32
        %sign3A_701 = arith.cmpi sgt, %add3A_686, %sign3A_700 : i32
        %sign3A_702 = arith.extui %sign3A_701 : i1 to i32
        %sign3A_703 = arith.constant 0 : i32
        %sign3A_704 = arith.cmpi slt, %add3A_686, %sign3A_703 : i32
        %sign3A_705 = arith.extui %sign3A_704 : i1 to i32
        %sign3A_706 = arith.subi %sign3A_702, %sign3A_705 : i32
        %sign3A_707 = arith.constant 0 : i32
        %sign3A_708 = arith.cmpi sgt, %jit3A_698, %sign3A_707 : i32
        %sign3A_709 = arith.extui %sign3A_708 : i1 to i32
        %sign3A_710 = arith.constant 0 : i32
        %sign3A_711 = arith.cmpi slt, %jit3A_698, %sign3A_710 : i32
        %sign3A_712 = arith.extui %sign3A_711 : i1 to i32
        %sign3A_713 = arith.subi %sign3A_709, %sign3A_712 : i32
        %ne3A_714 = arith.cmpi ne, %sign3A_706, %sign3A_713 : i32
        %rem3A_715 = arith.remsi %add3A_686, %jit3A_698 : i32
        %ne3A_716 = arith.constant 0 : i32
        %ne3A_717 = arith.cmpi ne, %rem3A_715, %ne3A_716 : i32
        %and3A_718 = arith.andi %ne3A_714, %ne3A_717 : i1
        %sub3A_719 = arith.constant 1 : i32
        %sub3A_720 = arith.subi %div3A_699, %sub3A_719 : i32
        %select_n3A_721 = arith.select %and3A_718, %sub3A_720, %div3A_699 : i32
        %add3A_722 = arith.constant 2 : i32
        %add3A_723 = arith.addi %add3A_722, %select_n3A_721 : i32
        %jit3A_724 = arith.constant 8 : i32
        %eq3A_725 = arith.constant 0 : i32
        %eq3A_726 = arith.cmpi eq, %jit3A_724, %eq3A_725 : i32
        %jit3A_727 = arith.constant 1 : i32
        %select_n3A_728 = arith.select %eq3A_726, %jit3A_727, %jit3A_724 : i32
        %rem3A_729 = arith.remsi %add3A_686, %select_n3A_728 : i32
        %ne3A_730 = arith.constant 0 : i32
        %ne3A_731 = arith.cmpi ne, %rem3A_729, %ne3A_730 : i32
        %lt3A_732 = arith.constant 0 : i32
        %lt3A_733 = arith.cmpi slt, %rem3A_729, %lt3A_732 : i32
        %lt3A_734 = arith.constant 0 : i32
        %lt3A_735 = arith.cmpi slt, %select_n3A_728, %lt3A_734 : i32
        %ne3A_736 = arith.xori %lt3A_733, %lt3A_735 : i1
        %and3A_737 = arith.andi %ne3A_736, %ne3A_731 : i1
        %add3A_738 = arith.addi %rem3A_729, %select_n3A_728 : i32
        %select_n3A_739 = arith.select %and3A_737, %add3A_738, %rem3A_729 : i32
        %mul3A_740 = arith.constant 16 : i32
        %mul3A_741 = arith.muli %select_n3A_739, %mul3A_740 : i32
        %swap3A_742 = arith.index_cast %add3A_723 : i32 to index
        %swap3A_743 = arith.index_cast %mul3A_741 : i32 to index
        %swap3A_744 = tpu.vector_load %arg17[%swap3A_742, %swap3A_743] {strides = array<i32>} : memref<42x128xf32, #tpu.memory_space<vmem>>, vector<1x16xf32>,
        %swap3A_745 = vector.shape_cast %swap3A_744 : vector<1x16xf32> to vector<16xf32>
        %swap3A_746 = vector.shape_cast %add3A_697 : vector<16xf32> to vector<1x16xf32>
        tpu.vector_store %arg17[%swap3A_742, %swap3A_743], %swap3A_746 {strides = array<i32>} : memref<42x128xf32, #tpu.memory_space<vmem>>, vector<1x16xf32>,
        %mul3A_747 = arith.constant 20 : i32
        %mul3A_748 = arith.muli %scan3A_174, %mul3A_747 : i32
        %add3A_749 = arith.constant 8 : i32
        %add3A_750 = arith.addi %mul3A_748, %add3A_749 : i32
        %get3A_751 = arith.index_cast %add3A_750 : i32 to index
        %get3A_752 = arith.constant 0 : index
        %get3A_753 = tpu.vector_load %arg13[%get3A_751, %get3A_752] {strides = array<i32>} : memref<320x32xf32, #tpu.memory_space<vmem>>, vector<1x16xf32>,
        %get3A_754 = vector.shape_cast %get3A_753 : vector<1x16xf32> to vector<16xf32>
        %get3A_755 = arith.index_cast %add3A_750 : i32 to index
        %get3A_756 = arith.constant 16 : index
        %get3A_757 = tpu.vector_load %arg13[%get3A_755, %get3A_756] {strides = array<i32>} : memref<320x32xf32, #tpu.memory_space<vmem>>, vector<1x16xf32>,
        %get3A_758 = vector.shape_cast %get3A_757 : vector<1x16xf32> to vector<16xf32>
        %mul3A_759 = arith.mulf %neg3A_183, %get3A_754 : vector<16xf32>
        %mul3A_760 = arith.mulf %neg3A_186, %get3A_758 : vector<16xf32>
        %add3A_761 = arith.addf %mul3A_759, %mul3A_760 : vector<16xf32>
        %jit3A_762 = arith.constant 8 : i32
        %div3A_763 = arith.divsi %add3A_750, %jit3A_762 : i32
        %sign3A_764 = arith.constant 0 : i32
        %sign3A_765 = arith.cmpi sgt, %add3A_750, %sign3A_764 : i32
        %sign3A_766 = arith.extui %sign3A_765 : i1 to i32
        %sign3A_767 = arith.constant 0 : i32
        %sign3A_768 = arith.cmpi slt, %add3A_750, %sign3A_767 : i32
        %sign3A_769 = arith.extui %sign3A_768 : i1 to i32
        %sign3A_770 = arith.subi %sign3A_766, %sign3A_769 : i32
        %sign3A_771 = arith.constant 0 : i32
        %sign3A_772 = arith.cmpi sgt, %jit3A_762, %sign3A_771 : i32
        %sign3A_773 = arith.extui %sign3A_772 : i1 to i32
        %sign3A_774 = arith.constant 0 : i32
        %sign3A_775 = arith.cmpi slt, %jit3A_762, %sign3A_774 : i32
        %sign3A_776 = arith.extui %sign3A_775 : i1 to i32
        %sign3A_777 = arith.subi %sign3A_773, %sign3A_776 : i32
        %ne3A_778 = arith.cmpi ne, %sign3A_770, %sign3A_777 : i32
        %rem3A_779 = arith.remsi %add3A_750, %jit3A_762 : i32
        %ne3A_780 = arith.constant 0 : i32
        %ne3A_781 = arith.cmpi ne, %rem3A_779, %ne3A_780 : i32
        %and3A_782 = arith.andi %ne3A_778, %ne3A_781 : i1
        %sub3A_783 = arith.constant 1 : i32
        %sub3A_784 = arith.subi %div3A_763, %sub3A_783 : i32
        %select_n3A_785 = arith.select %and3A_782, %sub3A_784, %div3A_763 : i32
        %add3A_786 = arith.constant 2 : i32
        %add3A_787 = arith.addi %add3A_786, %select_n3A_785 : i32
        %jit3A_788 = arith.constant 8 : i32
        %eq3A_789 = arith.constant 0 : i32
        %eq3A_790 = arith.cmpi eq, %jit3A_788, %eq3A_789 : i32
        %jit3A_791 = arith.constant 1 : i32
        %select_n3A_792 = arith.select %eq3A_790, %jit3A_791, %jit3A_788 : i32
        %rem3A_793 = arith.remsi %add3A_750, %select_n3A_792 : i32
        %ne3A_794 = arith.constant 0 : i32
        %ne3A_795 = arith.cmpi ne, %rem3A_793, %ne3A_794 : i32
        %lt3A_796 = arith.constant 0 : i32
        %lt3A_797 = arith.cmpi slt, %rem3A_793, %lt3A_796 : i32
        %lt3A_798 = arith.constant 0 : i32
        %lt3A_799 = arith.cmpi slt, %select_n3A_792, %lt3A_798 : i32
        %ne3A_800 = arith.xori %lt3A_797, %lt3A_799 : i1
        %and3A_801 = arith.andi %ne3A_800, %ne3A_795 : i1
        %add3A_802 = arith.addi %rem3A_793, %select_n3A_792 : i32
        %select_n3A_803 = arith.select %and3A_801, %add3A_802, %rem3A_793 : i32
        %mul3A_804 = arith.constant 16 : i32
        %mul3A_805 = arith.muli %select_n3A_803, %mul3A_804 : i32
        %swap3A_806 = arith.index_cast %add3A_787 : i32 to index
        %swap3A_807 = arith.index_cast %mul3A_805 : i32 to index
        %swap3A_808 = tpu.vector_load %arg17[%swap3A_806, %swap3A_807] {strides = array<i32>} : memref<42x128xf32, #tpu.memory_space<vmem>>, vector<1x16xf32>,
        %swap3A_809 = vector.shape_cast %swap3A_808 : vector<1x16xf32> to vector<16xf32>
        %swap3A_810 = vector.shape_cast %add3A_761 : vector<16xf32> to vector<1x16xf32>
        tpu.vector_store %arg17[%swap3A_806, %swap3A_807], %swap3A_810 {strides = array<i32>} : memref<42x128xf32, #tpu.memory_space<vmem>>, vector<1x16xf32>,
        %mul3A_811 = arith.constant 20 : i32
        %mul3A_812 = arith.muli %scan3A_174, %mul3A_811 : i32
        %add3A_813 = arith.constant 9 : i32
        %add3A_814 = arith.addi %mul3A_812, %add3A_813 : i32
        %get3A_815 = arith.index_cast %add3A_814 : i32 to index
        %get3A_816 = arith.constant 0 : index
        %get3A_817 = tpu.vector_load %arg13[%get3A_815, %get3A_816] {strides = array<i32>} : memref<320x32xf32, #tpu.memory_space<vmem>>, vector<1x16xf32>,
        %get3A_818 = vector.shape_cast %get3A_817 : vector<1x16xf32> to vector<16xf32>
        %get3A_819 = arith.index_cast %add3A_814 : i32 to index
        %get3A_820 = arith.constant 16 : index
        %get3A_821 = tpu.vector_load %arg13[%get3A_819, %get3A_820] {strides = array<i32>} : memref<320x32xf32, #tpu.memory_space<vmem>>, vector<1x16xf32>,
        %get3A_822 = vector.shape_cast %get3A_821 : vector<1x16xf32> to vector<16xf32>
        %mul3A_823 = arith.mulf %neg3A_183, %get3A_818 : vector<16xf32>
        %mul3A_824 = arith.mulf %neg3A_186, %get3A_822 : vector<16xf32>
        %add3A_825 = arith.addf %mul3A_823, %mul3A_824 : vector<16xf32>
        %jit3A_826 = arith.constant 8 : i32
        %div3A_827 = arith.divsi %add3A_814, %jit3A_826 : i32
        %sign3A_828 = arith.constant 0 : i32
        %sign3A_829 = arith.cmpi sgt, %add3A_814, %sign3A_828 : i32
        %sign3A_830 = arith.extui %sign3A_829 : i1 to i32
        %sign3A_831 = arith.constant 0 : i32
        %sign3A_832 = arith.cmpi slt, %add3A_814, %sign3A_831 : i32
        %sign3A_833 = arith.extui %sign3A_832 : i1 to i32
        %sign3A_834 = arith.subi %sign3A_830, %sign3A_833 : i32
        %sign3A_835 = arith.constant 0 : i32
        %sign3A_836 = arith.cmpi sgt, %jit3A_826, %sign3A_835 : i32
        %sign3A_837 = arith.extui %sign3A_836 : i1 to i32
        %sign3A_838 = arith.constant 0 : i32
        %sign3A_839 = arith.cmpi slt, %jit3A_826, %sign3A_838 : i32
        %sign3A_840 = arith.extui %sign3A_839 : i1 to i32
        %sign3A_841 = arith.subi %sign3A_837, %sign3A_840 : i32
        %ne3A_842 = arith.cmpi ne, %sign3A_834, %sign3A_841 : i32
        %rem3A_843 = arith.remsi %add3A_814, %jit3A_826 : i32
        %ne3A_844 = arith.constant 0 : i32
        %ne3A_845 = arith.cmpi ne, %rem3A_843, %ne3A_844 : i32
        %and3A_846 = arith.andi %ne3A_842, %ne3A_845 : i1
        %sub3A_847 = arith.constant 1 : i32
        %sub3A_848 = arith.subi %div3A_827, %sub3A_847 : i32
        %select_n3A_849 = arith.select %and3A_846, %sub3A_848, %div3A_827 : i32
        %add3A_850 = arith.constant 2 : i32
        %add3A_851 = arith.addi %add3A_850, %select_n3A_849 : i32
        %jit3A_852 = arith.constant 8 : i32
        %eq3A_853 = arith.constant 0 : i32
        %eq3A_854 = arith.cmpi eq, %jit3A_852, %eq3A_853 : i32
        %jit3A_855 = arith.constant 1 : i32
        %select_n3A_856 = arith.select %eq3A_854, %jit3A_855, %jit3A_852 : i32
        %rem3A_857 = arith.remsi %add3A_814, %select_n3A_856 : i32
        %ne3A_858 = arith.constant 0 : i32
        %ne3A_859 = arith.cmpi ne, %rem3A_857, %ne3A_858 : i32
        %lt3A_860 = arith.constant 0 : i32
        %lt3A_861 = arith.cmpi slt, %rem3A_857, %lt3A_860 : i32
        %lt3A_862 = arith.constant 0 : i32
        %lt3A_863 = arith.cmpi slt, %select_n3A_856, %lt3A_862 : i32
        %ne3A_864 = arith.xori %lt3A_861, %lt3A_863 : i1
        %and3A_865 = arith.andi %ne3A_864, %ne3A_859 : i1
        %add3A_866 = arith.addi %rem3A_857, %select_n3A_856 : i32
        %select_n3A_867 = arith.select %and3A_865, %add3A_866, %rem3A_857 : i32
        %mul3A_868 = arith.constant 16 : i32
        %mul3A_869 = arith.muli %select_n3A_867, %mul3A_868 : i32
        %swap3A_870 = arith.index_cast %add3A_851 : i32 to index
        %swap3A_871 = arith.index_cast %mul3A_869 : i32 to index
        %swap3A_872 = tpu.vector_load %arg17[%swap3A_870, %swap3A_871] {strides = array<i32>} : memref<42x128xf32, #tpu.memory_space<vmem>>, vector<1x16xf32>,
        %swap3A_873 = vector.shape_cast %swap3A_872 : vector<1x16xf32> to vector<16xf32>
        %swap3A_874 = vector.shape_cast %add3A_825 : vector<16xf32> to vector<1x16xf32>
        tpu.vector_store %arg17[%swap3A_870, %swap3A_871], %swap3A_874 {strides = array<i32>} : memref<42x128xf32, #tpu.memory_space<vmem>>, vector<1x16xf32>,
        %mul3A_875 = arith.constant 20 : i32
        %mul3A_876 = arith.muli %scan3A_174, %mul3A_875 : i32
        %add3A_877 = arith.constant 10 : i32
        %add3A_878 = arith.addi %mul3A_876, %add3A_877 : i32
        %get3A_879 = arith.index_cast %add3A_878 : i32 to index
        %get3A_880 = arith.constant 0 : index
        %get3A_881 = tpu.vector_load %arg13[%get3A_879, %get3A_880] {strides = array<i32>} : memref<320x32xf32, #tpu.memory_space<vmem>>, vector<1x16xf32>,
        %get3A_882 = vector.shape_cast %get3A_881 : vector<1x16xf32> to vector<16xf32>
        %get3A_883 = arith.index_cast %add3A_878 : i32 to index
        %get3A_884 = arith.constant 16 : index
        %get3A_885 = tpu.vector_load %arg13[%get3A_883, %get3A_884] {strides = array<i32>} : memref<320x32xf32, #tpu.memory_space<vmem>>, vector<1x16xf32>,
        %get3A_886 = vector.shape_cast %get3A_885 : vector<1x16xf32> to vector<16xf32>
        %mul3A_887 = arith.mulf %neg3A_183, %get3A_882 : vector<16xf32>
        %mul3A_888 = arith.mulf %neg3A_186, %get3A_886 : vector<16xf32>
        %add3A_889 = arith.addf %mul3A_887, %mul3A_888 : vector<16xf32>
        %jit3A_890 = arith.constant 8 : i32
        %div3A_891 = arith.divsi %add3A_878, %jit3A_890 : i32
        %sign3A_892 = arith.constant 0 : i32
        %sign3A_893 = arith.cmpi sgt, %add3A_878, %sign3A_892 : i32
        %sign3A_894 = arith.extui %sign3A_893 : i1 to i32
        %sign3A_895 = arith.constant 0 : i32
        %sign3A_896 = arith.cmpi slt, %add3A_878, %sign3A_895 : i32
        %sign3A_897 = arith.extui %sign3A_896 : i1 to i32
        %sign3A_898 = arith.subi %sign3A_894, %sign3A_897 : i32
        %sign3A_899 = arith.constant 0 : i32
        %sign3A_900 = arith.cmpi sgt, %jit3A_890, %sign3A_899 : i32
        %sign3A_901 = arith.extui %sign3A_900 : i1 to i32
        %sign3A_902 = arith.constant 0 : i32
        %sign3A_903 = arith.cmpi slt, %jit3A_890, %sign3A_902 : i32
        %sign3A_904 = arith.extui %sign3A_903 : i1 to i32
        %sign3A_905 = arith.subi %sign3A_901, %sign3A_904 : i32
        %ne3A_906 = arith.cmpi ne, %sign3A_898, %sign3A_905 : i32
        %rem3A_907 = arith.remsi %add3A_878, %jit3A_890 : i32
        %ne3A_908 = arith.constant 0 : i32
        %ne3A_909 = arith.cmpi ne, %rem3A_907, %ne3A_908 : i32
        %and3A_910 = arith.andi %ne3A_906, %ne3A_909 : i1
        %sub3A_911 = arith.constant 1 : i32
        %sub3A_912 = arith.subi %div3A_891, %sub3A_911 : i32
        %select_n3A_913 = arith.select %and3A_910, %sub3A_912, %div3A_891 : i32
        %add3A_914 = arith.constant 2 : i32
        %add3A_915 = arith.addi %add3A_914, %select_n3A_913 : i32
        %jit3A_916 = arith.constant 8 : i32
        %eq3A_917 = arith.constant 0 : i32
        %eq3A_918 = arith.cmpi eq, %jit3A_916, %eq3A_917 : i32
        %jit3A_919 = arith.constant 1 : i32
        %select_n3A_920 = arith.select %eq3A_918, %jit3A_919, %jit3A_916 : i32
        %rem3A_921 = arith.remsi %add3A_878, %select_n3A_920 : i32
        %ne3A_922 = arith.constant 0 : i32
        %ne3A_923 = arith.cmpi ne, %rem3A_921, %ne3A_922 : i32
        %lt3A_924 = arith.constant 0 : i32
        %lt3A_925 = arith.cmpi slt, %rem3A_921, %lt3A_924 : i32
        %lt3A_926 = arith.constant 0 : i32
        %lt3A_927 = arith.cmpi slt, %select_n3A_920, %lt3A_926 : i32
        %ne3A_928 = arith.xori %lt3A_925, %lt3A_927 : i1
        %and3A_929 = arith.andi %ne3A_928, %ne3A_923 : i1
        %add3A_930 = arith.addi %rem3A_921, %select_n3A_920 : i32
        %select_n3A_931 = arith.select %and3A_929, %add3A_930, %rem3A_921 : i32
        %mul3A_932 = arith.constant 16 : i32
        %mul3A_933 = arith.muli %select_n3A_931, %mul3A_932 : i32
        %swap3A_934 = arith.index_cast %add3A_915 : i32 to index
        %swap3A_935 = arith.index_cast %mul3A_933 : i32 to index
        %swap3A_936 = tpu.vector_load %arg17[%swap3A_934, %swap3A_935] {strides = array<i32>} : memref<42x128xf32, #tpu.memory_space<vmem>>, vector<1x16xf32>,
        %swap3A_937 = vector.shape_cast %swap3A_936 : vector<1x16xf32> to vector<16xf32>
        %swap3A_938 = vector.shape_cast %add3A_889 : vector<16xf32> to vector<1x16xf32>
        tpu.vector_store %arg17[%swap3A_934, %swap3A_935], %swap3A_938 {strides = array<i32>} : memref<42x128xf32, #tpu.memory_space<vmem>>, vector<1x16xf32>,
        %mul3A_939 = arith.constant 20 : i32
        %mul3A_940 = arith.muli %scan3A_174, %mul3A_939 : i32
        %add3A_941 = arith.constant 11 : i32
        %add3A_942 = arith.addi %mul3A_940, %add3A_941 : i32
        %get3A_943 = arith.index_cast %add3A_942 : i32 to index
        %get3A_944 = arith.constant 0 : index
        %get3A_945 = tpu.vector_load %arg13[%get3A_943, %get3A_944] {strides = array<i32>} : memref<320x32xf32, #tpu.memory_space<vmem>>, vector<1x16xf32>,
        %get3A_946 = vector.shape_cast %get3A_945 : vector<1x16xf32> to vector<16xf32>
        %get3A_947 = arith.index_cast %add3A_942 : i32 to index
        %get3A_948 = arith.constant 16 : index
        %get3A_949 = tpu.vector_load %arg13[%get3A_947, %get3A_948] {strides = array<i32>} : memref<320x32xf32, #tpu.memory_space<vmem>>, vector<1x16xf32>,
        %get3A_950 = vector.shape_cast %get3A_949 : vector<1x16xf32> to vector<16xf32>
        %mul3A_951 = arith.mulf %neg3A_183, %get3A_946 : vector<16xf32>
        %mul3A_952 = arith.mulf %neg3A_186, %get3A_950 : vector<16xf32>
        %add3A_953 = arith.addf %mul3A_951, %mul3A_952 : vector<16xf32>
        %jit3A_954 = arith.constant 8 : i32
        %div3A_955 = arith.divsi %add3A_942, %jit3A_954 : i32
        %sign3A_956 = arith.constant 0 : i32
        %sign3A_957 = arith.cmpi sgt, %add3A_942, %sign3A_956 : i32
        %sign3A_958 = arith.extui %sign3A_957 : i1 to i32
        %sign3A_959 = arith.constant 0 : i32
        %sign3A_960 = arith.cmpi slt, %add3A_942, %sign3A_959 : i32
        %sign3A_961 = arith.extui %sign3A_960 : i1 to i32
        %sign3A_962 = arith.subi %sign3A_958, %sign3A_961 : i32
        %sign3A_963 = arith.constant 0 : i32
        %sign3A_964 = arith.cmpi sgt, %jit3A_954, %sign3A_963 : i32
        %sign3A_965 = arith.extui %sign3A_964 : i1 to i32
        %sign3A_966 = arith.constant 0 : i32
        %sign3A_967 = arith.cmpi slt, %jit3A_954, %sign3A_966 : i32
        %sign3A_968 = arith.extui %sign3A_967 : i1 to i32
        %sign3A_969 = arith.subi %sign3A_965, %sign3A_968 : i32
        %ne3A_970 = arith.cmpi ne, %sign3A_962, %sign3A_969 : i32
        %rem3A_971 = arith.remsi %add3A_942, %jit3A_954 : i32
        %ne3A_972 = arith.constant 0 : i32
        %ne3A_973 = arith.cmpi ne, %rem3A_971, %ne3A_972 : i32
        %and3A_974 = arith.andi %ne3A_970, %ne3A_973 : i1
        %sub3A_975 = arith.constant 1 : i32
        %sub3A_976 = arith.subi %div3A_955, %sub3A_975 : i32
        %select_n3A_977 = arith.select %and3A_974, %sub3A_976, %div3A_955 : i32
        %add3A_978 = arith.constant 2 : i32
        %add3A_979 = arith.addi %add3A_978, %select_n3A_977 : i32
        %jit3A_980 = arith.constant 8 : i32
        %eq3A_981 = arith.constant 0 : i32
        %eq3A_982 = arith.cmpi eq, %jit3A_980, %eq3A_981 : i32
        %jit3A_983 = arith.constant 1 : i32
        %select_n3A_984 = arith.select %eq3A_982, %jit3A_983, %jit3A_980 : i32
        %rem3A_985 = arith.remsi %add3A_942, %select_n3A_984 : i32
        %ne3A_986 = arith.constant 0 : i32
        %ne3A_987 = arith.cmpi ne, %rem3A_985, %ne3A_986 : i32
        %lt3A_988 = arith.constant 0 : i32
        %lt3A_989 = arith.cmpi slt, %rem3A_985, %lt3A_988 : i32
        %lt3A_990 = arith.constant 0 : i32
        %lt3A_991 = arith.cmpi slt, %select_n3A_984, %lt3A_990 : i32
        %ne3A_992 = arith.xori %lt3A_989, %lt3A_991 : i1
        %and3A_993 = arith.andi %ne3A_992, %ne3A_987 : i1
        %add3A_994 = arith.addi %rem3A_985, %select_n3A_984 : i32
        %select_n3A_995 = arith.select %and3A_993, %add3A_994, %rem3A_985 : i32
        %mul3A_996 = arith.constant 16 : i32
        %mul3A_997 = arith.muli %select_n3A_995, %mul3A_996 : i32
        %swap3A_998 = arith.index_cast %add3A_979 : i32 to index
        %swap3A_999 = arith.index_cast %mul3A_997 : i32 to index
        %swap3A_1000 = tpu.vector_load %arg17[%swap3A_998, %swap3A_999] {strides = array<i32>} : memref<42x128xf32, #tpu.memory_space<vmem>>, vector<1x16xf32>,
        %swap3A_1001 = vector.shape_cast %swap3A_1000 : vector<1x16xf32> to vector<16xf32>
        %swap3A_1002 = vector.shape_cast %add3A_953 : vector<16xf32> to vector<1x16xf32>
        tpu.vector_store %arg17[%swap3A_998, %swap3A_999], %swap3A_1002 {strides = array<i32>} : memref<42x128xf32, #tpu.memory_space<vmem>>, vector<1x16xf32>,
        %mul3A_1003 = arith.constant 20 : i32
        %mul3A_1004 = arith.muli %scan3A_174, %mul3A_1003 : i32
        %add3A_1005 = arith.constant 12 : i32
        %add3A_1006 = arith.addi %mul3A_1004, %add3A_1005 : i32
        %get3A_1007 = arith.index_cast %add3A_1006 : i32 to index
        %get3A_1008 = arith.constant 0 : index
        %get3A_1009 = tpu.vector_load %arg13[%get3A_1007, %get3A_1008] {strides = array<i32>} : memref<320x32xf32, #tpu.memory_space<vmem>>, vector<1x16xf32>,
        %get3A_1010 = vector.shape_cast %get3A_1009 : vector<1x16xf32> to vector<16xf32>
        %get3A_1011 = arith.index_cast %add3A_1006 : i32 to index
        %get3A_1012 = arith.constant 16 : index
        %get3A_1013 = tpu.vector_load %arg13[%get3A_1011, %get3A_1012] {strides = array<i32>} : memref<320x32xf32, #tpu.memory_space<vmem>>, vector<1x16xf32>,
        %get3A_1014 = vector.shape_cast %get3A_1013 : vector<1x16xf32> to vector<16xf32>
        %mul3A_1015 = arith.mulf %neg3A_183, %get3A_1010 : vector<16xf32>
        %mul3A_1016 = arith.mulf %neg3A_186, %get3A_1014 : vector<16xf32>
        %add3A_1017 = arith.addf %mul3A_1015, %mul3A_1016 : vector<16xf32>
        %jit3A_1018 = arith.constant 8 : i32
        %div3A_1019 = arith.divsi %add3A_1006, %jit3A_1018 : i32
        %sign3A_1020 = arith.constant 0 : i32
        %sign3A_1021 = arith.cmpi sgt, %add3A_1006, %sign3A_1020 : i32
        %sign3A_1022 = arith.extui %sign3A_1021 : i1 to i32
        %sign3A_1023 = arith.constant 0 : i32
        %sign3A_1024 = arith.cmpi slt, %add3A_1006, %sign3A_1023 : i32
        %sign3A_1025 = arith.extui %sign3A_1024 : i1 to i32
        %sign3A_1026 = arith.subi %sign3A_1022, %sign3A_1025 : i32
        %sign3A_1027 = arith.constant 0 : i32
        %sign3A_1028 = arith.cmpi sgt, %jit3A_1018, %sign3A_1027 : i32
        %sign3A_1029 = arith.extui %sign3A_1028 : i1 to i32
        %sign3A_1030 = arith.constant 0 : i32
        %sign3A_1031 = arith.cmpi slt, %jit3A_1018, %sign3A_1030 : i32
        %sign3A_1032 = arith.extui %sign3A_1031 : i1 to i32
        %sign3A_1033 = arith.subi %sign3A_1029, %sign3A_1032 : i32
        %ne3A_1034 = arith.cmpi ne, %sign3A_1026, %sign3A_1033 : i32
        %rem3A_1035 = arith.remsi %add3A_1006, %jit3A_1018 : i32
        %ne3A_1036 = arith.constant 0 : i32
        %ne3A_1037 = arith.cmpi ne, %rem3A_1035, %ne3A_1036 : i32
        %and3A_1038 = arith.andi %ne3A_1034, %ne3A_1037 : i1
        %sub3A_1039 = arith.constant 1 : i32
        %sub3A_1040 = arith.subi %div3A_1019, %sub3A_1039 : i32
        %select_n3A_1041 = arith.select %and3A_1038, %sub3A_1040, %div3A_1019 : i32
        %add3A_1042 = arith.constant 2 : i32
        %add3A_1043 = arith.addi %add3A_1042, %select_n3A_1041 : i32
        %jit3A_1044 = arith.constant 8 : i32
        %eq3A_1045 = arith.constant 0 : i32
        %eq3A_1046 = arith.cmpi eq, %jit3A_1044, %eq3A_1045 : i32
        %jit3A_1047 = arith.constant 1 : i32
        %select_n3A_1048 = arith.select %eq3A_1046, %jit3A_1047, %jit3A_1044 : i32
        %rem3A_1049 = arith.remsi %add3A_1006, %select_n3A_1048 : i32
        %ne3A_1050 = arith.constant 0 : i32
        %ne3A_1051 = arith.cmpi ne, %rem3A_1049, %ne3A_1050 : i32
        %lt3A_1052 = arith.constant 0 : i32
        %lt3A_1053 = arith.cmpi slt, %rem3A_1049, %lt3A_1052 : i32
        %lt3A_1054 = arith.constant 0 : i32
        %lt3A_1055 = arith.cmpi slt, %select_n3A_1048, %lt3A_1054 : i32
        %ne3A_1056 = arith.xori %lt3A_1053, %lt3A_1055 : i1
        %and3A_1057 = arith.andi %ne3A_1056, %ne3A_1051 : i1
        %add3A_1058 = arith.addi %rem3A_1049, %select_n3A_1048 : i32
        %select_n3A_1059 = arith.select %and3A_1057, %add3A_1058, %rem3A_1049 : i32
        %mul3A_1060 = arith.constant 16 : i32
        %mul3A_1061 = arith.muli %select_n3A_1059, %mul3A_1060 : i32
        %swap3A_1062 = arith.index_cast %add3A_1043 : i32 to index
        %swap3A_1063 = arith.index_cast %mul3A_1061 : i32 to index
        %swap3A_1064 = tpu.vector_load %arg17[%swap3A_1062, %swap3A_1063] {strides = array<i32>} : memref<42x128xf32, #tpu.memory_space<vmem>>, vector<1x16xf32>,
        %swap3A_1065 = vector.shape_cast %swap3A_1064 : vector<1x16xf32> to vector<16xf32>
        %swap3A_1066 = vector.shape_cast %add3A_1017 : vector<16xf32> to vector<1x16xf32>
        tpu.vector_store %arg17[%swap3A_1062, %swap3A_1063], %swap3A_1066 {strides = array<i32>} : memref<42x128xf32, #tpu.memory_space<vmem>>, vector<1x16xf32>,
        %mul3A_1067 = arith.constant 20 : i32
        %mul3A_1068 = arith.muli %scan3A_174, %mul3A_1067 : i32
        %add3A_1069 = arith.constant 13 : i32
        %add3A_1070 = arith.addi %mul3A_1068, %add3A_1069 : i32
        %get3A_1071 = arith.index_cast %add3A_1070 : i32 to index
        %get3A_1072 = arith.constant 0 : index
        %get3A_1073 = tpu.vector_load %arg13[%get3A_1071, %get3A_1072] {strides = array<i32>} : memref<320x32xf32, #tpu.memory_space<vmem>>, vector<1x16xf32>,
        %get3A_1074 = vector.shape_cast %get3A_1073 : vector<1x16xf32> to vector<16xf32>
        %get3A_1075 = arith.index_cast %add3A_1070 : i32 to index
        %get3A_1076 = arith.constant 16 : index
        %get3A_1077 = tpu.vector_load %arg13[%get3A_1075, %get3A_1076] {strides = array<i32>} : memref<320x32xf32, #tpu.memory_space<vmem>>, vector<1x16xf32>,
        %get3A_1078 = vector.shape_cast %get3A_1077 : vector<1x16xf32> to vector<16xf32>
        %mul3A_1079 = arith.mulf %neg3A_183, %get3A_1074 : vector<16xf32>
        %mul3A_1080 = arith.mulf %neg3A_186, %get3A_1078 : vector<16xf32>
        %add3A_1081 = arith.addf %mul3A_1079, %mul3A_1080 : vector<16xf32>
        %jit3A_1082 = arith.constant 8 : i32
        %div3A_1083 = arith.divsi %add3A_1070, %jit3A_1082 : i32
        %sign3A_1084 = arith.constant 0 : i32
        %sign3A_1085 = arith.cmpi sgt, %add3A_1070, %sign3A_1084 : i32
        %sign3A_1086 = arith.extui %sign3A_1085 : i1 to i32
        %sign3A_1087 = arith.constant 0 : i32
        %sign3A_1088 = arith.cmpi slt, %add3A_1070, %sign3A_1087 : i32
        %sign3A_1089 = arith.extui %sign3A_1088 : i1 to i32
        %sign3A_1090 = arith.subi %sign3A_1086, %sign3A_1089 : i32
        %sign3A_1091 = arith.constant 0 : i32
        %sign3A_1092 = arith.cmpi sgt, %jit3A_1082, %sign3A_1091 : i32
        %sign3A_1093 = arith.extui %sign3A_1092 : i1 to i32
        %sign3A_1094 = arith.constant 0 : i32
        %sign3A_1095 = arith.cmpi slt, %jit3A_1082, %sign3A_1094 : i32
        %sign3A_1096 = arith.extui %sign3A_1095 : i1 to i32
        %sign3A_1097 = arith.subi %sign3A_1093, %sign3A_1096 : i32
        %ne3A_1098 = arith.cmpi ne, %sign3A_1090, %sign3A_1097 : i32
        %rem3A_1099 = arith.remsi %add3A_1070, %jit3A_1082 : i32
        %ne3A_1100 = arith.constant 0 : i32
        %ne3A_1101 = arith.cmpi ne, %rem3A_1099, %ne3A_1100 : i32
        %and3A_1102 = arith.andi %ne3A_1098, %ne3A_1101 : i1
        %sub3A_1103 = arith.constant 1 : i32
        %sub3A_1104 = arith.subi %div3A_1083, %sub3A_1103 : i32
        %select_n3A_1105 = arith.select %and3A_1102, %sub3A_1104, %div3A_1083 : i32
        %add3A_1106 = arith.constant 2 : i32
        %add3A_1107 = arith.addi %add3A_1106, %select_n3A_1105 : i32
        %jit3A_1108 = arith.constant 8 : i32
        %eq3A_1109 = arith.constant 0 : i32
        %eq3A_1110 = arith.cmpi eq, %jit3A_1108, %eq3A_1109 : i32
        %jit3A_1111 = arith.constant 1 : i32
        %select_n3A_1112 = arith.select %eq3A_1110, %jit3A_1111, %jit3A_1108 : i32
        %rem3A_1113 = arith.remsi %add3A_1070, %select_n3A_1112 : i32
        %ne3A_1114 = arith.constant 0 : i32
        %ne3A_1115 = arith.cmpi ne, %rem3A_1113, %ne3A_1114 : i32
        %lt3A_1116 = arith.constant 0 : i32
        %lt3A_1117 = arith.cmpi slt, %rem3A_1113, %lt3A_1116 : i32
        %lt3A_1118 = arith.constant 0 : i32
        %lt3A_1119 = arith.cmpi slt, %select_n3A_1112, %lt3A_1118 : i32
        %ne3A_1120 = arith.xori %lt3A_1117, %lt3A_1119 : i1
        %and3A_1121 = arith.andi %ne3A_1120, %ne3A_1115 : i1
        %add3A_1122 = arith.addi %rem3A_1113, %select_n3A_1112 : i32
        %select_n3A_1123 = arith.select %and3A_1121, %add3A_1122, %rem3A_1113 : i32
        %mul3A_1124 = arith.constant 16 : i32
        %mul3A_1125 = arith.muli %select_n3A_1123, %mul3A_1124 : i32
        %swap3A_1126 = arith.index_cast %add3A_1107 : i32 to index
        %swap3A_1127 = arith.index_cast %mul3A_1125 : i32 to index
        %swap3A_1128 = tpu.vector_load %arg17[%swap3A_1126, %swap3A_1127] {strides = array<i32>} : memref<42x128xf32, #tpu.memory_space<vmem>>, vector<1x16xf32>,
        %swap3A_1129 = vector.shape_cast %swap3A_1128 : vector<1x16xf32> to vector<16xf32>
        %swap3A_1130 = vector.shape_cast %add3A_1081 : vector<16xf32> to vector<1x16xf32>
        tpu.vector_store %arg17[%swap3A_1126, %swap3A_1127], %swap3A_1130 {strides = array<i32>} : memref<42x128xf32, #tpu.memory_space<vmem>>, vector<1x16xf32>,
        %mul3A_1131 = arith.constant 20 : i32
        %mul3A_1132 = arith.muli %scan3A_174, %mul3A_1131 : i32
        %add3A_1133 = arith.constant 14 : i32
        %add3A_1134 = arith.addi %mul3A_1132, %add3A_1133 : i32
        %get3A_1135 = arith.index_cast %add3A_1134 : i32 to index
        %get3A_1136 = arith.constant 0 : index
        %get3A_1137 = tpu.vector_load %arg13[%get3A_1135, %get3A_1136] {strides = array<i32>} : memref<320x32xf32, #tpu.memory_space<vmem>>, vector<1x16xf32>,
        %get3A_1138 = vector.shape_cast %get3A_1137 : vector<1x16xf32> to vector<16xf32>
        %get3A_1139 = arith.index_cast %add3A_1134 : i32 to index
        %get3A_1140 = arith.constant 16 : index
        %get3A_1141 = tpu.vector_load %arg13[%get3A_1139, %get3A_1140] {strides = array<i32>} : memref<320x32xf32, #tpu.memory_space<vmem>>, vector<1x16xf32>,
        %get3A_1142 = vector.shape_cast %get3A_1141 : vector<1x16xf32> to vector<16xf32>
        %mul3A_1143 = arith.mulf %neg3A_183, %get3A_1138 : vector<16xf32>
        %mul3A_1144 = arith.mulf %neg3A_186, %get3A_1142 : vector<16xf32>
        %add3A_1145 = arith.addf %mul3A_1143, %mul3A_1144 : vector<16xf32>
        %jit3A_1146 = arith.constant 8 : i32
        %div3A_1147 = arith.divsi %add3A_1134, %jit3A_1146 : i32
        %sign3A_1148 = arith.constant 0 : i32
        %sign3A_1149 = arith.cmpi sgt, %add3A_1134, %sign3A_1148 : i32
        %sign3A_1150 = arith.extui %sign3A_1149 : i1 to i32
        %sign3A_1151 = arith.constant 0 : i32
        %sign3A_1152 = arith.cmpi slt, %add3A_1134, %sign3A_1151 : i32
        %sign3A_1153 = arith.extui %sign3A_1152 : i1 to i32
        %sign3A_1154 = arith.subi %sign3A_1150, %sign3A_1153 : i32
        %sign3A_1155 = arith.constant 0 : i32
        %sign3A_1156 = arith.cmpi sgt, %jit3A_1146, %sign3A_1155 : i32
        %sign3A_1157 = arith.extui %sign3A_1156 : i1 to i32
        %sign3A_1158 = arith.constant 0 : i32
        %sign3A_1159 = arith.cmpi slt, %jit3A_1146, %sign3A_1158 : i32
        %sign3A_1160 = arith.extui %sign3A_1159 : i1 to i32
        %sign3A_1161 = arith.subi %sign3A_1157, %sign3A_1160 : i32
        %ne3A_1162 = arith.cmpi ne, %sign3A_1154, %sign3A_1161 : i32
        %rem3A_1163 = arith.remsi %add3A_1134, %jit3A_1146 : i32
        %ne3A_1164 = arith.constant 0 : i32
        %ne3A_1165 = arith.cmpi ne, %rem3A_1163, %ne3A_1164 : i32
        %and3A_1166 = arith.andi %ne3A_1162, %ne3A_1165 : i1
        %sub3A_1167 = arith.constant 1 : i32
        %sub3A_1168 = arith.subi %div3A_1147, %sub3A_1167 : i32
        %select_n3A_1169 = arith.select %and3A_1166, %sub3A_1168, %div3A_1147 : i32
        %add3A_1170 = arith.constant 2 : i32
        %add3A_1171 = arith.addi %add3A_1170, %select_n3A_1169 : i32
        %jit3A_1172 = arith.constant 8 : i32
        %eq3A_1173 = arith.constant 0 : i32
        %eq3A_1174 = arith.cmpi eq, %jit3A_1172, %eq3A_1173 : i32
        %jit3A_1175 = arith.constant 1 : i32
        %select_n3A_1176 = arith.select %eq3A_1174, %jit3A_1175, %jit3A_1172 : i32
        %rem3A_1177 = arith.remsi %add3A_1134, %select_n3A_1176 : i32
        %ne3A_1178 = arith.constant 0 : i32
        %ne3A_1179 = arith.cmpi ne, %rem3A_1177, %ne3A_1178 : i32
        %lt3A_1180 = arith.constant 0 : i32
        %lt3A_1181 = arith.cmpi slt, %rem3A_1177, %lt3A_1180 : i32
        %lt3A_1182 = arith.constant 0 : i32
        %lt3A_1183 = arith.cmpi slt, %select_n3A_1176, %lt3A_1182 : i32
        %ne3A_1184 = arith.xori %lt3A_1181, %lt3A_1183 : i1
        %and3A_1185 = arith.andi %ne3A_1184, %ne3A_1179 : i1
        %add3A_1186 = arith.addi %rem3A_1177, %select_n3A_1176 : i32
        %select_n3A_1187 = arith.select %and3A_1185, %add3A_1186, %rem3A_1177 : i32
        %mul3A_1188 = arith.constant 16 : i32
        %mul3A_1189 = arith.muli %select_n3A_1187, %mul3A_1188 : i32
        %swap3A_1190 = arith.index_cast %add3A_1171 : i32 to index
        %swap3A_1191 = arith.index_cast %mul3A_1189 : i32 to index
        %swap3A_1192 = tpu.vector_load %arg17[%swap3A_1190, %swap3A_1191] {strides = array<i32>} : memref<42x128xf32, #tpu.memory_space<vmem>>, vector<1x16xf32>,
        %swap3A_1193 = vector.shape_cast %swap3A_1192 : vector<1x16xf32> to vector<16xf32>
        %swap3A_1194 = vector.shape_cast %add3A_1145 : vector<16xf32> to vector<1x16xf32>
        tpu.vector_store %arg17[%swap3A_1190, %swap3A_1191], %swap3A_1194 {strides = array<i32>} : memref<42x128xf32, #tpu.memory_space<vmem>>, vector<1x16xf32>,
        %mul3A_1195 = arith.constant 20 : i32
        %mul3A_1196 = arith.muli %scan3A_174, %mul3A_1195 : i32
        %add3A_1197 = arith.constant 15 : i32
        %add3A_1198 = arith.addi %mul3A_1196, %add3A_1197 : i32
        %get3A_1199 = arith.index_cast %add3A_1198 : i32 to index
        %get3A_1200 = arith.constant 0 : index
        %get3A_1201 = tpu.vector_load %arg13[%get3A_1199, %get3A_1200] {strides = array<i32>} : memref<320x32xf32, #tpu.memory_space<vmem>>, vector<1x16xf32>,
        %get3A_1202 = vector.shape_cast %get3A_1201 : vector<1x16xf32> to vector<16xf32>
        %get3A_1203 = arith.index_cast %add3A_1198 : i32 to index
        %get3A_1204 = arith.constant 16 : index
        %get3A_1205 = tpu.vector_load %arg13[%get3A_1203, %get3A_1204] {strides = array<i32>} : memref<320x32xf32, #tpu.memory_space<vmem>>, vector<1x16xf32>,
        %get3A_1206 = vector.shape_cast %get3A_1205 : vector<1x16xf32> to vector<16xf32>
        %mul3A_1207 = arith.mulf %neg3A_183, %get3A_1202 : vector<16xf32>
        %mul3A_1208 = arith.mulf %neg3A_186, %get3A_1206 : vector<16xf32>
        %add3A_1209 = arith.addf %mul3A_1207, %mul3A_1208 : vector<16xf32>
        %jit3A_1210 = arith.constant 8 : i32
        %div3A_1211 = arith.divsi %add3A_1198, %jit3A_1210 : i32
        %sign3A_1212 = arith.constant 0 : i32
        %sign3A_1213 = arith.cmpi sgt, %add3A_1198, %sign3A_1212 : i32
        %sign3A_1214 = arith.extui %sign3A_1213 : i1 to i32
        %sign3A_1215 = arith.constant 0 : i32
        %sign3A_1216 = arith.cmpi slt, %add3A_1198, %sign3A_1215 : i32
        %sign3A_1217 = arith.extui %sign3A_1216 : i1 to i32
        %sign3A_1218 = arith.subi %sign3A_1214, %sign3A_1217 : i32
        %sign3A_1219 = arith.constant 0 : i32
        %sign3A_1220 = arith.cmpi sgt, %jit3A_1210, %sign3A_1219 : i32
        %sign3A_1221 = arith.extui %sign3A_1220 : i1 to i32
        %sign3A_1222 = arith.constant 0 : i32
        %sign3A_1223 = arith.cmpi slt, %jit3A_1210, %sign3A_1222 : i32
        %sign3A_1224 = arith.extui %sign3A_1223 : i1 to i32
        %sign3A_1225 = arith.subi %sign3A_1221, %sign3A_1224 : i32
        %ne3A_1226 = arith.cmpi ne, %sign3A_1218, %sign3A_1225 : i32
        %rem3A_1227 = arith.remsi %add3A_1198, %jit3A_1210 : i32
        %ne3A_1228 = arith.constant 0 : i32
        %ne3A_1229 = arith.cmpi ne, %rem3A_1227, %ne3A_1228 : i32
        %and3A_1230 = arith.andi %ne3A_1226, %ne3A_1229 : i1
        %sub3A_1231 = arith.constant 1 : i32
        %sub3A_1232 = arith.subi %div3A_1211, %sub3A_1231 : i32
        %select_n3A_1233 = arith.select %and3A_1230, %sub3A_1232, %div3A_1211 : i32
        %add3A_1234 = arith.constant 2 : i32
        %add3A_1235 = arith.addi %add3A_1234, %select_n3A_1233 : i32
        %jit3A_1236 = arith.constant 8 : i32
        %eq3A_1237 = arith.constant 0 : i32
        %eq3A_1238 = arith.cmpi eq, %jit3A_1236, %eq3A_1237 : i32
        %jit3A_1239 = arith.constant 1 : i32
        %select_n3A_1240 = arith.select %eq3A_1238, %jit3A_1239, %jit3A_1236 : i32
        %rem3A_1241 = arith.remsi %add3A_1198, %select_n3A_1240 : i32
        %ne3A_1242 = arith.constant 0 : i32
        %ne3A_1243 = arith.cmpi ne, %rem3A_1241, %ne3A_1242 : i32
        %lt3A_1244 = arith.constant 0 : i32
        %lt3A_1245 = arith.cmpi slt, %rem3A_1241, %lt3A_1244 : i32
        %lt3A_1246 = arith.constant 0 : i32
        %lt3A_1247 = arith.cmpi slt, %select_n3A_1240, %lt3A_1246 : i32
        %ne3A_1248 = arith.xori %lt3A_1245, %lt3A_1247 : i1
        %and3A_1249 = arith.andi %ne3A_1248, %ne3A_1243 : i1
        %add3A_1250 = arith.addi %rem3A_1241, %select_n3A_1240 : i32
        %select_n3A_1251 = arith.select %and3A_1249, %add3A_1250, %rem3A_1241 : i32
        %mul3A_1252 = arith.constant 16 : i32
        %mul3A_1253 = arith.muli %select_n3A_1251, %mul3A_1252 : i32
        %swap3A_1254 = arith.index_cast %add3A_1235 : i32 to index
        %swap3A_1255 = arith.index_cast %mul3A_1253 : i32 to index
        %swap3A_1256 = tpu.vector_load %arg17[%swap3A_1254, %swap3A_1255] {strides = array<i32>} : memref<42x128xf32, #tpu.memory_space<vmem>>, vector<1x16xf32>,
        %swap3A_1257 = vector.shape_cast %swap3A_1256 : vector<1x16xf32> to vector<16xf32>
        %swap3A_1258 = vector.shape_cast %add3A_1209 : vector<16xf32> to vector<1x16xf32>
        tpu.vector_store %arg17[%swap3A_1254, %swap3A_1255], %swap3A_1258 {strides = array<i32>} : memref<42x128xf32, #tpu.memory_space<vmem>>, vector<1x16xf32>,
        %mul3A_1259 = arith.constant 20 : i32
        %mul3A_1260 = arith.muli %scan3A_174, %mul3A_1259 : i32
        %add3A_1261 = arith.constant 16 : i32
        %add3A_1262 = arith.addi %mul3A_1260, %add3A_1261 : i32
        %get3A_1263 = arith.index_cast %add3A_1262 : i32 to index
        %get3A_1264 = arith.constant 0 : index
        %get3A_1265 = tpu.vector_load %arg13[%get3A_1263, %get3A_1264] {strides = array<i32>} : memref<320x32xf32, #tpu.memory_space<vmem>>, vector<1x16xf32>,
        %get3A_1266 = vector.shape_cast %get3A_1265 : vector<1x16xf32> to vector<16xf32>
        %get3A_1267 = arith.index_cast %add3A_1262 : i32 to index
        %get3A_1268 = arith.constant 16 : index
        %get3A_1269 = tpu.vector_load %arg13[%get3A_1267, %get3A_1268] {strides = array<i32>} : memref<320x32xf32, #tpu.memory_space<vmem>>, vector<1x16xf32>,
        %get3A_1270 = vector.shape_cast %get3A_1269 : vector<1x16xf32> to vector<16xf32>
        %mul3A_1271 = arith.mulf %neg3A_183, %get3A_1266 : vector<16xf32>
        %mul3A_1272 = arith.mulf %neg3A_186, %get3A_1270 : vector<16xf32>
        %add3A_1273 = arith.addf %mul3A_1271, %mul3A_1272 : vector<16xf32>
        %jit3A_1274 = arith.constant 8 : i32
        %div3A_1275 = arith.divsi %add3A_1262, %jit3A_1274 : i32
        %sign3A_1276 = arith.constant 0 : i32
        %sign3A_1277 = arith.cmpi sgt, %add3A_1262, %sign3A_1276 : i32
        %sign3A_1278 = arith.extui %sign3A_1277 : i1 to i32
        %sign3A_1279 = arith.constant 0 : i32
        %sign3A_1280 = arith.cmpi slt, %add3A_1262, %sign3A_1279 : i32
        %sign3A_1281 = arith.extui %sign3A_1280 : i1 to i32
        %sign3A_1282 = arith.subi %sign3A_1278, %sign3A_1281 : i32
        %sign3A_1283 = arith.constant 0 : i32
        %sign3A_1284 = arith.cmpi sgt, %jit3A_1274, %sign3A_1283 : i32
        %sign3A_1285 = arith.extui %sign3A_1284 : i1 to i32
        %sign3A_1286 = arith.constant 0 : i32
        %sign3A_1287 = arith.cmpi slt, %jit3A_1274, %sign3A_1286 : i32
        %sign3A_1288 = arith.extui %sign3A_1287 : i1 to i32
        %sign3A_1289 = arith.subi %sign3A_1285, %sign3A_1288 : i32
        %ne3A_1290 = arith.cmpi ne, %sign3A_1282, %sign3A_1289 : i32
        %rem3A_1291 = arith.remsi %add3A_1262, %jit3A_1274 : i32
        %ne3A_1292 = arith.constant 0 : i32
        %ne3A_1293 = arith.cmpi ne, %rem3A_1291, %ne3A_1292 : i32
        %and3A_1294 = arith.andi %ne3A_1290, %ne3A_1293 : i1
        %sub3A_1295 = arith.constant 1 : i32
        %sub3A_1296 = arith.subi %div3A_1275, %sub3A_1295 : i32
        %select_n3A_1297 = arith.select %and3A_1294, %sub3A_1296, %div3A_1275 : i32
        %add3A_1298 = arith.constant 2 : i32
        %add3A_1299 = arith.addi %add3A_1298, %select_n3A_1297 : i32
        %jit3A_1300 = arith.constant 8 : i32
        %eq3A_1301 = arith.constant 0 : i32
        %eq3A_1302 = arith.cmpi eq, %jit3A_1300, %eq3A_1301 : i32
        %jit3A_1303 = arith.constant 1 : i32
        %select_n3A_1304 = arith.select %eq3A_1302, %jit3A_1303, %jit3A_1300 : i32
        %rem3A_1305 = arith.remsi %add3A_1262, %select_n3A_1304 : i32
        %ne3A_1306 = arith.constant 0 : i32
        %ne3A_1307 = arith.cmpi ne, %rem3A_1305, %ne3A_1306 : i32
        %lt3A_1308 = arith.constant 0 : i32
        %lt3A_1309 = arith.cmpi slt, %rem3A_1305, %lt3A_1308 : i32
        %lt3A_1310 = arith.constant 0 : i32
        %lt3A_1311 = arith.cmpi slt, %select_n3A_1304, %lt3A_1310 : i32
        %ne3A_1312 = arith.xori %lt3A_1309, %lt3A_1311 : i1
        %and3A_1313 = arith.andi %ne3A_1312, %ne3A_1307 : i1
        %add3A_1314 = arith.addi %rem3A_1305, %select_n3A_1304 : i32
        %select_n3A_1315 = arith.select %and3A_1313, %add3A_1314, %rem3A_1305 : i32
        %mul3A_1316 = arith.constant 16 : i32
        %mul3A_1317 = arith.muli %select_n3A_1315, %mul3A_1316 : i32
        %swap3A_1318 = arith.index_cast %add3A_1299 : i32 to index
        %swap3A_1319 = arith.index_cast %mul3A_1317 : i32 to index
        %swap3A_1320 = tpu.vector_load %arg17[%swap3A_1318, %swap3A_1319] {strides = array<i32>} : memref<42x128xf32, #tpu.memory_space<vmem>>, vector<1x16xf32>,
        %swap3A_1321 = vector.shape_cast %swap3A_1320 : vector<1x16xf32> to vector<16xf32>
        %swap3A_1322 = vector.shape_cast %add3A_1273 : vector<16xf32> to vector<1x16xf32>
        tpu.vector_store %arg17[%swap3A_1318, %swap3A_1319], %swap3A_1322 {strides = array<i32>} : memref<42x128xf32, #tpu.memory_space<vmem>>, vector<1x16xf32>,
        %mul3A_1323 = arith.constant 20 : i32
        %mul3A_1324 = arith.muli %scan3A_174, %mul3A_1323 : i32
        %add3A_1325 = arith.constant 17 : i32
        %add3A_1326 = arith.addi %mul3A_1324, %add3A_1325 : i32
        %get3A_1327 = arith.index_cast %add3A_1326 : i32 to index
        %get3A_1328 = arith.constant 0 : index
        %get3A_1329 = tpu.vector_load %arg13[%get3A_1327, %get3A_1328] {strides = array<i32>} : memref<320x32xf32, #tpu.memory_space<vmem>>, vector<1x16xf32>,
        %get3A_1330 = vector.shape_cast %get3A_1329 : vector<1x16xf32> to vector<16xf32>
        %get3A_1331 = arith.index_cast %add3A_1326 : i32 to index
        %get3A_1332 = arith.constant 16 : index
        %get3A_1333 = tpu.vector_load %arg13[%get3A_1331, %get3A_1332] {strides = array<i32>} : memref<320x32xf32, #tpu.memory_space<vmem>>, vector<1x16xf32>,
        %get3A_1334 = vector.shape_cast %get3A_1333 : vector<1x16xf32> to vector<16xf32>
        %mul3A_1335 = arith.mulf %neg3A_183, %get3A_1330 : vector<16xf32>
        %mul3A_1336 = arith.mulf %neg3A_186, %get3A_1334 : vector<16xf32>
        %add3A_1337 = arith.addf %mul3A_1335, %mul3A_1336 : vector<16xf32>
        %jit3A_1338 = arith.constant 8 : i32
        %div3A_1339 = arith.divsi %add3A_1326, %jit3A_1338 : i32
        %sign3A_1340 = arith.constant 0 : i32
        %sign3A_1341 = arith.cmpi sgt, %add3A_1326, %sign3A_1340 : i32
        %sign3A_1342 = arith.extui %sign3A_1341 : i1 to i32
        %sign3A_1343 = arith.constant 0 : i32
        %sign3A_1344 = arith.cmpi slt, %add3A_1326, %sign3A_1343 : i32
        %sign3A_1345 = arith.extui %sign3A_1344 : i1 to i32
        %sign3A_1346 = arith.subi %sign3A_1342, %sign3A_1345 : i32
        %sign3A_1347 = arith.constant 0 : i32
        %sign3A_1348 = arith.cmpi sgt, %jit3A_1338, %sign3A_1347 : i32
        %sign3A_1349 = arith.extui %sign3A_1348 : i1 to i32
        %sign3A_1350 = arith.constant 0 : i32
        %sign3A_1351 = arith.cmpi slt, %jit3A_1338, %sign3A_1350 : i32
        %sign3A_1352 = arith.extui %sign3A_1351 : i1 to i32
        %sign3A_1353 = arith.subi %sign3A_1349, %sign3A_1352 : i32
        %ne3A_1354 = arith.cmpi ne, %sign3A_1346, %sign3A_1353 : i32
        %rem3A_1355 = arith.remsi %add3A_1326, %jit3A_1338 : i32
        %ne3A_1356 = arith.constant 0 : i32
        %ne3A_1357 = arith.cmpi ne, %rem3A_1355, %ne3A_1356 : i32
        %and3A_1358 = arith.andi %ne3A_1354, %ne3A_1357 : i1
        %sub3A_1359 = arith.constant 1 : i32
        %sub3A_1360 = arith.subi %div3A_1339, %sub3A_1359 : i32
        %select_n3A_1361 = arith.select %and3A_1358, %sub3A_1360, %div3A_1339 : i32
        %add3A_1362 = arith.constant 2 : i32
        %add3A_1363 = arith.addi %add3A_1362, %select_n3A_1361 : i32
        %jit3A_1364 = arith.constant 8 : i32
        %eq3A_1365 = arith.constant 0 : i32
        %eq3A_1366 = arith.cmpi eq, %jit3A_1364, %eq3A_1365 : i32
        %jit3A_1367 = arith.constant 1 : i32
        %select_n3A_1368 = arith.select %eq3A_1366, %jit3A_1367, %jit3A_1364 : i32
        %rem3A_1369 = arith.remsi %add3A_1326, %select_n3A_1368 : i32
        %ne3A_1370 = arith.constant 0 : i32
        %ne3A_1371 = arith.cmpi ne, %rem3A_1369, %ne3A_1370 : i32
        %lt3A_1372 = arith.constant 0 : i32
        %lt3A_1373 = arith.cmpi slt, %rem3A_1369, %lt3A_1372 : i32
        %lt3A_1374 = arith.constant 0 : i32
        %lt3A_1375 = arith.cmpi slt, %select_n3A_1368, %lt3A_1374 : i32
        %ne3A_1376 = arith.xori %lt3A_1373, %lt3A_1375 : i1
        %and3A_1377 = arith.andi %ne3A_1376, %ne3A_1371 : i1
        %add3A_1378 = arith.addi %rem3A_1369, %select_n3A_1368 : i32
        %select_n3A_1379 = arith.select %and3A_1377, %add3A_1378, %rem3A_1369 : i32
        %mul3A_1380 = arith.constant 16 : i32
        %mul3A_1381 = arith.muli %select_n3A_1379, %mul3A_1380 : i32
        %swap3A_1382 = arith.index_cast %add3A_1363 : i32 to index
        %swap3A_1383 = arith.index_cast %mul3A_1381 : i32 to index
        %swap3A_1384 = tpu.vector_load %arg17[%swap3A_1382, %swap3A_1383] {strides = array<i32>} : memref<42x128xf32, #tpu.memory_space<vmem>>, vector<1x16xf32>,
        %swap3A_1385 = vector.shape_cast %swap3A_1384 : vector<1x16xf32> to vector<16xf32>
        %swap3A_1386 = vector.shape_cast %add3A_1337 : vector<16xf32> to vector<1x16xf32>
        tpu.vector_store %arg17[%swap3A_1382, %swap3A_1383], %swap3A_1386 {strides = array<i32>} : memref<42x128xf32, #tpu.memory_space<vmem>>, vector<1x16xf32>,
        %mul3A_1387 = arith.constant 20 : i32
        %mul3A_1388 = arith.muli %scan3A_174, %mul3A_1387 : i32
        %add3A_1389 = arith.constant 18 : i32
        %add3A_1390 = arith.addi %mul3A_1388, %add3A_1389 : i32
        %get3A_1391 = arith.index_cast %add3A_1390 : i32 to index
        %get3A_1392 = arith.constant 0 : index
        %get3A_1393 = tpu.vector_load %arg13[%get3A_1391, %get3A_1392] {strides = array<i32>} : memref<320x32xf32, #tpu.memory_space<vmem>>, vector<1x16xf32>,
        %get3A_1394 = vector.shape_cast %get3A_1393 : vector<1x16xf32> to vector<16xf32>
        %get3A_1395 = arith.index_cast %add3A_1390 : i32 to index
        %get3A_1396 = arith.constant 16 : index
        %get3A_1397 = tpu.vector_load %arg13[%get3A_1395, %get3A_1396] {strides = array<i32>} : memref<320x32xf32, #tpu.memory_space<vmem>>, vector<1x16xf32>,
        %get3A_1398 = vector.shape_cast %get3A_1397 : vector<1x16xf32> to vector<16xf32>
        %mul3A_1399 = arith.mulf %neg3A_183, %get3A_1394 : vector<16xf32>
        %mul3A_1400 = arith.mulf %neg3A_186, %get3A_1398 : vector<16xf32>
        %add3A_1401 = arith.addf %mul3A_1399, %mul3A_1400 : vector<16xf32>
        %jit3A_1402 = arith.constant 8 : i32
        %div3A_1403 = arith.divsi %add3A_1390, %jit3A_1402 : i32
        %sign3A_1404 = arith.constant 0 : i32
        %sign3A_1405 = arith.cmpi sgt, %add3A_1390, %sign3A_1404 : i32
        %sign3A_1406 = arith.extui %sign3A_1405 : i1 to i32
        %sign3A_1407 = arith.constant 0 : i32
        %sign3A_1408 = arith.cmpi slt, %add3A_1390, %sign3A_1407 : i32
        %sign3A_1409 = arith.extui %sign3A_1408 : i1 to i32
        %sign3A_1410 = arith.subi %sign3A_1406, %sign3A_1409 : i32
        %sign3A_1411 = arith.constant 0 : i32
        %sign3A_1412 = arith.cmpi sgt, %jit3A_1402, %sign3A_1411 : i32
        %sign3A_1413 = arith.extui %sign3A_1412 : i1 to i32
        %sign3A_1414 = arith.constant 0 : i32
        %sign3A_1415 = arith.cmpi slt, %jit3A_1402, %sign3A_1414 : i32
        %sign3A_1416 = arith.extui %sign3A_1415 : i1 to i32
        %sign3A_1417 = arith.subi %sign3A_1413, %sign3A_1416 : i32
        %ne3A_1418 = arith.cmpi ne, %sign3A_1410, %sign3A_1417 : i32
        %rem3A_1419 = arith.remsi %add3A_1390, %jit3A_1402 : i32
        %ne3A_1420 = arith.constant 0 : i32
        %ne3A_1421 = arith.cmpi ne, %rem3A_1419, %ne3A_1420 : i32
        %and3A_1422 = arith.andi %ne3A_1418, %ne3A_1421 : i1
        %sub3A_1423 = arith.constant 1 : i32
        %sub3A_1424 = arith.subi %div3A_1403, %sub3A_1423 : i32
        %select_n3A_1425 = arith.select %and3A_1422, %sub3A_1424, %div3A_1403 : i32
        %add3A_1426 = arith.constant 2 : i32
        %add3A_1427 = arith.addi %add3A_1426, %select_n3A_1425 : i32
        %jit3A_1428 = arith.constant 8 : i32
        %eq3A_1429 = arith.constant 0 : i32
        %eq3A_1430 = arith.cmpi eq, %jit3A_1428, %eq3A_1429 : i32
        %jit3A_1431 = arith.constant 1 : i32
        %select_n3A_1432 = arith.select %eq3A_1430, %jit3A_1431, %jit3A_1428 : i32
        %rem3A_1433 = arith.remsi %add3A_1390, %select_n3A_1432 : i32
        %ne3A_1434 = arith.constant 0 : i32
        %ne3A_1435 = arith.cmpi ne, %rem3A_1433, %ne3A_1434 : i32
        %lt3A_1436 = arith.constant 0 : i32
        %lt3A_1437 = arith.cmpi slt, %rem3A_1433, %lt3A_1436 : i32
        %lt3A_1438 = arith.constant 0 : i32
        %lt3A_1439 = arith.cmpi slt, %select_n3A_1432, %lt3A_1438 : i32
        %ne3A_1440 = arith.xori %lt3A_1437, %lt3A_1439 : i1
        %and3A_1441 = arith.andi %ne3A_1440, %ne3A_1435 : i1
        %add3A_1442 = arith.addi %rem3A_1433, %select_n3A_1432 : i32
        %select_n3A_1443 = arith.select %and3A_1441, %add3A_1442, %rem3A_1433 : i32
        %mul3A_1444 = arith.constant 16 : i32
        %mul3A_1445 = arith.muli %select_n3A_1443, %mul3A_1444 : i32
        %swap3A_1446 = arith.index_cast %add3A_1427 : i32 to index
        %swap3A_1447 = arith.index_cast %mul3A_1445 : i32 to index
        %swap3A_1448 = tpu.vector_load %arg17[%swap3A_1446, %swap3A_1447] {strides = array<i32>} : memref<42x128xf32, #tpu.memory_space<vmem>>, vector<1x16xf32>,
        %swap3A_1449 = vector.shape_cast %swap3A_1448 : vector<1x16xf32> to vector<16xf32>
        %swap3A_1450 = vector.shape_cast %add3A_1401 : vector<16xf32> to vector<1x16xf32>
        tpu.vector_store %arg17[%swap3A_1446, %swap3A_1447], %swap3A_1450 {strides = array<i32>} : memref<42x128xf32, #tpu.memory_space<vmem>>, vector<1x16xf32>,
        %mul3A_1451 = arith.constant 20 : i32
        %mul3A_1452 = arith.muli %scan3A_174, %mul3A_1451 : i32
        %add3A_1453 = arith.constant 19 : i32
        %add3A_1454 = arith.addi %mul3A_1452, %add3A_1453 : i32
        %get3A_1455 = arith.index_cast %add3A_1454 : i32 to index
        %get3A_1456 = arith.constant 0 : index
        %get3A_1457 = tpu.vector_load %arg13[%get3A_1455, %get3A_1456] {strides = array<i32>} : memref<320x32xf32, #tpu.memory_space<vmem>>, vector<1x16xf32>,
        %get3A_1458 = vector.shape_cast %get3A_1457 : vector<1x16xf32> to vector<16xf32>
        %get3A_1459 = arith.index_cast %add3A_1454 : i32 to index
        %get3A_1460 = arith.constant 16 : index
        %get3A_1461 = tpu.vector_load %arg13[%get3A_1459, %get3A_1460] {strides = array<i32>} : memref<320x32xf32, #tpu.memory_space<vmem>>, vector<1x16xf32>,
        %get3A_1462 = vector.shape_cast %get3A_1461 : vector<1x16xf32> to vector<16xf32>
        %mul3A_1463 = arith.mulf %neg3A_183, %get3A_1458 : vector<16xf32>
        %mul3A_1464 = arith.mulf %neg3A_186, %get3A_1462 : vector<16xf32>
        %add3A_1465 = arith.addf %mul3A_1463, %mul3A_1464 : vector<16xf32>
        %jit3A_1466 = arith.constant 8 : i32
        %div3A_1467 = arith.divsi %add3A_1454, %jit3A_1466 : i32
        %sign3A_1468 = arith.constant 0 : i32
        %sign3A_1469 = arith.cmpi sgt, %add3A_1454, %sign3A_1468 : i32
        %sign3A_1470 = arith.extui %sign3A_1469 : i1 to i32
        %sign3A_1471 = arith.constant 0 : i32
        %sign3A_1472 = arith.cmpi slt, %add3A_1454, %sign3A_1471 : i32
        %sign3A_1473 = arith.extui %sign3A_1472 : i1 to i32
        %sign3A_1474 = arith.subi %sign3A_1470, %sign3A_1473 : i32
        %sign3A_1475 = arith.constant 0 : i32
        %sign3A_1476 = arith.cmpi sgt, %jit3A_1466, %sign3A_1475 : i32
        %sign3A_1477 = arith.extui %sign3A_1476 : i1 to i32
        %sign3A_1478 = arith.constant 0 : i32
        %sign3A_1479 = arith.cmpi slt, %jit3A_1466, %sign3A_1478 : i32
        %sign3A_1480 = arith.extui %sign3A_1479 : i1 to i32
        %sign3A_1481 = arith.subi %sign3A_1477, %sign3A_1480 : i32
        %ne3A_1482 = arith.cmpi ne, %sign3A_1474, %sign3A_1481 : i32
        %rem3A_1483 = arith.remsi %add3A_1454, %jit3A_1466 : i32
        %ne3A_1484 = arith.constant 0 : i32
        %ne3A_1485 = arith.cmpi ne, %rem3A_1483, %ne3A_1484 : i32
        %and3A_1486 = arith.andi %ne3A_1482, %ne3A_1485 : i1
        %sub3A_1487 = arith.constant 1 : i32
        %sub3A_1488 = arith.subi %div3A_1467, %sub3A_1487 : i32
        %select_n3A_1489 = arith.select %and3A_1486, %sub3A_1488, %div3A_1467 : i32
        %add3A_1490 = arith.constant 2 : i32
        %add3A_1491 = arith.addi %add3A_1490, %select_n3A_1489 : i32
        %jit3A_1492 = arith.constant 8 : i32
        %eq3A_1493 = arith.constant 0 : i32
        %eq3A_1494 = arith.cmpi eq, %jit3A_1492, %eq3A_1493 : i32
        %jit3A_1495 = arith.constant 1 : i32
        %select_n3A_1496 = arith.select %eq3A_1494, %jit3A_1495, %jit3A_1492 : i32
        %rem3A_1497 = arith.remsi %add3A_1454, %select_n3A_1496 : i32
        %ne3A_1498 = arith.constant 0 : i32
        %ne3A_1499 = arith.cmpi ne, %rem3A_1497, %ne3A_1498 : i32
        %lt3A_1500 = arith.constant 0 : i32
        %lt3A_1501 = arith.cmpi slt, %rem3A_1497, %lt3A_1500 : i32
        %lt3A_1502 = arith.constant 0 : i32
        %lt3A_1503 = arith.cmpi slt, %select_n3A_1496, %lt3A_1502 : i32
        %ne3A_1504 = arith.xori %lt3A_1501, %lt3A_1503 : i1
        %and3A_1505 = arith.andi %ne3A_1504, %ne3A_1499 : i1
        %add3A_1506 = arith.addi %rem3A_1497, %select_n3A_1496 : i32
        %select_n3A_1507 = arith.select %and3A_1505, %add3A_1506, %rem3A_1497 : i32
        %mul3A_1508 = arith.constant 16 : i32
        %mul3A_1509 = arith.muli %select_n3A_1507, %mul3A_1508 : i32
        %swap3A_1510 = arith.index_cast %add3A_1491 : i32 to index
        %swap3A_1511 = arith.index_cast %mul3A_1509 : i32 to index
        %swap3A_1512 = tpu.vector_load %arg17[%swap3A_1510, %swap3A_1511] {strides = array<i32>} : memref<42x128xf32, #tpu.memory_space<vmem>>, vector<1x16xf32>,
        %swap3A_1513 = vector.shape_cast %swap3A_1512 : vector<1x16xf32> to vector<16xf32>
        %swap3A_1514 = vector.shape_cast %add3A_1465 : vector<16xf32> to vector<1x16xf32>
        tpu.vector_store %arg17[%swap3A_1510, %swap3A_1511], %swap3A_1514 {strides = array<i32>} : memref<42x128xf32, #tpu.memory_space<vmem>>, vector<1x16xf32>,
      }
      %scan3A_133 = arith.constant 16 : i32
      %mul3A_134 = arith.constant 32 : i32
      %mul3A_135 = arith.muli %add3A, %mul3A_134 : i32
      %add3A_136 = arith.addi %mul3A_135, %mul3A_63 : i32
      %mul3A_137 = arith.constant 42 : i32
      %mul3A_138 = arith.muli %add3A_136, %mul3A_137 : i32
      "tpu.region"() ({
        %run_scoped3A = tpu.sem_alloc : memref<!tpu.dma_semaphore, #tpu.memory_space<semaphore_mem>>
        %dma_start3A_174 = arith.constant 0 : i32
        %dma_start3A_175 = tpu.memref_slice %arg7[%mul3A_138, %dma_start3A_174] : memref<43008x128xf32, #tpu.memory_space<hbm>> -> memref<42x128xf32, #tpu.memory_space<hbm>>
        %dma_start3A_176 = arith.constant 0 : i32
        %dma_start3A_177 = tpu.memref_slice %arg7[%mul3A_138, %dma_start3A_176] : memref<43008x128xf32, #tpu.memory_space<hbm>> -> memref<42x128xf32, #tpu.memory_space<hbm>>
        tpu.enqueue_dma source(%arg17 : memref<42x128xf32, #tpu.memory_space<vmem>>) target(%dma_start3A_177 : memref<42x128xf32, #tpu.memory_space<hbm>>) target_semaphore(%run_scoped3A : memref<!tpu.dma_semaphore, #tpu.memory_space<semaphore_mem>>)
        %dma_wait3A_178 = arith.constant 0 : i32
        %dma_wait3A_179 = tpu.memref_slice %arg7[%mul3A_138, %dma_wait3A_178] : memref<43008x128xf32, #tpu.memory_space<hbm>> -> memref<42x128xf32, #tpu.memory_space<hbm>>
        %dma_wait3A_180 = arith.constant 0 : i32
        %dma_wait3A_181 = tpu.memref_slice %arg7[%mul3A_138, %dma_wait3A_180] : memref<43008x128xf32, #tpu.memory_space<hbm>> -> memref<42x128xf32, #tpu.memory_space<hbm>>
        tpu.wait_dma2 semaphore(%run_scoped3A : memref<!tpu.dma_semaphore, #tpu.memory_space<semaphore_mem>>) src(%arg17 : memref<42x128xf32, #tpu.memory_space<vmem>>) dst(%dma_wait3A_181 : memref<42x128xf32, #tpu.memory_space<hbm>>)
        tpu.yield
      }) : () -> ()
      %add3A_139 = arith.constant 2 : i32
      %add3A_140 = arith.addi %mul3A_63, %add3A_139 : i32
      %lt3A = arith.constant 32 : i32
      %lt3A_141 = arith.cmpi slt, %add3A_140, %lt3A : i32
      %convert_element_type3A = arith.extui %lt3A_141 : i1 to i32
      %cond3A = arith.constant 0 : i32
      %cond3A_142 = arith.cmpi ne, %convert_element_type3A, %cond3A : i32
      scf.if %cond3A_142 {
        %add3A_174 = arith.constant 2 : i32
        %add3A_175 = arith.addi %mul3A_63, %add3A_174 : i32
        %mul3A_176 = arith.constant 16 : i32
        %mul3A_177 = arith.muli %add3A_175, %mul3A_176 : i32
        %dma_start3A_178 = tpu.memref_slice %arg8[%mul3A_177] : memref<512xi32, #tpu.memory_space<vmem>> -> memref<16xi32, #tpu.memory_space<vmem>>
        %dma_start3A_179 = arith.constant 0 : i32
        %dma_start3A_180 = arith.constant 0 : i32
        %dma_start3A_181 = tpu.memref_slice %arg2[%dma_start3A_179, %dma_start3A_180] : memref<1007616x32xf32, #tpu.memory_space<hbm>> -> memref<1007616x32xf32, #tpu.memory_space<hbm>>
        tpu.enqueue_indirect_dma source(%dma_start3A_181 : memref<1007616x32xf32, #tpu.memory_space<hbm>>) target(%arg11 : memref<16x32xf32, #tpu.memory_space<vmem>>) offsets(%dma_start3A_178 : memref<16xi32, #tpu.memory_space<vmem>>) semaphore(%arg18 : memref<!tpu.dma_semaphore, #tpu.memory_space<semaphore_mem>>)
        %mul3A_182 = arith.constant 16 : i32
        %mul3A_183 = arith.muli %add3A_175, %mul3A_182 : i32
        %dma_start3A_184 = tpu.memref_slice %arg9[%mul3A_183] : memref<512xi32, #tpu.memory_space<vmem>> -> memref<16xi32, #tpu.memory_space<vmem>>
        %dma_start3A_185 = arith.constant 0 : i32
        %dma_start3A_186 = arith.constant 0 : i32
        %dma_start3A_187 = tpu.memref_slice %arg3[%dma_start3A_185, %dma_start3A_186] : memref<1007616x32xf32, #tpu.memory_space<hbm>> -> memref<1007616x32xf32, #tpu.memory_space<hbm>>
        tpu.enqueue_indirect_dma source(%dma_start3A_187 : memref<1007616x32xf32, #tpu.memory_space<hbm>>) target(%arg12 : memref<16x32xf32, #tpu.memory_space<vmem>>) offsets(%dma_start3A_184 : memref<16xi32, #tpu.memory_space<vmem>>) semaphore(%arg18 : memref<!tpu.dma_semaphore, #tpu.memory_space<semaphore_mem>>)
        %mul3A_188 = arith.constant 320 : i32
        %mul3A_189 = arith.muli %add3A_175, %mul3A_188 : i32
        %add3A_190 = arith.constant 0 : i32
        %add3A_191 = arith.addi %mul3A_189, %add3A_190 : i32
        %dma_start3A_192 = arith.constant 0 : i32
        %dma_start3A_193 = arith.constant 0 : i32
        %dma_start3A_194 = tpu.memref_slice %arg13[%dma_start3A_192, %dma_start3A_193] : memref<320x32xf32, #tpu.memory_space<vmem>> -> memref<128x32xf32, #tpu.memory_space<vmem>>
        %dma_start3A_195 = tpu.memref_slice %arg10[%add3A_191] : memref<10240xi32, #tpu.memory_space<vmem>> -> memref<128xi32, #tpu.memory_space<vmem>>
        %dma_start3A_196 = arith.constant 0 : i32
        %dma_start3A_197 = arith.constant 0 : i32
        %dma_start3A_198 = tpu.memref_slice %arg3[%dma_start3A_196, %dma_start3A_197] : memref<1007616x32xf32, #tpu.memory_space<hbm>> -> memref<1007616x32xf32, #tpu.memory_space<hbm>>
        tpu.enqueue_indirect_dma source(%dma_start3A_198 : memref<1007616x32xf32, #tpu.memory_space<hbm>>) target(%dma_start3A_194 : memref<128x32xf32, #tpu.memory_space<vmem>>) offsets(%dma_start3A_195 : memref<128xi32, #tpu.memory_space<vmem>>) semaphore(%arg18 : memref<!tpu.dma_semaphore, #tpu.memory_space<semaphore_mem>>)
        %mul3A_199 = arith.constant 320 : i32
        %mul3A_200 = arith.muli %add3A_175, %mul3A_199 : i32
        %add3A_201 = arith.constant 128 : i32
        %add3A_202 = arith.addi %mul3A_200, %add3A_201 : i32
        %dma_start3A_203 = arith.constant 128 : i32
        %dma_start3A_204 = arith.constant 0 : i32
        %dma_start3A_205 = tpu.memref_slice %arg13[%dma_start3A_203, %dma_start3A_204] : memref<320x32xf32, #tpu.memory_space<vmem>> -> memref<128x32xf32, #tpu.memory_space<vmem>>
        %dma_start3A_206 = tpu.memref_slice %arg10[%add3A_202] : memref<10240xi32, #tpu.memory_space<vmem>> -> memref<128xi32, #tpu.memory_space<vmem>>
        %dma_start3A_207 = arith.constant 0 : i32
        %dma_start3A_208 = arith.constant 0 : i32
        %dma_start3A_209 = tpu.memref_slice %arg3[%dma_start3A_207, %dma_start3A_208] : memref<1007616x32xf32, #tpu.memory_space<hbm>> -> memref<1007616x32xf32, #tpu.memory_space<hbm>>
        tpu.enqueue_indirect_dma source(%dma_start3A_209 : memref<1007616x32xf32, #tpu.memory_space<hbm>>) target(%dma_start3A_205 : memref<128x32xf32, #tpu.memory_space<vmem>>) offsets(%dma_start3A_206 : memref<128xi32, #tpu.memory_space<vmem>>) semaphore(%arg18 : memref<!tpu.dma_semaphore, #tpu.memory_space<semaphore_mem>>)
        %mul3A_210 = arith.constant 320 : i32
        %mul3A_211 = arith.muli %add3A_175, %mul3A_210 : i32
        %add3A_212 = arith.constant 256 : i32
        %add3A_213 = arith.addi %mul3A_211, %add3A_212 : i32
        %dma_start3A_214 = arith.constant 256 : i32
        %dma_start3A_215 = arith.constant 0 : i32
        %dma_start3A_216 = tpu.memref_slice %arg13[%dma_start3A_214, %dma_start3A_215] : memref<320x32xf32, #tpu.memory_space<vmem>> -> memref<64x32xf32, #tpu.memory_space<vmem>>
        %dma_start3A_217 = tpu.memref_slice %arg10[%add3A_213] : memref<10240xi32, #tpu.memory_space<vmem>> -> memref<64xi32, #tpu.memory_space<vmem>>
        %dma_start3A_218 = arith.constant 0 : i32
        %dma_start3A_219 = arith.constant 0 : i32
        %dma_start3A_220 = tpu.memref_slice %arg3[%dma_start3A_218, %dma_start3A_219] : memref<1007616x32xf32, #tpu.memory_space<hbm>> -> memref<1007616x32xf32, #tpu.memory_space<hbm>>
        tpu.enqueue_indirect_dma source(%dma_start3A_220 : memref<1007616x32xf32, #tpu.memory_space<hbm>>) target(%dma_start3A_216 : memref<64x32xf32, #tpu.memory_space<vmem>>) offsets(%dma_start3A_217 : memref<64xi32, #tpu.memory_space<vmem>>) semaphore(%arg18 : memref<!tpu.dma_semaphore, #tpu.memory_space<semaphore_mem>>)
      } else {
      }
      %dma_wait3A_143 = arith.constant 0 : i32
      %dma_wait3A_144 = arith.constant 0 : i32
      %dma_wait3A_145 = tpu.memref_slice %arg2[%dma_wait3A_143, %dma_wait3A_144] : memref<1007616x32xf32, #tpu.memory_space<hbm>> -> memref<16x32xf32, #tpu.memory_space<hbm>>
      %dma_wait3A_146 = arith.constant 0 : i32
      %dma_wait3A_147 = arith.constant 0 : i32
      %dma_wait3A_148 = tpu.memref_slice %arg2[%dma_wait3A_146, %dma_wait3A_147] : memref<1007616x32xf32, #tpu.memory_space<hbm>> -> memref<16x32xf32, #tpu.memory_space<hbm>>
      tpu.wait_dma2 semaphore(%arg19 : memref<!tpu.dma_semaphore, #tpu.memory_space<semaphore_mem>>) src(%dma_wait3A_148 : memref<16x32xf32, #tpu.memory_space<hbm>>) dst(%arg14 : memref<16x32xf32, #tpu.memory_space<vmem>>)
      %dma_wait3A_149 = arith.constant 0 : i32
      %dma_wait3A_150 = arith.constant 0 : i32
      %dma_wait3A_151 = tpu.memref_slice %arg2[%dma_wait3A_149, %dma_wait3A_150] : memref<1007616x32xf32, #tpu.memory_space<hbm>> -> memref<16x32xf32, #tpu.memory_space<hbm>>
      %dma_wait3A_152 = arith.constant 0 : i32
      %dma_wait3A_153 = arith.constant 0 : i32
      %dma_wait3A_154 = tpu.memref_slice %arg2[%dma_wait3A_152, %dma_wait3A_153] : memref<1007616x32xf32, #tpu.memory_space<hbm>> -> memref<16x32xf32, #tpu.memory_space<hbm>>
      tpu.wait_dma2 semaphore(%arg19 : memref<!tpu.dma_semaphore, #tpu.memory_space<semaphore_mem>>) src(%dma_wait3A_154 : memref<16x32xf32, #tpu.memory_space<hbm>>) dst(%arg15 : memref<16x32xf32, #tpu.memory_space<vmem>>)
      %dma_wait3A_155 = arith.constant 0 : i32
      %dma_wait3A_156 = arith.constant 0 : i32
      %dma_wait3A_157 = tpu.memref_slice %arg2[%dma_wait3A_155, %dma_wait3A_156] : memref<1007616x32xf32, #tpu.memory_space<hbm>> -> memref<320x32xf32, #tpu.memory_space<hbm>>
      %dma_wait3A_158 = arith.constant 0 : i32
      %dma_wait3A_159 = arith.constant 0 : i32
      %dma_wait3A_160 = tpu.memref_slice %arg2[%dma_wait3A_158, %dma_wait3A_159] : memref<1007616x32xf32, #tpu.memory_space<hbm>> -> memref<320x32xf32, #tpu.memory_space<hbm>>
      tpu.wait_dma2 semaphore(%arg19 : memref<!tpu.dma_semaphore, #tpu.memory_space<semaphore_mem>>) src(%dma_wait3A_160 : memref<320x32xf32, #tpu.memory_space<hbm>>) dst(%arg16 : memref<320x32xf32, #tpu.memory_space<vmem>>)
      %add3A_161 = arith.constant 1 : i32
      %add3A_162 = arith.addi %mul3A_63, %add3A_161 : i32
      %scan3A_163 = arith.constant 0 : i32
      %scan3A_164 = arith.constant 0 : i32
      %scan3A_165 = arith.constant 16 : i32
      %scan3A_166 = arith.addi %scan3A_164, %scan3A_165 : i32
      %scan3A_167 = arith.constant 1 : i32
      scf.for %scan3A_174 = %scan3A_164 to %scan3A_166 step %scan3A_167  : i32 {
        %get3A = arith.index_cast %scan3A_174 : i32 to index
        %get3A_175 = arith.constant 0 : index
        %get3A_176 = tpu.vector_load %arg14[%get3A, %get3A_175] {strides = array<i32>} : memref<16x32xf32, #tpu.memory_space<vmem>>, vector<1x16xf32>,
        %get3A_177 = vector.shape_cast %get3A_176 : vector<1x16xf32> to vector<16xf32>
        %get3A_178 = arith.index_cast %scan3A_174 : i32 to index
        %get3A_179 = arith.constant 16 : index
        %get3A_180 = tpu.vector_load %arg14[%get3A_178, %get3A_179] {strides = array<i32>} : memref<16x32xf32, #tpu.memory_space<vmem>>, vector<1x16xf32>,
        %get3A_181 = vector.shape_cast %get3A_180 : vector<1x16xf32> to vector<16xf32>
        %neg3A = arith.constant 0.000000e+00 : f32
        %neg3A_182 = vector.broadcast %neg3A : f32 to vector<16xf32>
        %neg3A_183 = arith.subf %neg3A_182, %get3A_177 : vector<16xf32>
        %neg3A_184 = arith.constant 0.000000e+00 : f32
        %neg3A_185 = vector.broadcast %neg3A_184 : f32 to vector<16xf32>
        %neg3A_186 = arith.subf %neg3A_185, %get3A_181 : vector<16xf32>
        %get3A_187 = arith.index_cast %scan3A_174 : i32 to index
        %get3A_188 = arith.constant 0 : index
        %get3A_189 = tpu.vector_load %arg15[%get3A_187, %get3A_188] {strides = array<i32>} : memref<16x32xf32, #tpu.memory_space<vmem>>, vector<1x16xf32>,
        %get3A_190 = vector.shape_cast %get3A_189 : vector<1x16xf32> to vector<16xf32>
        %get3A_191 = arith.index_cast %scan3A_174 : i32 to index
        %get3A_192 = arith.constant 16 : index
        %get3A_193 = tpu.vector_load %arg15[%get3A_191, %get3A_192] {strides = array<i32>} : memref<16x32xf32, #tpu.memory_space<vmem>>, vector<1x16xf32>,
        %get3A_194 = vector.shape_cast %get3A_193 : vector<1x16xf32> to vector<16xf32>
        %mul3A_195 = arith.mulf %get3A_177, %get3A_190 : vector<16xf32>
        %mul3A_196 = arith.mulf %get3A_181, %get3A_194 : vector<16xf32>
        %add3A_197 = arith.addf %mul3A_195, %mul3A_196 : vector<16xf32>
        %jit3A = arith.constant 8 : i32
        %div3A = arith.divsi %scan3A_174, %jit3A : i32
        %sign3A = arith.constant 0 : i32
        %sign3A_198 = arith.cmpi sgt, %scan3A_174, %sign3A : i32
        %sign3A_199 = arith.extui %sign3A_198 : i1 to i32
        %sign3A_200 = arith.constant 0 : i32
        %sign3A_201 = arith.cmpi slt, %scan3A_174, %sign3A_200 : i32
        %sign3A_202 = arith.extui %sign3A_201 : i1 to i32
        %sign3A_203 = arith.subi %sign3A_199, %sign3A_202 : i32
        %sign3A_204 = arith.constant 0 : i32
        %sign3A_205 = arith.cmpi sgt, %jit3A, %sign3A_204 : i32
        %sign3A_206 = arith.extui %sign3A_205 : i1 to i32
        %sign3A_207 = arith.constant 0 : i32
        %sign3A_208 = arith.cmpi slt, %jit3A, %sign3A_207 : i32
        %sign3A_209 = arith.extui %sign3A_208 : i1 to i32
        %sign3A_210 = arith.subi %sign3A_206, %sign3A_209 : i32
        %ne3A = arith.cmpi ne, %sign3A_203, %sign3A_210 : i32
        %rem3A = arith.remsi %scan3A_174, %jit3A : i32
        %ne3A_211 = arith.constant 0 : i32
        %ne3A_212 = arith.cmpi ne, %rem3A, %ne3A_211 : i32
        %and3A = arith.andi %ne3A, %ne3A_212 : i1
        %sub3A = arith.constant 1 : i32
        %sub3A_213 = arith.subi %div3A, %sub3A : i32
        %select_n3A = arith.select %and3A, %sub3A_213, %div3A : i32
        %jit3A_214 = arith.constant 8 : i32
        %eq3A = arith.constant 0 : i32
        %eq3A_215 = arith.cmpi eq, %jit3A_214, %eq3A : i32
        %jit3A_216 = arith.constant 1 : i32
        %select_n3A_217 = arith.select %eq3A_215, %jit3A_216, %jit3A_214 : i32
        %rem3A_218 = arith.remsi %scan3A_174, %select_n3A_217 : i32
        %ne3A_219 = arith.constant 0 : i32
        %ne3A_220 = arith.cmpi ne, %rem3A_218, %ne3A_219 : i32
        %lt3A_221 = arith.constant 0 : i32
        %lt3A_222 = arith.cmpi slt, %rem3A_218, %lt3A_221 : i32
        %lt3A_223 = arith.constant 0 : i32
        %lt3A_224 = arith.cmpi slt, %select_n3A_217, %lt3A_223 : i32
        %ne3A_225 = arith.xori %lt3A_222, %lt3A_224 : i1
        %and3A_226 = arith.andi %ne3A_225, %ne3A_220 : i1
        %add3A_227 = arith.addi %rem3A_218, %select_n3A_217 : i32
        %select_n3A_228 = arith.select %and3A_226, %add3A_227, %rem3A_218 : i32
        %mul3A_229 = arith.constant 16 : i32
        %mul3A_230 = arith.muli %select_n3A_228, %mul3A_229 : i32
        %swap3A = arith.index_cast %select_n3A : i32 to index
        %swap3A_231 = arith.index_cast %mul3A_230 : i32 to index
        %swap3A_232 = tpu.vector_load %arg17[%swap3A, %swap3A_231] {strides = array<i32>} : memref<42x128xf32, #tpu.memory_space<vmem>>, vector<1x16xf32>,
        %swap3A_233 = vector.shape_cast %swap3A_232 : vector<1x16xf32> to vector<16xf32>
        %swap3A_234 = vector.shape_cast %add3A_197 : vector<16xf32> to vector<1x16xf32>
        tpu.vector_store %arg17[%swap3A, %swap3A_231], %swap3A_234 {strides = array<i32>} : memref<42x128xf32, #tpu.memory_space<vmem>>, vector<1x16xf32>,
        %mul3A_235 = arith.constant 20 : i32
        %mul3A_236 = arith.muli %scan3A_174, %mul3A_235 : i32
        %add3A_237 = arith.constant 0 : i32
        %add3A_238 = arith.addi %mul3A_236, %add3A_237 : i32
        %get3A_239 = arith.index_cast %add3A_238 : i32 to index
        %get3A_240 = arith.constant 0 : index
        %get3A_241 = tpu.vector_load %arg16[%get3A_239, %get3A_240] {strides = array<i32>} : memref<320x32xf32, #tpu.memory_space<vmem>>, vector<1x16xf32>,
        %get3A_242 = vector.shape_cast %get3A_241 : vector<1x16xf32> to vector<16xf32>
        %get3A_243 = arith.index_cast %add3A_238 : i32 to index
        %get3A_244 = arith.constant 16 : index
        %get3A_245 = tpu.vector_load %arg16[%get3A_243, %get3A_244] {strides = array<i32>} : memref<320x32xf32, #tpu.memory_space<vmem>>, vector<1x16xf32>,
        %get3A_246 = vector.shape_cast %get3A_245 : vector<1x16xf32> to vector<16xf32>
        %mul3A_247 = arith.mulf %neg3A_183, %get3A_242 : vector<16xf32>
        %mul3A_248 = arith.mulf %neg3A_186, %get3A_246 : vector<16xf32>
        %add3A_249 = arith.addf %mul3A_247, %mul3A_248 : vector<16xf32>
        %jit3A_250 = arith.constant 8 : i32
        %div3A_251 = arith.divsi %add3A_238, %jit3A_250 : i32
        %sign3A_252 = arith.constant 0 : i32
        %sign3A_253 = arith.cmpi sgt, %add3A_238, %sign3A_252 : i32
        %sign3A_254 = arith.extui %sign3A_253 : i1 to i32
        %sign3A_255 = arith.constant 0 : i32
        %sign3A_256 = arith.cmpi slt, %add3A_238, %sign3A_255 : i32
        %sign3A_257 = arith.extui %sign3A_256 : i1 to i32
        %sign3A_258 = arith.subi %sign3A_254, %sign3A_257 : i32
        %sign3A_259 = arith.constant 0 : i32
        %sign3A_260 = arith.cmpi sgt, %jit3A_250, %sign3A_259 : i32
        %sign3A_261 = arith.extui %sign3A_260 : i1 to i32
        %sign3A_262 = arith.constant 0 : i32
        %sign3A_263 = arith.cmpi slt, %jit3A_250, %sign3A_262 : i32
        %sign3A_264 = arith.extui %sign3A_263 : i1 to i32
        %sign3A_265 = arith.subi %sign3A_261, %sign3A_264 : i32
        %ne3A_266 = arith.cmpi ne, %sign3A_258, %sign3A_265 : i32
        %rem3A_267 = arith.remsi %add3A_238, %jit3A_250 : i32
        %ne3A_268 = arith.constant 0 : i32
        %ne3A_269 = arith.cmpi ne, %rem3A_267, %ne3A_268 : i32
        %and3A_270 = arith.andi %ne3A_266, %ne3A_269 : i1
        %sub3A_271 = arith.constant 1 : i32
        %sub3A_272 = arith.subi %div3A_251, %sub3A_271 : i32
        %select_n3A_273 = arith.select %and3A_270, %sub3A_272, %div3A_251 : i32
        %add3A_274 = arith.constant 2 : i32
        %add3A_275 = arith.addi %add3A_274, %select_n3A_273 : i32
        %jit3A_276 = arith.constant 8 : i32
        %eq3A_277 = arith.constant 0 : i32
        %eq3A_278 = arith.cmpi eq, %jit3A_276, %eq3A_277 : i32
        %jit3A_279 = arith.constant 1 : i32
        %select_n3A_280 = arith.select %eq3A_278, %jit3A_279, %jit3A_276 : i32
        %rem3A_281 = arith.remsi %add3A_238, %select_n3A_280 : i32
        %ne3A_282 = arith.constant 0 : i32
        %ne3A_283 = arith.cmpi ne, %rem3A_281, %ne3A_282 : i32
        %lt3A_284 = arith.constant 0 : i32
        %lt3A_285 = arith.cmpi slt, %rem3A_281, %lt3A_284 : i32
        %lt3A_286 = arith.constant 0 : i32
        %lt3A_287 = arith.cmpi slt, %select_n3A_280, %lt3A_286 : i32
        %ne3A_288 = arith.xori %lt3A_285, %lt3A_287 : i1
        %and3A_289 = arith.andi %ne3A_288, %ne3A_283 : i1
        %add3A_290 = arith.addi %rem3A_281, %select_n3A_280 : i32
        %select_n3A_291 = arith.select %and3A_289, %add3A_290, %rem3A_281 : i32
        %mul3A_292 = arith.constant 16 : i32
        %mul3A_293 = arith.muli %select_n3A_291, %mul3A_292 : i32
        %swap3A_294 = arith.index_cast %add3A_275 : i32 to index
        %swap3A_295 = arith.index_cast %mul3A_293 : i32 to index
        %swap3A_296 = tpu.vector_load %arg17[%swap3A_294, %swap3A_295] {strides = array<i32>} : memref<42x128xf32, #tpu.memory_space<vmem>>, vector<1x16xf32>,
        %swap3A_297 = vector.shape_cast %swap3A_296 : vector<1x16xf32> to vector<16xf32>
        %swap3A_298 = vector.shape_cast %add3A_249 : vector<16xf32> to vector<1x16xf32>
        tpu.vector_store %arg17[%swap3A_294, %swap3A_295], %swap3A_298 {strides = array<i32>} : memref<42x128xf32, #tpu.memory_space<vmem>>, vector<1x16xf32>,
        %mul3A_299 = arith.constant 20 : i32
        %mul3A_300 = arith.muli %scan3A_174, %mul3A_299 : i32
        %add3A_301 = arith.constant 1 : i32
        %add3A_302 = arith.addi %mul3A_300, %add3A_301 : i32
        %get3A_303 = arith.index_cast %add3A_302 : i32 to index
        %get3A_304 = arith.constant 0 : index
        %get3A_305 = tpu.vector_load %arg16[%get3A_303, %get3A_304] {strides = array<i32>} : memref<320x32xf32, #tpu.memory_space<vmem>>, vector<1x16xf32>,
        %get3A_306 = vector.shape_cast %get3A_305 : vector<1x16xf32> to vector<16xf32>
        %get3A_307 = arith.index_cast %add3A_302 : i32 to index
        %get3A_308 = arith.constant 16 : index
        %get3A_309 = tpu.vector_load %arg16[%get3A_307, %get3A_308] {strides = array<i32>} : memref<320x32xf32, #tpu.memory_space<vmem>>, vector<1x16xf32>,
        %get3A_310 = vector.shape_cast %get3A_309 : vector<1x16xf32> to vector<16xf32>
        %mul3A_311 = arith.mulf %neg3A_183, %get3A_306 : vector<16xf32>
        %mul3A_312 = arith.mulf %neg3A_186, %get3A_310 : vector<16xf32>
        %add3A_313 = arith.addf %mul3A_311, %mul3A_312 : vector<16xf32>
        %jit3A_314 = arith.constant 8 : i32
        %div3A_315 = arith.divsi %add3A_302, %jit3A_314 : i32
        %sign3A_316 = arith.constant 0 : i32
        %sign3A_317 = arith.cmpi sgt, %add3A_302, %sign3A_316 : i32
        %sign3A_318 = arith.extui %sign3A_317 : i1 to i32
        %sign3A_319 = arith.constant 0 : i32
        %sign3A_320 = arith.cmpi slt, %add3A_302, %sign3A_319 : i32
        %sign3A_321 = arith.extui %sign3A_320 : i1 to i32
        %sign3A_322 = arith.subi %sign3A_318, %sign3A_321 : i32
        %sign3A_323 = arith.constant 0 : i32
        %sign3A_324 = arith.cmpi sgt, %jit3A_314, %sign3A_323 : i32
        %sign3A_325 = arith.extui %sign3A_324 : i1 to i32
        %sign3A_326 = arith.constant 0 : i32
        %sign3A_327 = arith.cmpi slt, %jit3A_314, %sign3A_326 : i32
        %sign3A_328 = arith.extui %sign3A_327 : i1 to i32
        %sign3A_329 = arith.subi %sign3A_325, %sign3A_328 : i32
        %ne3A_330 = arith.cmpi ne, %sign3A_322, %sign3A_329 : i32
        %rem3A_331 = arith.remsi %add3A_302, %jit3A_314 : i32
        %ne3A_332 = arith.constant 0 : i32
        %ne3A_333 = arith.cmpi ne, %rem3A_331, %ne3A_332 : i32
        %and3A_334 = arith.andi %ne3A_330, %ne3A_333 : i1
        %sub3A_335 = arith.constant 1 : i32
        %sub3A_336 = arith.subi %div3A_315, %sub3A_335 : i32
        %select_n3A_337 = arith.select %and3A_334, %sub3A_336, %div3A_315 : i32
        %add3A_338 = arith.constant 2 : i32
        %add3A_339 = arith.addi %add3A_338, %select_n3A_337 : i32
        %jit3A_340 = arith.constant 8 : i32
        %eq3A_341 = arith.constant 0 : i32
        %eq3A_342 = arith.cmpi eq, %jit3A_340, %eq3A_341 : i32
        %jit3A_343 = arith.constant 1 : i32
        %select_n3A_344 = arith.select %eq3A_342, %jit3A_343, %jit3A_340 : i32
        %rem3A_345 = arith.remsi %add3A_302, %select_n3A_344 : i32
        %ne3A_346 = arith.constant 0 : i32
        %ne3A_347 = arith.cmpi ne, %rem3A_345, %ne3A_346 : i32
        %lt3A_348 = arith.constant 0 : i32
        %lt3A_349 = arith.cmpi slt, %rem3A_345, %lt3A_348 : i32
        %lt3A_350 = arith.constant 0 : i32
        %lt3A_351 = arith.cmpi slt, %select_n3A_344, %lt3A_350 : i32
        %ne3A_352 = arith.xori %lt3A_349, %lt3A_351 : i1
        %and3A_353 = arith.andi %ne3A_352, %ne3A_347 : i1
        %add3A_354 = arith.addi %rem3A_345, %select_n3A_344 : i32
        %select_n3A_355 = arith.select %and3A_353, %add3A_354, %rem3A_345 : i32
        %mul3A_356 = arith.constant 16 : i32
        %mul3A_357 = arith.muli %select_n3A_355, %mul3A_356 : i32
        %swap3A_358 = arith.index_cast %add3A_339 : i32 to index
        %swap3A_359 = arith.index_cast %mul3A_357 : i32 to index
        %swap3A_360 = tpu.vector_load %arg17[%swap3A_358, %swap3A_359] {strides = array<i32>} : memref<42x128xf32, #tpu.memory_space<vmem>>, vector<1x16xf32>,
        %swap3A_361 = vector.shape_cast %swap3A_360 : vector<1x16xf32> to vector<16xf32>
        %swap3A_362 = vector.shape_cast %add3A_313 : vector<16xf32> to vector<1x16xf32>
        tpu.vector_store %arg17[%swap3A_358, %swap3A_359], %swap3A_362 {strides = array<i32>} : memref<42x128xf32, #tpu.memory_space<vmem>>, vector<1x16xf32>,
        %mul3A_363 = arith.constant 20 : i32
        %mul3A_364 = arith.muli %scan3A_174, %mul3A_363 : i32
        %add3A_365 = arith.constant 2 : i32
        %add3A_366 = arith.addi %mul3A_364, %add3A_365 : i32
        %get3A_367 = arith.index_cast %add3A_366 : i32 to index
        %get3A_368 = arith.constant 0 : index
        %get3A_369 = tpu.vector_load %arg16[%get3A_367, %get3A_368] {strides = array<i32>} : memref<320x32xf32, #tpu.memory_space<vmem>>, vector<1x16xf32>,
        %get3A_370 = vector.shape_cast %get3A_369 : vector<1x16xf32> to vector<16xf32>
        %get3A_371 = arith.index_cast %add3A_366 : i32 to index
        %get3A_372 = arith.constant 16 : index
        %get3A_373 = tpu.vector_load %arg16[%get3A_371, %get3A_372] {strides = array<i32>} : memref<320x32xf32, #tpu.memory_space<vmem>>, vector<1x16xf32>,
        %get3A_374 = vector.shape_cast %get3A_373 : vector<1x16xf32> to vector<16xf32>
        %mul3A_375 = arith.mulf %neg3A_183, %get3A_370 : vector<16xf32>
        %mul3A_376 = arith.mulf %neg3A_186, %get3A_374 : vector<16xf32>
        %add3A_377 = arith.addf %mul3A_375, %mul3A_376 : vector<16xf32>
        %jit3A_378 = arith.constant 8 : i32
        %div3A_379 = arith.divsi %add3A_366, %jit3A_378 : i32
        %sign3A_380 = arith.constant 0 : i32
        %sign3A_381 = arith.cmpi sgt, %add3A_366, %sign3A_380 : i32
        %sign3A_382 = arith.extui %sign3A_381 : i1 to i32
        %sign3A_383 = arith.constant 0 : i32
        %sign3A_384 = arith.cmpi slt, %add3A_366, %sign3A_383 : i32
        %sign3A_385 = arith.extui %sign3A_384 : i1 to i32
        %sign3A_386 = arith.subi %sign3A_382, %sign3A_385 : i32
        %sign3A_387 = arith.constant 0 : i32
        %sign3A_388 = arith.cmpi sgt, %jit3A_378, %sign3A_387 : i32
        %sign3A_389 = arith.extui %sign3A_388 : i1 to i32
        %sign3A_390 = arith.constant 0 : i32
        %sign3A_391 = arith.cmpi slt, %jit3A_378, %sign3A_390 : i32
        %sign3A_392 = arith.extui %sign3A_391 : i1 to i32
        %sign3A_393 = arith.subi %sign3A_389, %sign3A_392 : i32
        %ne3A_394 = arith.cmpi ne, %sign3A_386, %sign3A_393 : i32
        %rem3A_395 = arith.remsi %add3A_366, %jit3A_378 : i32
        %ne3A_396 = arith.constant 0 : i32
        %ne3A_397 = arith.cmpi ne, %rem3A_395, %ne3A_396 : i32
        %and3A_398 = arith.andi %ne3A_394, %ne3A_397 : i1
        %sub3A_399 = arith.constant 1 : i32
        %sub3A_400 = arith.subi %div3A_379, %sub3A_399 : i32
        %select_n3A_401 = arith.select %and3A_398, %sub3A_400, %div3A_379 : i32
        %add3A_402 = arith.constant 2 : i32
        %add3A_403 = arith.addi %add3A_402, %select_n3A_401 : i32
        %jit3A_404 = arith.constant 8 : i32
        %eq3A_405 = arith.constant 0 : i32
        %eq3A_406 = arith.cmpi eq, %jit3A_404, %eq3A_405 : i32
        %jit3A_407 = arith.constant 1 : i32
        %select_n3A_408 = arith.select %eq3A_406, %jit3A_407, %jit3A_404 : i32
        %rem3A_409 = arith.remsi %add3A_366, %select_n3A_408 : i32
        %ne3A_410 = arith.constant 0 : i32
        %ne3A_411 = arith.cmpi ne, %rem3A_409, %ne3A_410 : i32
        %lt3A_412 = arith.constant 0 : i32
        %lt3A_413 = arith.cmpi slt, %rem3A_409, %lt3A_412 : i32
        %lt3A_414 = arith.constant 0 : i32
        %lt3A_415 = arith.cmpi slt, %select_n3A_408, %lt3A_414 : i32
        %ne3A_416 = arith.xori %lt3A_413, %lt3A_415 : i1
        %and3A_417 = arith.andi %ne3A_416, %ne3A_411 : i1
        %add3A_418 = arith.addi %rem3A_409, %select_n3A_408 : i32
        %select_n3A_419 = arith.select %and3A_417, %add3A_418, %rem3A_409 : i32
        %mul3A_420 = arith.constant 16 : i32
        %mul3A_421 = arith.muli %select_n3A_419, %mul3A_420 : i32
        %swap3A_422 = arith.index_cast %add3A_403 : i32 to index
        %swap3A_423 = arith.index_cast %mul3A_421 : i32 to index
        %swap3A_424 = tpu.vector_load %arg17[%swap3A_422, %swap3A_423] {strides = array<i32>} : memref<42x128xf32, #tpu.memory_space<vmem>>, vector<1x16xf32>,
        %swap3A_425 = vector.shape_cast %swap3A_424 : vector<1x16xf32> to vector<16xf32>
        %swap3A_426 = vector.shape_cast %add3A_377 : vector<16xf32> to vector<1x16xf32>
        tpu.vector_store %arg17[%swap3A_422, %swap3A_423], %swap3A_426 {strides = array<i32>} : memref<42x128xf32, #tpu.memory_space<vmem>>, vector<1x16xf32>,
        %mul3A_427 = arith.constant 20 : i32
        %mul3A_428 = arith.muli %scan3A_174, %mul3A_427 : i32
        %add3A_429 = arith.constant 3 : i32
        %add3A_430 = arith.addi %mul3A_428, %add3A_429 : i32
        %get3A_431 = arith.index_cast %add3A_430 : i32 to index
        %get3A_432 = arith.constant 0 : index
        %get3A_433 = tpu.vector_load %arg16[%get3A_431, %get3A_432] {strides = array<i32>} : memref<320x32xf32, #tpu.memory_space<vmem>>, vector<1x16xf32>,
        %get3A_434 = vector.shape_cast %get3A_433 : vector<1x16xf32> to vector<16xf32>
        %get3A_435 = arith.index_cast %add3A_430 : i32 to index
        %get3A_436 = arith.constant 16 : index
        %get3A_437 = tpu.vector_load %arg16[%get3A_435, %get3A_436] {strides = array<i32>} : memref<320x32xf32, #tpu.memory_space<vmem>>, vector<1x16xf32>,
        %get3A_438 = vector.shape_cast %get3A_437 : vector<1x16xf32> to vector<16xf32>
        %mul3A_439 = arith.mulf %neg3A_183, %get3A_434 : vector<16xf32>
        %mul3A_440 = arith.mulf %neg3A_186, %get3A_438 : vector<16xf32>
        %add3A_441 = arith.addf %mul3A_439, %mul3A_440 : vector<16xf32>
        %jit3A_442 = arith.constant 8 : i32
        %div3A_443 = arith.divsi %add3A_430, %jit3A_442 : i32
        %sign3A_444 = arith.constant 0 : i32
        %sign3A_445 = arith.cmpi sgt, %add3A_430, %sign3A_444 : i32
        %sign3A_446 = arith.extui %sign3A_445 : i1 to i32
        %sign3A_447 = arith.constant 0 : i32
        %sign3A_448 = arith.cmpi slt, %add3A_430, %sign3A_447 : i32
        %sign3A_449 = arith.extui %sign3A_448 : i1 to i32
        %sign3A_450 = arith.subi %sign3A_446, %sign3A_449 : i32
        %sign3A_451 = arith.constant 0 : i32
        %sign3A_452 = arith.cmpi sgt, %jit3A_442, %sign3A_451 : i32
        %sign3A_453 = arith.extui %sign3A_452 : i1 to i32
        %sign3A_454 = arith.constant 0 : i32
        %sign3A_455 = arith.cmpi slt, %jit3A_442, %sign3A_454 : i32
        %sign3A_456 = arith.extui %sign3A_455 : i1 to i32
        %sign3A_457 = arith.subi %sign3A_453, %sign3A_456 : i32
        %ne3A_458 = arith.cmpi ne, %sign3A_450, %sign3A_457 : i32
        %rem3A_459 = arith.remsi %add3A_430, %jit3A_442 : i32
        %ne3A_460 = arith.constant 0 : i32
        %ne3A_461 = arith.cmpi ne, %rem3A_459, %ne3A_460 : i32
        %and3A_462 = arith.andi %ne3A_458, %ne3A_461 : i1
        %sub3A_463 = arith.constant 1 : i32
        %sub3A_464 = arith.subi %div3A_443, %sub3A_463 : i32
        %select_n3A_465 = arith.select %and3A_462, %sub3A_464, %div3A_443 : i32
        %add3A_466 = arith.constant 2 : i32
        %add3A_467 = arith.addi %add3A_466, %select_n3A_465 : i32
        %jit3A_468 = arith.constant 8 : i32
        %eq3A_469 = arith.constant 0 : i32
        %eq3A_470 = arith.cmpi eq, %jit3A_468, %eq3A_469 : i32
        %jit3A_471 = arith.constant 1 : i32
        %select_n3A_472 = arith.select %eq3A_470, %jit3A_471, %jit3A_468 : i32
        %rem3A_473 = arith.remsi %add3A_430, %select_n3A_472 : i32
        %ne3A_474 = arith.constant 0 : i32
        %ne3A_475 = arith.cmpi ne, %rem3A_473, %ne3A_474 : i32
        %lt3A_476 = arith.constant 0 : i32
        %lt3A_477 = arith.cmpi slt, %rem3A_473, %lt3A_476 : i32
        %lt3A_478 = arith.constant 0 : i32
        %lt3A_479 = arith.cmpi slt, %select_n3A_472, %lt3A_478 : i32
        %ne3A_480 = arith.xori %lt3A_477, %lt3A_479 : i1
        %and3A_481 = arith.andi %ne3A_480, %ne3A_475 : i1
        %add3A_482 = arith.addi %rem3A_473, %select_n3A_472 : i32
        %select_n3A_483 = arith.select %and3A_481, %add3A_482, %rem3A_473 : i32
        %mul3A_484 = arith.constant 16 : i32
        %mul3A_485 = arith.muli %select_n3A_483, %mul3A_484 : i32
        %swap3A_486 = arith.index_cast %add3A_467 : i32 to index
        %swap3A_487 = arith.index_cast %mul3A_485 : i32 to index
        %swap3A_488 = tpu.vector_load %arg17[%swap3A_486, %swap3A_487] {strides = array<i32>} : memref<42x128xf32, #tpu.memory_space<vmem>>, vector<1x16xf32>,
        %swap3A_489 = vector.shape_cast %swap3A_488 : vector<1x16xf32> to vector<16xf32>
        %swap3A_490 = vector.shape_cast %add3A_441 : vector<16xf32> to vector<1x16xf32>
        tpu.vector_store %arg17[%swap3A_486, %swap3A_487], %swap3A_490 {strides = array<i32>} : memref<42x128xf32, #tpu.memory_space<vmem>>, vector<1x16xf32>,
        %mul3A_491 = arith.constant 20 : i32
        %mul3A_492 = arith.muli %scan3A_174, %mul3A_491 : i32
        %add3A_493 = arith.constant 4 : i32
        %add3A_494 = arith.addi %mul3A_492, %add3A_493 : i32
        %get3A_495 = arith.index_cast %add3A_494 : i32 to index
        %get3A_496 = arith.constant 0 : index
        %get3A_497 = tpu.vector_load %arg16[%get3A_495, %get3A_496] {strides = array<i32>} : memref<320x32xf32, #tpu.memory_space<vmem>>, vector<1x16xf32>,
        %get3A_498 = vector.shape_cast %get3A_497 : vector<1x16xf32> to vector<16xf32>
        %get3A_499 = arith.index_cast %add3A_494 : i32 to index
        %get3A_500 = arith.constant 16 : index
        %get3A_501 = tpu.vector_load %arg16[%get3A_499, %get3A_500] {strides = array<i32>} : memref<320x32xf32, #tpu.memory_space<vmem>>, vector<1x16xf32>,
        %get3A_502 = vector.shape_cast %get3A_501 : vector<1x16xf32> to vector<16xf32>
        %mul3A_503 = arith.mulf %neg3A_183, %get3A_498 : vector<16xf32>
        %mul3A_504 = arith.mulf %neg3A_186, %get3A_502 : vector<16xf32>
        %add3A_505 = arith.addf %mul3A_503, %mul3A_504 : vector<16xf32>
        %jit3A_506 = arith.constant 8 : i32
        %div3A_507 = arith.divsi %add3A_494, %jit3A_506 : i32
        %sign3A_508 = arith.constant 0 : i32
        %sign3A_509 = arith.cmpi sgt, %add3A_494, %sign3A_508 : i32
        %sign3A_510 = arith.extui %sign3A_509 : i1 to i32
        %sign3A_511 = arith.constant 0 : i32
        %sign3A_512 = arith.cmpi slt, %add3A_494, %sign3A_511 : i32
        %sign3A_513 = arith.extui %sign3A_512 : i1 to i32
        %sign3A_514 = arith.subi %sign3A_510, %sign3A_513 : i32
        %sign3A_515 = arith.constant 0 : i32
        %sign3A_516 = arith.cmpi sgt, %jit3A_506, %sign3A_515 : i32
        %sign3A_517 = arith.extui %sign3A_516 : i1 to i32
        %sign3A_518 = arith.constant 0 : i32
        %sign3A_519 = arith.cmpi slt, %jit3A_506, %sign3A_518 : i32
        %sign3A_520 = arith.extui %sign3A_519 : i1 to i32
        %sign3A_521 = arith.subi %sign3A_517, %sign3A_520 : i32
        %ne3A_522 = arith.cmpi ne, %sign3A_514, %sign3A_521 : i32
        %rem3A_523 = arith.remsi %add3A_494, %jit3A_506 : i32
        %ne3A_524 = arith.constant 0 : i32
        %ne3A_525 = arith.cmpi ne, %rem3A_523, %ne3A_524 : i32
        %and3A_526 = arith.andi %ne3A_522, %ne3A_525 : i1
        %sub3A_527 = arith.constant 1 : i32
        %sub3A_528 = arith.subi %div3A_507, %sub3A_527 : i32
        %select_n3A_529 = arith.select %and3A_526, %sub3A_528, %div3A_507 : i32
        %add3A_530 = arith.constant 2 : i32
        %add3A_531 = arith.addi %add3A_530, %select_n3A_529 : i32
        %jit3A_532 = arith.constant 8 : i32
        %eq3A_533 = arith.constant 0 : i32
        %eq3A_534 = arith.cmpi eq, %jit3A_532, %eq3A_533 : i32
        %jit3A_535 = arith.constant 1 : i32
        %select_n3A_536 = arith.select %eq3A_534, %jit3A_535, %jit3A_532 : i32
        %rem3A_537 = arith.remsi %add3A_494, %select_n3A_536 : i32
        %ne3A_538 = arith.constant 0 : i32
        %ne3A_539 = arith.cmpi ne, %rem3A_537, %ne3A_538 : i32
        %lt3A_540 = arith.constant 0 : i32
        %lt3A_541 = arith.cmpi slt, %rem3A_537, %lt3A_540 : i32
        %lt3A_542 = arith.constant 0 : i32
        %lt3A_543 = arith.cmpi slt, %select_n3A_536, %lt3A_542 : i32
        %ne3A_544 = arith.xori %lt3A_541, %lt3A_543 : i1
        %and3A_545 = arith.andi %ne3A_544, %ne3A_539 : i1
        %add3A_546 = arith.addi %rem3A_537, %select_n3A_536 : i32
        %select_n3A_547 = arith.select %and3A_545, %add3A_546, %rem3A_537 : i32
        %mul3A_548 = arith.constant 16 : i32
        %mul3A_549 = arith.muli %select_n3A_547, %mul3A_548 : i32
        %swap3A_550 = arith.index_cast %add3A_531 : i32 to index
        %swap3A_551 = arith.index_cast %mul3A_549 : i32 to index
        %swap3A_552 = tpu.vector_load %arg17[%swap3A_550, %swap3A_551] {strides = array<i32>} : memref<42x128xf32, #tpu.memory_space<vmem>>, vector<1x16xf32>,
        %swap3A_553 = vector.shape_cast %swap3A_552 : vector<1x16xf32> to vector<16xf32>
        %swap3A_554 = vector.shape_cast %add3A_505 : vector<16xf32> to vector<1x16xf32>
        tpu.vector_store %arg17[%swap3A_550, %swap3A_551], %swap3A_554 {strides = array<i32>} : memref<42x128xf32, #tpu.memory_space<vmem>>, vector<1x16xf32>,
        %mul3A_555 = arith.constant 20 : i32
        %mul3A_556 = arith.muli %scan3A_174, %mul3A_555 : i32
        %add3A_557 = arith.constant 5 : i32
        %add3A_558 = arith.addi %mul3A_556, %add3A_557 : i32
        %get3A_559 = arith.index_cast %add3A_558 : i32 to index
        %get3A_560 = arith.constant 0 : index
        %get3A_561 = tpu.vector_load %arg16[%get3A_559, %get3A_560] {strides = array<i32>} : memref<320x32xf32, #tpu.memory_space<vmem>>, vector<1x16xf32>,
        %get3A_562 = vector.shape_cast %get3A_561 : vector<1x16xf32> to vector<16xf32>
        %get3A_563 = arith.index_cast %add3A_558 : i32 to index
        %get3A_564 = arith.constant 16 : index
        %get3A_565 = tpu.vector_load %arg16[%get3A_563, %get3A_564] {strides = array<i32>} : memref<320x32xf32, #tpu.memory_space<vmem>>, vector<1x16xf32>,
        %get3A_566 = vector.shape_cast %get3A_565 : vector<1x16xf32> to vector<16xf32>
        %mul3A_567 = arith.mulf %neg3A_183, %get3A_562 : vector<16xf32>
        %mul3A_568 = arith.mulf %neg3A_186, %get3A_566 : vector<16xf32>
        %add3A_569 = arith.addf %mul3A_567, %mul3A_568 : vector<16xf32>
        %jit3A_570 = arith.constant 8 : i32
        %div3A_571 = arith.divsi %add3A_558, %jit3A_570 : i32
        %sign3A_572 = arith.constant 0 : i32
        %sign3A_573 = arith.cmpi sgt, %add3A_558, %sign3A_572 : i32
        %sign3A_574 = arith.extui %sign3A_573 : i1 to i32
        %sign3A_575 = arith.constant 0 : i32
        %sign3A_576 = arith.cmpi slt, %add3A_558, %sign3A_575 : i32
        %sign3A_577 = arith.extui %sign3A_576 : i1 to i32
        %sign3A_578 = arith.subi %sign3A_574, %sign3A_577 : i32
        %sign3A_579 = arith.constant 0 : i32
        %sign3A_580 = arith.cmpi sgt, %jit3A_570, %sign3A_579 : i32
        %sign3A_581 = arith.extui %sign3A_580 : i1 to i32
        %sign3A_582 = arith.constant 0 : i32
        %sign3A_583 = arith.cmpi slt, %jit3A_570, %sign3A_582 : i32
        %sign3A_584 = arith.extui %sign3A_583 : i1 to i32
        %sign3A_585 = arith.subi %sign3A_581, %sign3A_584 : i32
        %ne3A_586 = arith.cmpi ne, %sign3A_578, %sign3A_585 : i32
        %rem3A_587 = arith.remsi %add3A_558, %jit3A_570 : i32
        %ne3A_588 = arith.constant 0 : i32
        %ne3A_589 = arith.cmpi ne, %rem3A_587, %ne3A_588 : i32
        %and3A_590 = arith.andi %ne3A_586, %ne3A_589 : i1
        %sub3A_591 = arith.constant 1 : i32
        %sub3A_592 = arith.subi %div3A_571, %sub3A_591 : i32
        %select_n3A_593 = arith.select %and3A_590, %sub3A_592, %div3A_571 : i32
        %add3A_594 = arith.constant 2 : i32
        %add3A_595 = arith.addi %add3A_594, %select_n3A_593 : i32
        %jit3A_596 = arith.constant 8 : i32
        %eq3A_597 = arith.constant 0 : i32
        %eq3A_598 = arith.cmpi eq, %jit3A_596, %eq3A_597 : i32
        %jit3A_599 = arith.constant 1 : i32
        %select_n3A_600 = arith.select %eq3A_598, %jit3A_599, %jit3A_596 : i32
        %rem3A_601 = arith.remsi %add3A_558, %select_n3A_600 : i32
        %ne3A_602 = arith.constant 0 : i32
        %ne3A_603 = arith.cmpi ne, %rem3A_601, %ne3A_602 : i32
        %lt3A_604 = arith.constant 0 : i32
        %lt3A_605 = arith.cmpi slt, %rem3A_601, %lt3A_604 : i32
        %lt3A_606 = arith.constant 0 : i32
        %lt3A_607 = arith.cmpi slt, %select_n3A_600, %lt3A_606 : i32
        %ne3A_608 = arith.xori %lt3A_605, %lt3A_607 : i1
        %and3A_609 = arith.andi %ne3A_608, %ne3A_603 : i1
        %add3A_610 = arith.addi %rem3A_601, %select_n3A_600 : i32
        %select_n3A_611 = arith.select %and3A_609, %add3A_610, %rem3A_601 : i32
        %mul3A_612 = arith.constant 16 : i32
        %mul3A_613 = arith.muli %select_n3A_611, %mul3A_612 : i32
        %swap3A_614 = arith.index_cast %add3A_595 : i32 to index
        %swap3A_615 = arith.index_cast %mul3A_613 : i32 to index
        %swap3A_616 = tpu.vector_load %arg17[%swap3A_614, %swap3A_615] {strides = array<i32>} : memref<42x128xf32, #tpu.memory_space<vmem>>, vector<1x16xf32>,
        %swap3A_617 = vector.shape_cast %swap3A_616 : vector<1x16xf32> to vector<16xf32>
        %swap3A_618 = vector.shape_cast %add3A_569 : vector<16xf32> to vector<1x16xf32>
        tpu.vector_store %arg17[%swap3A_614, %swap3A_615], %swap3A_618 {strides = array<i32>} : memref<42x128xf32, #tpu.memory_space<vmem>>, vector<1x16xf32>,
        %mul3A_619 = arith.constant 20 : i32
        %mul3A_620 = arith.muli %scan3A_174, %mul3A_619 : i32
        %add3A_621 = arith.constant 6 : i32
        %add3A_622 = arith.addi %mul3A_620, %add3A_621 : i32
        %get3A_623 = arith.index_cast %add3A_622 : i32 to index
        %get3A_624 = arith.constant 0 : index
        %get3A_625 = tpu.vector_load %arg16[%get3A_623, %get3A_624] {strides = array<i32>} : memref<320x32xf32, #tpu.memory_space<vmem>>, vector<1x16xf32>,
        %get3A_626 = vector.shape_cast %get3A_625 : vector<1x16xf32> to vector<16xf32>
        %get3A_627 = arith.index_cast %add3A_622 : i32 to index
        %get3A_628 = arith.constant 16 : index
        %get3A_629 = tpu.vector_load %arg16[%get3A_627, %get3A_628] {strides = array<i32>} : memref<320x32xf32, #tpu.memory_space<vmem>>, vector<1x16xf32>,
        %get3A_630 = vector.shape_cast %get3A_629 : vector<1x16xf32> to vector<16xf32>
        %mul3A_631 = arith.mulf %neg3A_183, %get3A_626 : vector<16xf32>
        %mul3A_632 = arith.mulf %neg3A_186, %get3A_630 : vector<16xf32>
        %add3A_633 = arith.addf %mul3A_631, %mul3A_632 : vector<16xf32>
        %jit3A_634 = arith.constant 8 : i32
        %div3A_635 = arith.divsi %add3A_622, %jit3A_634 : i32
        %sign3A_636 = arith.constant 0 : i32
        %sign3A_637 = arith.cmpi sgt, %add3A_622, %sign3A_636 : i32
        %sign3A_638 = arith.extui %sign3A_637 : i1 to i32
        %sign3A_639 = arith.constant 0 : i32
        %sign3A_640 = arith.cmpi slt, %add3A_622, %sign3A_639 : i32
        %sign3A_641 = arith.extui %sign3A_640 : i1 to i32
        %sign3A_642 = arith.subi %sign3A_638, %sign3A_641 : i32
        %sign3A_643 = arith.constant 0 : i32
        %sign3A_644 = arith.cmpi sgt, %jit3A_634, %sign3A_643 : i32
        %sign3A_645 = arith.extui %sign3A_644 : i1 to i32
        %sign3A_646 = arith.constant 0 : i32
        %sign3A_647 = arith.cmpi slt, %jit3A_634, %sign3A_646 : i32
        %sign3A_648 = arith.extui %sign3A_647 : i1 to i32
        %sign3A_649 = arith.subi %sign3A_645, %sign3A_648 : i32
        %ne3A_650 = arith.cmpi ne, %sign3A_642, %sign3A_649 : i32
        %rem3A_651 = arith.remsi %add3A_622, %jit3A_634 : i32
        %ne3A_652 = arith.constant 0 : i32
        %ne3A_653 = arith.cmpi ne, %rem3A_651, %ne3A_652 : i32
        %and3A_654 = arith.andi %ne3A_650, %ne3A_653 : i1
        %sub3A_655 = arith.constant 1 : i32
        %sub3A_656 = arith.subi %div3A_635, %sub3A_655 : i32
        %select_n3A_657 = arith.select %and3A_654, %sub3A_656, %div3A_635 : i32
        %add3A_658 = arith.constant 2 : i32
        %add3A_659 = arith.addi %add3A_658, %select_n3A_657 : i32
        %jit3A_660 = arith.constant 8 : i32
        %eq3A_661 = arith.constant 0 : i32
        %eq3A_662 = arith.cmpi eq, %jit3A_660, %eq3A_661 : i32
        %jit3A_663 = arith.constant 1 : i32
        %select_n3A_664 = arith.select %eq3A_662, %jit3A_663, %jit3A_660 : i32
        %rem3A_665 = arith.remsi %add3A_622, %select_n3A_664 : i32
        %ne3A_666 = arith.constant 0 : i32
        %ne3A_667 = arith.cmpi ne, %rem3A_665, %ne3A_666 : i32
        %lt3A_668 = arith.constant 0 : i32
        %lt3A_669 = arith.cmpi slt, %rem3A_665, %lt3A_668 : i32
        %lt3A_670 = arith.constant 0 : i32
        %lt3A_671 = arith.cmpi slt, %select_n3A_664, %lt3A_670 : i32
        %ne3A_672 = arith.xori %lt3A_669, %lt3A_671 : i1
        %and3A_673 = arith.andi %ne3A_672, %ne3A_667 : i1
        %add3A_674 = arith.addi %rem3A_665, %select_n3A_664 : i32
        %select_n3A_675 = arith.select %and3A_673, %add3A_674, %rem3A_665 : i32
        %mul3A_676 = arith.constant 16 : i32
        %mul3A_677 = arith.muli %select_n3A_675, %mul3A_676 : i32
        %swap3A_678 = arith.index_cast %add3A_659 : i32 to index
        %swap3A_679 = arith.index_cast %mul3A_677 : i32 to index
        %swap3A_680 = tpu.vector_load %arg17[%swap3A_678, %swap3A_679] {strides = array<i32>} : memref<42x128xf32, #tpu.memory_space<vmem>>, vector<1x16xf32>,
        %swap3A_681 = vector.shape_cast %swap3A_680 : vector<1x16xf32> to vector<16xf32>
        %swap3A_682 = vector.shape_cast %add3A_633 : vector<16xf32> to vector<1x16xf32>
        tpu.vector_store %arg17[%swap3A_678, %swap3A_679], %swap3A_682 {strides = array<i32>} : memref<42x128xf32, #tpu.memory_space<vmem>>, vector<1x16xf32>,
        %mul3A_683 = arith.constant 20 : i32
        %mul3A_684 = arith.muli %scan3A_174, %mul3A_683 : i32
        %add3A_685 = arith.constant 7 : i32
        %add3A_686 = arith.addi %mul3A_684, %add3A_685 : i32
        %get3A_687 = arith.index_cast %add3A_686 : i32 to index
        %get3A_688 = arith.constant 0 : index
        %get3A_689 = tpu.vector_load %arg16[%get3A_687, %get3A_688] {strides = array<i32>} : memref<320x32xf32, #tpu.memory_space<vmem>>, vector<1x16xf32>,
        %get3A_690 = vector.shape_cast %get3A_689 : vector<1x16xf32> to vector<16xf32>
        %get3A_691 = arith.index_cast %add3A_686 : i32 to index
        %get3A_692 = arith.constant 16 : index
        %get3A_693 = tpu.vector_load %arg16[%get3A_691, %get3A_692] {strides = array<i32>} : memref<320x32xf32, #tpu.memory_space<vmem>>, vector<1x16xf32>,
        %get3A_694 = vector.shape_cast %get3A_693 : vector<1x16xf32> to vector<16xf32>
        %mul3A_695 = arith.mulf %neg3A_183, %get3A_690 : vector<16xf32>
        %mul3A_696 = arith.mulf %neg3A_186, %get3A_694 : vector<16xf32>
        %add3A_697 = arith.addf %mul3A_695, %mul3A_696 : vector<16xf32>
        %jit3A_698 = arith.constant 8 : i32
        %div3A_699 = arith.divsi %add3A_686, %jit3A_698 : i32
        %sign3A_700 = arith.constant 0 : i32
        %sign3A_701 = arith.cmpi sgt, %add3A_686, %sign3A_700 : i32
        %sign3A_702 = arith.extui %sign3A_701 : i1 to i32
        %sign3A_703 = arith.constant 0 : i32
        %sign3A_704 = arith.cmpi slt, %add3A_686, %sign3A_703 : i32
        %sign3A_705 = arith.extui %sign3A_704 : i1 to i32
        %sign3A_706 = arith.subi %sign3A_702, %sign3A_705 : i32
        %sign3A_707 = arith.constant 0 : i32
        %sign3A_708 = arith.cmpi sgt, %jit3A_698, %sign3A_707 : i32
        %sign3A_709 = arith.extui %sign3A_708 : i1 to i32
        %sign3A_710 = arith.constant 0 : i32
        %sign3A_711 = arith.cmpi slt, %jit3A_698, %sign3A_710 : i32
        %sign3A_712 = arith.extui %sign3A_711 : i1 to i32
        %sign3A_713 = arith.subi %sign3A_709, %sign3A_712 : i32
        %ne3A_714 = arith.cmpi ne, %sign3A_706, %sign3A_713 : i32
        %rem3A_715 = arith.remsi %add3A_686, %jit3A_698 : i32
        %ne3A_716 = arith.constant 0 : i32
        %ne3A_717 = arith.cmpi ne, %rem3A_715, %ne3A_716 : i32
        %and3A_718 = arith.andi %ne3A_714, %ne3A_717 : i1
        %sub3A_719 = arith.constant 1 : i32
        %sub3A_720 = arith.subi %div3A_699, %sub3A_719 : i32
        %select_n3A_721 = arith.select %and3A_718, %sub3A_720, %div3A_699 : i32
        %add3A_722 = arith.constant 2 : i32
        %add3A_723 = arith.addi %add3A_722, %select_n3A_721 : i32
        %jit3A_724 = arith.constant 8 : i32
        %eq3A_725 = arith.constant 0 : i32
        %eq3A_726 = arith.cmpi eq, %jit3A_724, %eq3A_725 : i32
        %jit3A_727 = arith.constant 1 : i32
        %select_n3A_728 = arith.select %eq3A_726, %jit3A_727, %jit3A_724 : i32
        %rem3A_729 = arith.remsi %add3A_686, %select_n3A_728 : i32
        %ne3A_730 = arith.constant 0 : i32
        %ne3A_731 = arith.cmpi ne, %rem3A_729, %ne3A_730 : i32
        %lt3A_732 = arith.constant 0 : i32
        %lt3A_733 = arith.cmpi slt, %rem3A_729, %lt3A_732 : i32
        %lt3A_734 = arith.constant 0 : i32
        %lt3A_735 = arith.cmpi slt, %select_n3A_728, %lt3A_734 : i32
        %ne3A_736 = arith.xori %lt3A_733, %lt3A_735 : i1
        %and3A_737 = arith.andi %ne3A_736, %ne3A_731 : i1
        %add3A_738 = arith.addi %rem3A_729, %select_n3A_728 : i32
        %select_n3A_739 = arith.select %and3A_737, %add3A_738, %rem3A_729 : i32
        %mul3A_740 = arith.constant 16 : i32
        %mul3A_741 = arith.muli %select_n3A_739, %mul3A_740 : i32
        %swap3A_742 = arith.index_cast %add3A_723 : i32 to index
        %swap3A_743 = arith.index_cast %mul3A_741 : i32 to index
        %swap3A_744 = tpu.vector_load %arg17[%swap3A_742, %swap3A_743] {strides = array<i32>} : memref<42x128xf32, #tpu.memory_space<vmem>>, vector<1x16xf32>,
        %swap3A_745 = vector.shape_cast %swap3A_744 : vector<1x16xf32> to vector<16xf32>
        %swap3A_746 = vector.shape_cast %add3A_697 : vector<16xf32> to vector<1x16xf32>
        tpu.vector_store %arg17[%swap3A_742, %swap3A_743], %swap3A_746 {strides = array<i32>} : memref<42x128xf32, #tpu.memory_space<vmem>>, vector<1x16xf32>,
        %mul3A_747 = arith.constant 20 : i32
        %mul3A_748 = arith.muli %scan3A_174, %mul3A_747 : i32
        %add3A_749 = arith.constant 8 : i32
        %add3A_750 = arith.addi %mul3A_748, %add3A_749 : i32
        %get3A_751 = arith.index_cast %add3A_750 : i32 to index
        %get3A_752 = arith.constant 0 : index
        %get3A_753 = tpu.vector_load %arg16[%get3A_751, %get3A_752] {strides = array<i32>} : memref<320x32xf32, #tpu.memory_space<vmem>>, vector<1x16xf32>,
        %get3A_754 = vector.shape_cast %get3A_753 : vector<1x16xf32> to vector<16xf32>
        %get3A_755 = arith.index_cast %add3A_750 : i32 to index
        %get3A_756 = arith.constant 16 : index
        %get3A_757 = tpu.vector_load %arg16[%get3A_755, %get3A_756] {strides = array<i32>} : memref<320x32xf32, #tpu.memory_space<vmem>>, vector<1x16xf32>,
        %get3A_758 = vector.shape_cast %get3A_757 : vector<1x16xf32> to vector<16xf32>
        %mul3A_759 = arith.mulf %neg3A_183, %get3A_754 : vector<16xf32>
        %mul3A_760 = arith.mulf %neg3A_186, %get3A_758 : vector<16xf32>
        %add3A_761 = arith.addf %mul3A_759, %mul3A_760 : vector<16xf32>
        %jit3A_762 = arith.constant 8 : i32
        %div3A_763 = arith.divsi %add3A_750, %jit3A_762 : i32
        %sign3A_764 = arith.constant 0 : i32
        %sign3A_765 = arith.cmpi sgt, %add3A_750, %sign3A_764 : i32
        %sign3A_766 = arith.extui %sign3A_765 : i1 to i32
        %sign3A_767 = arith.constant 0 : i32
        %sign3A_768 = arith.cmpi slt, %add3A_750, %sign3A_767 : i32
        %sign3A_769 = arith.extui %sign3A_768 : i1 to i32
        %sign3A_770 = arith.subi %sign3A_766, %sign3A_769 : i32
        %sign3A_771 = arith.constant 0 : i32
        %sign3A_772 = arith.cmpi sgt, %jit3A_762, %sign3A_771 : i32
        %sign3A_773 = arith.extui %sign3A_772 : i1 to i32
        %sign3A_774 = arith.constant 0 : i32
        %sign3A_775 = arith.cmpi slt, %jit3A_762, %sign3A_774 : i32
        %sign3A_776 = arith.extui %sign3A_775 : i1 to i32
        %sign3A_777 = arith.subi %sign3A_773, %sign3A_776 : i32
        %ne3A_778 = arith.cmpi ne, %sign3A_770, %sign3A_777 : i32
        %rem3A_779 = arith.remsi %add3A_750, %jit3A_762 : i32
        %ne3A_780 = arith.constant 0 : i32
        %ne3A_781 = arith.cmpi ne, %rem3A_779, %ne3A_780 : i32
        %and3A_782 = arith.andi %ne3A_778, %ne3A_781 : i1
        %sub3A_783 = arith.constant 1 : i32
        %sub3A_784 = arith.subi %div3A_763, %sub3A_783 : i32
        %select_n3A_785 = arith.select %and3A_782, %sub3A_784, %div3A_763 : i32
        %add3A_786 = arith.constant 2 : i32
        %add3A_787 = arith.addi %add3A_786, %select_n3A_785 : i32
        %jit3A_788 = arith.constant 8 : i32
        %eq3A_789 = arith.constant 0 : i32
        %eq3A_790 = arith.cmpi eq, %jit3A_788, %eq3A_789 : i32
        %jit3A_791 = arith.constant 1 : i32
        %select_n3A_792 = arith.select %eq3A_790, %jit3A_791, %jit3A_788 : i32
        %rem3A_793 = arith.remsi %add3A_750, %select_n3A_792 : i32
        %ne3A_794 = arith.constant 0 : i32
        %ne3A_795 = arith.cmpi ne, %rem3A_793, %ne3A_794 : i32
        %lt3A_796 = arith.constant 0 : i32
        %lt3A_797 = arith.cmpi slt, %rem3A_793, %lt3A_796 : i32
        %lt3A_798 = arith.constant 0 : i32
        %lt3A_799 = arith.cmpi slt, %select_n3A_792, %lt3A_798 : i32
        %ne3A_800 = arith.xori %lt3A_797, %lt3A_799 : i1
        %and3A_801 = arith.andi %ne3A_800, %ne3A_795 : i1
        %add3A_802 = arith.addi %rem3A_793, %select_n3A_792 : i32
        %select_n3A_803 = arith.select %and3A_801, %add3A_802, %rem3A_793 : i32
        %mul3A_804 = arith.constant 16 : i32
        %mul3A_805 = arith.muli %select_n3A_803, %mul3A_804 : i32
        %swap3A_806 = arith.index_cast %add3A_787 : i32 to index
        %swap3A_807 = arith.index_cast %mul3A_805 : i32 to index
        %swap3A_808 = tpu.vector_load %arg17[%swap3A_806, %swap3A_807] {strides = array<i32>} : memref<42x128xf32, #tpu.memory_space<vmem>>, vector<1x16xf32>,
        %swap3A_809 = vector.shape_cast %swap3A_808 : vector<1x16xf32> to vector<16xf32>
        %swap3A_810 = vector.shape_cast %add3A_761 : vector<16xf32> to vector<1x16xf32>
        tpu.vector_store %arg17[%swap3A_806, %swap3A_807], %swap3A_810 {strides = array<i32>} : memref<42x128xf32, #tpu.memory_space<vmem>>, vector<1x16xf32>,
        %mul3A_811 = arith.constant 20 : i32
        %mul3A_812 = arith.muli %scan3A_174, %mul3A_811 : i32
        %add3A_813 = arith.constant 9 : i32
        %add3A_814 = arith.addi %mul3A_812, %add3A_813 : i32
        %get3A_815 = arith.index_cast %add3A_814 : i32 to index
        %get3A_816 = arith.constant 0 : index
        %get3A_817 = tpu.vector_load %arg16[%get3A_815, %get3A_816] {strides = array<i32>} : memref<320x32xf32, #tpu.memory_space<vmem>>, vector<1x16xf32>,
        %get3A_818 = vector.shape_cast %get3A_817 : vector<1x16xf32> to vector<16xf32>
        %get3A_819 = arith.index_cast %add3A_814 : i32 to index
        %get3A_820 = arith.constant 16 : index
        %get3A_821 = tpu.vector_load %arg16[%get3A_819, %get3A_820] {strides = array<i32>} : memref<320x32xf32, #tpu.memory_space<vmem>>, vector<1x16xf32>,
        %get3A_822 = vector.shape_cast %get3A_821 : vector<1x16xf32> to vector<16xf32>
        %mul3A_823 = arith.mulf %neg3A_183, %get3A_818 : vector<16xf32>
        %mul3A_824 = arith.mulf %neg3A_186, %get3A_822 : vector<16xf32>
        %add3A_825 = arith.addf %mul3A_823, %mul3A_824 : vector<16xf32>
        %jit3A_826 = arith.constant 8 : i32
        %div3A_827 = arith.divsi %add3A_814, %jit3A_826 : i32
        %sign3A_828 = arith.constant 0 : i32
        %sign3A_829 = arith.cmpi sgt, %add3A_814, %sign3A_828 : i32
        %sign3A_830 = arith.extui %sign3A_829 : i1 to i32
        %sign3A_831 = arith.constant 0 : i32
        %sign3A_832 = arith.cmpi slt, %add3A_814, %sign3A_831 : i32
        %sign3A_833 = arith.extui %sign3A_832 : i1 to i32
        %sign3A_834 = arith.subi %sign3A_830, %sign3A_833 : i32
        %sign3A_835 = arith.constant 0 : i32
        %sign3A_836 = arith.cmpi sgt, %jit3A_826, %sign3A_835 : i32
        %sign3A_837 = arith.extui %sign3A_836 : i1 to i32
        %sign3A_838 = arith.constant 0 : i32
        %sign3A_839 = arith.cmpi slt, %jit3A_826, %sign3A_838 : i32
        %sign3A_840 = arith.extui %sign3A_839 : i1 to i32
        %sign3A_841 = arith.subi %sign3A_837, %sign3A_840 : i32
        %ne3A_842 = arith.cmpi ne, %sign3A_834, %sign3A_841 : i32
        %rem3A_843 = arith.remsi %add3A_814, %jit3A_826 : i32
        %ne3A_844 = arith.constant 0 : i32
        %ne3A_845 = arith.cmpi ne, %rem3A_843, %ne3A_844 : i32
        %and3A_846 = arith.andi %ne3A_842, %ne3A_845 : i1
        %sub3A_847 = arith.constant 1 : i32
        %sub3A_848 = arith.subi %div3A_827, %sub3A_847 : i32
        %select_n3A_849 = arith.select %and3A_846, %sub3A_848, %div3A_827 : i32
        %add3A_850 = arith.constant 2 : i32
        %add3A_851 = arith.addi %add3A_850, %select_n3A_849 : i32
        %jit3A_852 = arith.constant 8 : i32
        %eq3A_853 = arith.constant 0 : i32
        %eq3A_854 = arith.cmpi eq, %jit3A_852, %eq3A_853 : i32
        %jit3A_855 = arith.constant 1 : i32
        %select_n3A_856 = arith.select %eq3A_854, %jit3A_855, %jit3A_852 : i32
        %rem3A_857 = arith.remsi %add3A_814, %select_n3A_856 : i32
        %ne3A_858 = arith.constant 0 : i32
        %ne3A_859 = arith.cmpi ne, %rem3A_857, %ne3A_858 : i32
        %lt3A_860 = arith.constant 0 : i32
        %lt3A_861 = arith.cmpi slt, %rem3A_857, %lt3A_860 : i32
        %lt3A_862 = arith.constant 0 : i32
        %lt3A_863 = arith.cmpi slt, %select_n3A_856, %lt3A_862 : i32
        %ne3A_864 = arith.xori %lt3A_861, %lt3A_863 : i1
        %and3A_865 = arith.andi %ne3A_864, %ne3A_859 : i1
        %add3A_866 = arith.addi %rem3A_857, %select_n3A_856 : i32
        %select_n3A_867 = arith.select %and3A_865, %add3A_866, %rem3A_857 : i32
        %mul3A_868 = arith.constant 16 : i32
        %mul3A_869 = arith.muli %select_n3A_867, %mul3A_868 : i32
        %swap3A_870 = arith.index_cast %add3A_851 : i32 to index
        %swap3A_871 = arith.index_cast %mul3A_869 : i32 to index
        %swap3A_872 = tpu.vector_load %arg17[%swap3A_870, %swap3A_871] {strides = array<i32>} : memref<42x128xf32, #tpu.memory_space<vmem>>, vector<1x16xf32>,
        %swap3A_873 = vector.shape_cast %swap3A_872 : vector<1x16xf32> to vector<16xf32>
        %swap3A_874 = vector.shape_cast %add3A_825 : vector<16xf32> to vector<1x16xf32>
        tpu.vector_store %arg17[%swap3A_870, %swap3A_871], %swap3A_874 {strides = array<i32>} : memref<42x128xf32, #tpu.memory_space<vmem>>, vector<1x16xf32>,
        %mul3A_875 = arith.constant 20 : i32
        %mul3A_876 = arith.muli %scan3A_174, %mul3A_875 : i32
        %add3A_877 = arith.constant 10 : i32
        %add3A_878 = arith.addi %mul3A_876, %add3A_877 : i32
        %get3A_879 = arith.index_cast %add3A_878 : i32 to index
        %get3A_880 = arith.constant 0 : index
        %get3A_881 = tpu.vector_load %arg16[%get3A_879, %get3A_880] {strides = array<i32>} : memref<320x32xf32, #tpu.memory_space<vmem>>, vector<1x16xf32>,
        %get3A_882 = vector.shape_cast %get3A_881 : vector<1x16xf32> to vector<16xf32>
        %get3A_883 = arith.index_cast %add3A_878 : i32 to index
        %get3A_884 = arith.constant 16 : index
        %get3A_885 = tpu.vector_load %arg16[%get3A_883, %get3A_884] {strides = array<i32>} : memref<320x32xf32, #tpu.memory_space<vmem>>, vector<1x16xf32>,
        %get3A_886 = vector.shape_cast %get3A_885 : vector<1x16xf32> to vector<16xf32>
        %mul3A_887 = arith.mulf %neg3A_183, %get3A_882 : vector<16xf32>
        %mul3A_888 = arith.mulf %neg3A_186, %get3A_886 : vector<16xf32>
        %add3A_889 = arith.addf %mul3A_887, %mul3A_888 : vector<16xf32>
        %jit3A_890 = arith.constant 8 : i32
        %div3A_891 = arith.divsi %add3A_878, %jit3A_890 : i32
        %sign3A_892 = arith.constant 0 : i32
        %sign3A_893 = arith.cmpi sgt, %add3A_878, %sign3A_892 : i32
        %sign3A_894 = arith.extui %sign3A_893 : i1 to i32
        %sign3A_895 = arith.constant 0 : i32
        %sign3A_896 = arith.cmpi slt, %add3A_878, %sign3A_895 : i32
        %sign3A_897 = arith.extui %sign3A_896 : i1 to i32
        %sign3A_898 = arith.subi %sign3A_894, %sign3A_897 : i32
        %sign3A_899 = arith.constant 0 : i32
        %sign3A_900 = arith.cmpi sgt, %jit3A_890, %sign3A_899 : i32
        %sign3A_901 = arith.extui %sign3A_900 : i1 to i32
        %sign3A_902 = arith.constant 0 : i32
        %sign3A_903 = arith.cmpi slt, %jit3A_890, %sign3A_902 : i32
        %sign3A_904 = arith.extui %sign3A_903 : i1 to i32
        %sign3A_905 = arith.subi %sign3A_901, %sign3A_904 : i32
        %ne3A_906 = arith.cmpi ne, %sign3A_898, %sign3A_905 : i32
        %rem3A_907 = arith.remsi %add3A_878, %jit3A_890 : i32
        %ne3A_908 = arith.constant 0 : i32
        %ne3A_909 = arith.cmpi ne, %rem3A_907, %ne3A_908 : i32
        %and3A_910 = arith.andi %ne3A_906, %ne3A_909 : i1
        %sub3A_911 = arith.constant 1 : i32
        %sub3A_912 = arith.subi %div3A_891, %sub3A_911 : i32
        %select_n3A_913 = arith.select %and3A_910, %sub3A_912, %div3A_891 : i32
        %add3A_914 = arith.constant 2 : i32
        %add3A_915 = arith.addi %add3A_914, %select_n3A_913 : i32
        %jit3A_916 = arith.constant 8 : i32
        %eq3A_917 = arith.constant 0 : i32
        %eq3A_918 = arith.cmpi eq, %jit3A_916, %eq3A_917 : i32
        %jit3A_919 = arith.constant 1 : i32
        %select_n3A_920 = arith.select %eq3A_918, %jit3A_919, %jit3A_916 : i32
        %rem3A_921 = arith.remsi %add3A_878, %select_n3A_920 : i32
        %ne3A_922 = arith.constant 0 : i32
        %ne3A_923 = arith.cmpi ne, %rem3A_921, %ne3A_922 : i32
        %lt3A_924 = arith.constant 0 : i32
        %lt3A_925 = arith.cmpi slt, %rem3A_921, %lt3A_924 : i32
        %lt3A_926 = arith.constant 0 : i32
        %lt3A_927 = arith.cmpi slt, %select_n3A_920, %lt3A_926 : i32
        %ne3A_928 = arith.xori %lt3A_925, %lt3A_927 : i1
        %and3A_929 = arith.andi %ne3A_928, %ne3A_923 : i1
        %add3A_930 = arith.addi %rem3A_921, %select_n3A_920 : i32
        %select_n3A_931 = arith.select %and3A_929, %add3A_930, %rem3A_921 : i32
        %mul3A_932 = arith.constant 16 : i32
        %mul3A_933 = arith.muli %select_n3A_931, %mul3A_932 : i32
        %swap3A_934 = arith.index_cast %add3A_915 : i32 to index
        %swap3A_935 = arith.index_cast %mul3A_933 : i32 to index
        %swap3A_936 = tpu.vector_load %arg17[%swap3A_934, %swap3A_935] {strides = array<i32>} : memref<42x128xf32, #tpu.memory_space<vmem>>, vector<1x16xf32>,
        %swap3A_937 = vector.shape_cast %swap3A_936 : vector<1x16xf32> to vector<16xf32>
        %swap3A_938 = vector.shape_cast %add3A_889 : vector<16xf32> to vector<1x16xf32>
        tpu.vector_store %arg17[%swap3A_934, %swap3A_935], %swap3A_938 {strides = array<i32>} : memref<42x128xf32, #tpu.memory_space<vmem>>, vector<1x16xf32>,
        %mul3A_939 = arith.constant 20 : i32
        %mul3A_940 = arith.muli %scan3A_174, %mul3A_939 : i32
        %add3A_941 = arith.constant 11 : i32
        %add3A_942 = arith.addi %mul3A_940, %add3A_941 : i32
        %get3A_943 = arith.index_cast %add3A_942 : i32 to index
        %get3A_944 = arith.constant 0 : index
        %get3A_945 = tpu.vector_load %arg16[%get3A_943, %get3A_944] {strides = array<i32>} : memref<320x32xf32, #tpu.memory_space<vmem>>, vector<1x16xf32>,
        %get3A_946 = vector.shape_cast %get3A_945 : vector<1x16xf32> to vector<16xf32>
        %get3A_947 = arith.index_cast %add3A_942 : i32 to index
        %get3A_948 = arith.constant 16 : index
        %get3A_949 = tpu.vector_load %arg16[%get3A_947, %get3A_948] {strides = array<i32>} : memref<320x32xf32, #tpu.memory_space<vmem>>, vector<1x16xf32>,
        %get3A_950 = vector.shape_cast %get3A_949 : vector<1x16xf32> to vector<16xf32>
        %mul3A_951 = arith.mulf %neg3A_183, %get3A_946 : vector<16xf32>
        %mul3A_952 = arith.mulf %neg3A_186, %get3A_950 : vector<16xf32>
        %add3A_953 = arith.addf %mul3A_951, %mul3A_952 : vector<16xf32>
        %jit3A_954 = arith.constant 8 : i32
        %div3A_955 = arith.divsi %add3A_942, %jit3A_954 : i32
        %sign3A_956 = arith.constant 0 : i32
        %sign3A_957 = arith.cmpi sgt, %add3A_942, %sign3A_956 : i32
        %sign3A_958 = arith.extui %sign3A_957 : i1 to i32
        %sign3A_959 = arith.constant 0 : i32
        %sign3A_960 = arith.cmpi slt, %add3A_942, %sign3A_959 : i32
        %sign3A_961 = arith.extui %sign3A_960 : i1 to i32
        %sign3A_962 = arith.subi %sign3A_958, %sign3A_961 : i32
        %sign3A_963 = arith.constant 0 : i32
        %sign3A_964 = arith.cmpi sgt, %jit3A_954, %sign3A_963 : i32
        %sign3A_965 = arith.extui %sign3A_964 : i1 to i32
        %sign3A_966 = arith.constant 0 : i32
        %sign3A_967 = arith.cmpi slt, %jit3A_954, %sign3A_966 : i32
        %sign3A_968 = arith.extui %sign3A_967 : i1 to i32
        %sign3A_969 = arith.subi %sign3A_965, %sign3A_968 : i32
        %ne3A_970 = arith.cmpi ne, %sign3A_962, %sign3A_969 : i32
        %rem3A_971 = arith.remsi %add3A_942, %jit3A_954 : i32
        %ne3A_972 = arith.constant 0 : i32
        %ne3A_973 = arith.cmpi ne, %rem3A_971, %ne3A_972 : i32
        %and3A_974 = arith.andi %ne3A_970, %ne3A_973 : i1
        %sub3A_975 = arith.constant 1 : i32
        %sub3A_976 = arith.subi %div3A_955, %sub3A_975 : i32
        %select_n3A_977 = arith.select %and3A_974, %sub3A_976, %div3A_955 : i32
        %add3A_978 = arith.constant 2 : i32
        %add3A_979 = arith.addi %add3A_978, %select_n3A_977 : i32
        %jit3A_980 = arith.constant 8 : i32
        %eq3A_981 = arith.constant 0 : i32
        %eq3A_982 = arith.cmpi eq, %jit3A_980, %eq3A_981 : i32
        %jit3A_983 = arith.constant 1 : i32
        %select_n3A_984 = arith.select %eq3A_982, %jit3A_983, %jit3A_980 : i32
        %rem3A_985 = arith.remsi %add3A_942, %select_n3A_984 : i32
        %ne3A_986 = arith.constant 0 : i32
        %ne3A_987 = arith.cmpi ne, %rem3A_985, %ne3A_986 : i32
        %lt3A_988 = arith.constant 0 : i32
        %lt3A_989 = arith.cmpi slt, %rem3A_985, %lt3A_988 : i32
        %lt3A_990 = arith.constant 0 : i32
        %lt3A_991 = arith.cmpi slt, %select_n3A_984, %lt3A_990 : i32
        %ne3A_992 = arith.xori %lt3A_989, %lt3A_991 : i1
        %and3A_993 = arith.andi %ne3A_992, %ne3A_987 : i1
        %add3A_994 = arith.addi %rem3A_985, %select_n3A_984 : i32
        %select_n3A_995 = arith.select %and3A_993, %add3A_994, %rem3A_985 : i32
        %mul3A_996 = arith.constant 16 : i32
        %mul3A_997 = arith.muli %select_n3A_995, %mul3A_996 : i32
        %swap3A_998 = arith.index_cast %add3A_979 : i32 to index
        %swap3A_999 = arith.index_cast %mul3A_997 : i32 to index
        %swap3A_1000 = tpu.vector_load %arg17[%swap3A_998, %swap3A_999] {strides = array<i32>} : memref<42x128xf32, #tpu.memory_space<vmem>>, vector<1x16xf32>,
        %swap3A_1001 = vector.shape_cast %swap3A_1000 : vector<1x16xf32> to vector<16xf32>
        %swap3A_1002 = vector.shape_cast %add3A_953 : vector<16xf32> to vector<1x16xf32>
        tpu.vector_store %arg17[%swap3A_998, %swap3A_999], %swap3A_1002 {strides = array<i32>} : memref<42x128xf32, #tpu.memory_space<vmem>>, vector<1x16xf32>,
        %mul3A_1003 = arith.constant 20 : i32
        %mul3A_1004 = arith.muli %scan3A_174, %mul3A_1003 : i32
        %add3A_1005 = arith.constant 12 : i32
        %add3A_1006 = arith.addi %mul3A_1004, %add3A_1005 : i32
        %get3A_1007 = arith.index_cast %add3A_1006 : i32 to index
        %get3A_1008 = arith.constant 0 : index
        %get3A_1009 = tpu.vector_load %arg16[%get3A_1007, %get3A_1008] {strides = array<i32>} : memref<320x32xf32, #tpu.memory_space<vmem>>, vector<1x16xf32>,
        %get3A_1010 = vector.shape_cast %get3A_1009 : vector<1x16xf32> to vector<16xf32>
        %get3A_1011 = arith.index_cast %add3A_1006 : i32 to index
        %get3A_1012 = arith.constant 16 : index
        %get3A_1013 = tpu.vector_load %arg16[%get3A_1011, %get3A_1012] {strides = array<i32>} : memref<320x32xf32, #tpu.memory_space<vmem>>, vector<1x16xf32>,
        %get3A_1014 = vector.shape_cast %get3A_1013 : vector<1x16xf32> to vector<16xf32>
        %mul3A_1015 = arith.mulf %neg3A_183, %get3A_1010 : vector<16xf32>
        %mul3A_1016 = arith.mulf %neg3A_186, %get3A_1014 : vector<16xf32>
        %add3A_1017 = arith.addf %mul3A_1015, %mul3A_1016 : vector<16xf32>
        %jit3A_1018 = arith.constant 8 : i32
        %div3A_1019 = arith.divsi %add3A_1006, %jit3A_1018 : i32
        %sign3A_1020 = arith.constant 0 : i32
        %sign3A_1021 = arith.cmpi sgt, %add3A_1006, %sign3A_1020 : i32
        %sign3A_1022 = arith.extui %sign3A_1021 : i1 to i32
        %sign3A_1023 = arith.constant 0 : i32
        %sign3A_1024 = arith.cmpi slt, %add3A_1006, %sign3A_1023 : i32
        %sign3A_1025 = arith.extui %sign3A_1024 : i1 to i32
        %sign3A_1026 = arith.subi %sign3A_1022, %sign3A_1025 : i32
        %sign3A_1027 = arith.constant 0 : i32
        %sign3A_1028 = arith.cmpi sgt, %jit3A_1018, %sign3A_1027 : i32
        %sign3A_1029 = arith.extui %sign3A_1028 : i1 to i32
        %sign3A_1030 = arith.constant 0 : i32
        %sign3A_1031 = arith.cmpi slt, %jit3A_1018, %sign3A_1030 : i32
        %sign3A_1032 = arith.extui %sign3A_1031 : i1 to i32
        %sign3A_1033 = arith.subi %sign3A_1029, %sign3A_1032 : i32
        %ne3A_1034 = arith.cmpi ne, %sign3A_1026, %sign3A_1033 : i32
        %rem3A_1035 = arith.remsi %add3A_1006, %jit3A_1018 : i32
        %ne3A_1036 = arith.constant 0 : i32
        %ne3A_1037 = arith.cmpi ne, %rem3A_1035, %ne3A_1036 : i32
        %and3A_1038 = arith.andi %ne3A_1034, %ne3A_1037 : i1
        %sub3A_1039 = arith.constant 1 : i32
        %sub3A_1040 = arith.subi %div3A_1019, %sub3A_1039 : i32
        %select_n3A_1041 = arith.select %and3A_1038, %sub3A_1040, %div3A_1019 : i32
        %add3A_1042 = arith.constant 2 : i32
        %add3A_1043 = arith.addi %add3A_1042, %select_n3A_1041 : i32
        %jit3A_1044 = arith.constant 8 : i32
        %eq3A_1045 = arith.constant 0 : i32
        %eq3A_1046 = arith.cmpi eq, %jit3A_1044, %eq3A_1045 : i32
        %jit3A_1047 = arith.constant 1 : i32
        %select_n3A_1048 = arith.select %eq3A_1046, %jit3A_1047, %jit3A_1044 : i32
        %rem3A_1049 = arith.remsi %add3A_1006, %select_n3A_1048 : i32
        %ne3A_1050 = arith.constant 0 : i32
        %ne3A_1051 = arith.cmpi ne, %rem3A_1049, %ne3A_1050 : i32
        %lt3A_1052 = arith.constant 0 : i32
        %lt3A_1053 = arith.cmpi slt, %rem3A_1049, %lt3A_1052 : i32
        %lt3A_1054 = arith.constant 0 : i32
        %lt3A_1055 = arith.cmpi slt, %select_n3A_1048, %lt3A_1054 : i32
        %ne3A_1056 = arith.xori %lt3A_1053, %lt3A_1055 : i1
        %and3A_1057 = arith.andi %ne3A_1056, %ne3A_1051 : i1
        %add3A_1058 = arith.addi %rem3A_1049, %select_n3A_1048 : i32
        %select_n3A_1059 = arith.select %and3A_1057, %add3A_1058, %rem3A_1049 : i32
        %mul3A_1060 = arith.constant 16 : i32
        %mul3A_1061 = arith.muli %select_n3A_1059, %mul3A_1060 : i32
        %swap3A_1062 = arith.index_cast %add3A_1043 : i32 to index
        %swap3A_1063 = arith.index_cast %mul3A_1061 : i32 to index
        %swap3A_1064 = tpu.vector_load %arg17[%swap3A_1062, %swap3A_1063] {strides = array<i32>} : memref<42x128xf32, #tpu.memory_space<vmem>>, vector<1x16xf32>,
        %swap3A_1065 = vector.shape_cast %swap3A_1064 : vector<1x16xf32> to vector<16xf32>
        %swap3A_1066 = vector.shape_cast %add3A_1017 : vector<16xf32> to vector<1x16xf32>
        tpu.vector_store %arg17[%swap3A_1062, %swap3A_1063], %swap3A_1066 {strides = array<i32>} : memref<42x128xf32, #tpu.memory_space<vmem>>, vector<1x16xf32>,
        %mul3A_1067 = arith.constant 20 : i32
        %mul3A_1068 = arith.muli %scan3A_174, %mul3A_1067 : i32
        %add3A_1069 = arith.constant 13 : i32
        %add3A_1070 = arith.addi %mul3A_1068, %add3A_1069 : i32
        %get3A_1071 = arith.index_cast %add3A_1070 : i32 to index
        %get3A_1072 = arith.constant 0 : index
        %get3A_1073 = tpu.vector_load %arg16[%get3A_1071, %get3A_1072] {strides = array<i32>} : memref<320x32xf32, #tpu.memory_space<vmem>>, vector<1x16xf32>,
        %get3A_1074 = vector.shape_cast %get3A_1073 : vector<1x16xf32> to vector<16xf32>
        %get3A_1075 = arith.index_cast %add3A_1070 : i32 to index
        %get3A_1076 = arith.constant 16 : index
        %get3A_1077 = tpu.vector_load %arg16[%get3A_1075, %get3A_1076] {strides = array<i32>} : memref<320x32xf32, #tpu.memory_space<vmem>>, vector<1x16xf32>,
        %get3A_1078 = vector.shape_cast %get3A_1077 : vector<1x16xf32> to vector<16xf32>
        %mul3A_1079 = arith.mulf %neg3A_183, %get3A_1074 : vector<16xf32>
        %mul3A_1080 = arith.mulf %neg3A_186, %get3A_1078 : vector<16xf32>
        %add3A_1081 = arith.addf %mul3A_1079, %mul3A_1080 : vector<16xf32>
        %jit3A_1082 = arith.constant 8 : i32
        %div3A_1083 = arith.divsi %add3A_1070, %jit3A_1082 : i32
        %sign3A_1084 = arith.constant 0 : i32
        %sign3A_1085 = arith.cmpi sgt, %add3A_1070, %sign3A_1084 : i32
        %sign3A_1086 = arith.extui %sign3A_1085 : i1 to i32
        %sign3A_1087 = arith.constant 0 : i32
        %sign3A_1088 = arith.cmpi slt, %add3A_1070, %sign3A_1087 : i32
        %sign3A_1089 = arith.extui %sign3A_1088 : i1 to i32
        %sign3A_1090 = arith.subi %sign3A_1086, %sign3A_1089 : i32
        %sign3A_1091 = arith.constant 0 : i32
        %sign3A_1092 = arith.cmpi sgt, %jit3A_1082, %sign3A_1091 : i32
        %sign3A_1093 = arith.extui %sign3A_1092 : i1 to i32
        %sign3A_1094 = arith.constant 0 : i32
        %sign3A_1095 = arith.cmpi slt, %jit3A_1082, %sign3A_1094 : i32
        %sign3A_1096 = arith.extui %sign3A_1095 : i1 to i32
        %sign3A_1097 = arith.subi %sign3A_1093, %sign3A_1096 : i32
        %ne3A_1098 = arith.cmpi ne, %sign3A_1090, %sign3A_1097 : i32
        %rem3A_1099 = arith.remsi %add3A_1070, %jit3A_1082 : i32
        %ne3A_1100 = arith.constant 0 : i32
        %ne3A_1101 = arith.cmpi ne, %rem3A_1099, %ne3A_1100 : i32
        %and3A_1102 = arith.andi %ne3A_1098, %ne3A_1101 : i1
        %sub3A_1103 = arith.constant 1 : i32
        %sub3A_1104 = arith.subi %div3A_1083, %sub3A_1103 : i32
        %select_n3A_1105 = arith.select %and3A_1102, %sub3A_1104, %div3A_1083 : i32
        %add3A_1106 = arith.constant 2 : i32
        %add3A_1107 = arith.addi %add3A_1106, %select_n3A_1105 : i32
        %jit3A_1108 = arith.constant 8 : i32
        %eq3A_1109 = arith.constant 0 : i32
        %eq3A_1110 = arith.cmpi eq, %jit3A_1108, %eq3A_1109 : i32
        %jit3A_1111 = arith.constant 1 : i32
        %select_n3A_1112 = arith.select %eq3A_1110, %jit3A_1111, %jit3A_1108 : i32
        %rem3A_1113 = arith.remsi %add3A_1070, %select_n3A_1112 : i32
        %ne3A_1114 = arith.constant 0 : i32
        %ne3A_1115 = arith.cmpi ne, %rem3A_1113, %ne3A_1114 : i32
        %lt3A_1116 = arith.constant 0 : i32
        %lt3A_1117 = arith.cmpi slt, %rem3A_1113, %lt3A_1116 : i32
        %lt3A_1118 = arith.constant 0 : i32
        %lt3A_1119 = arith.cmpi slt, %select_n3A_1112, %lt3A_1118 : i32
        %ne3A_1120 = arith.xori %lt3A_1117, %lt3A_1119 : i1
        %and3A_1121 = arith.andi %ne3A_1120, %ne3A_1115 : i1
        %add3A_1122 = arith.addi %rem3A_1113, %select_n3A_1112 : i32
        %select_n3A_1123 = arith.select %and3A_1121, %add3A_1122, %rem3A_1113 : i32
        %mul3A_1124 = arith.constant 16 : i32
        %mul3A_1125 = arith.muli %select_n3A_1123, %mul3A_1124 : i32
        %swap3A_1126 = arith.index_cast %add3A_1107 : i32 to index
        %swap3A_1127 = arith.index_cast %mul3A_1125 : i32 to index
        %swap3A_1128 = tpu.vector_load %arg17[%swap3A_1126, %swap3A_1127] {strides = array<i32>} : memref<42x128xf32, #tpu.memory_space<vmem>>, vector<1x16xf32>,
        %swap3A_1129 = vector.shape_cast %swap3A_1128 : vector<1x16xf32> to vector<16xf32>
        %swap3A_1130 = vector.shape_cast %add3A_1081 : vector<16xf32> to vector<1x16xf32>
        tpu.vector_store %arg17[%swap3A_1126, %swap3A_1127], %swap3A_1130 {strides = array<i32>} : memref<42x128xf32, #tpu.memory_space<vmem>>, vector<1x16xf32>,
        %mul3A_1131 = arith.constant 20 : i32
        %mul3A_1132 = arith.muli %scan3A_174, %mul3A_1131 : i32
        %add3A_1133 = arith.constant 14 : i32
        %add3A_1134 = arith.addi %mul3A_1132, %add3A_1133 : i32
        %get3A_1135 = arith.index_cast %add3A_1134 : i32 to index
        %get3A_1136 = arith.constant 0 : index
        %get3A_1137 = tpu.vector_load %arg16[%get3A_1135, %get3A_1136] {strides = array<i32>} : memref<320x32xf32, #tpu.memory_space<vmem>>, vector<1x16xf32>,
        %get3A_1138 = vector.shape_cast %get3A_1137 : vector<1x16xf32> to vector<16xf32>
        %get3A_1139 = arith.index_cast %add3A_1134 : i32 to index
        %get3A_1140 = arith.constant 16 : index
        %get3A_1141 = tpu.vector_load %arg16[%get3A_1139, %get3A_1140] {strides = array<i32>} : memref<320x32xf32, #tpu.memory_space<vmem>>, vector<1x16xf32>,
        %get3A_1142 = vector.shape_cast %get3A_1141 : vector<1x16xf32> to vector<16xf32>
        %mul3A_1143 = arith.mulf %neg3A_183, %get3A_1138 : vector<16xf32>
        %mul3A_1144 = arith.mulf %neg3A_186, %get3A_1142 : vector<16xf32>
        %add3A_1145 = arith.addf %mul3A_1143, %mul3A_1144 : vector<16xf32>
        %jit3A_1146 = arith.constant 8 : i32
        %div3A_1147 = arith.divsi %add3A_1134, %jit3A_1146 : i32
        %sign3A_1148 = arith.constant 0 : i32
        %sign3A_1149 = arith.cmpi sgt, %add3A_1134, %sign3A_1148 : i32
        %sign3A_1150 = arith.extui %sign3A_1149 : i1 to i32
        %sign3A_1151 = arith.constant 0 : i32
        %sign3A_1152 = arith.cmpi slt, %add3A_1134, %sign3A_1151 : i32
        %sign3A_1153 = arith.extui %sign3A_1152 : i1 to i32
        %sign3A_1154 = arith.subi %sign3A_1150, %sign3A_1153 : i32
        %sign3A_1155 = arith.constant 0 : i32
        %sign3A_1156 = arith.cmpi sgt, %jit3A_1146, %sign3A_1155 : i32
        %sign3A_1157 = arith.extui %sign3A_1156 : i1 to i32
        %sign3A_1158 = arith.constant 0 : i32
        %sign3A_1159 = arith.cmpi slt, %jit3A_1146, %sign3A_1158 : i32
        %sign3A_1160 = arith.extui %sign3A_1159 : i1 to i32
        %sign3A_1161 = arith.subi %sign3A_1157, %sign3A_1160 : i32
        %ne3A_1162 = arith.cmpi ne, %sign3A_1154, %sign3A_1161 : i32
        %rem3A_1163 = arith.remsi %add3A_1134, %jit3A_1146 : i32
        %ne3A_1164 = arith.constant 0 : i32
        %ne3A_1165 = arith.cmpi ne, %rem3A_1163, %ne3A_1164 : i32
        %and3A_1166 = arith.andi %ne3A_1162, %ne3A_1165 : i1
        %sub3A_1167 = arith.constant 1 : i32
        %sub3A_1168 = arith.subi %div3A_1147, %sub3A_1167 : i32
        %select_n3A_1169 = arith.select %and3A_1166, %sub3A_1168, %div3A_1147 : i32
        %add3A_1170 = arith.constant 2 : i32
        %add3A_1171 = arith.addi %add3A_1170, %select_n3A_1169 : i32
        %jit3A_1172 = arith.constant 8 : i32
        %eq3A_1173 = arith.constant 0 : i32
        %eq3A_1174 = arith.cmpi eq, %jit3A_1172, %eq3A_1173 : i32
        %jit3A_1175 = arith.constant 1 : i32
        %select_n3A_1176 = arith.select %eq3A_1174, %jit3A_1175, %jit3A_1172 : i32
        %rem3A_1177 = arith.remsi %add3A_1134, %select_n3A_1176 : i32
        %ne3A_1178 = arith.constant 0 : i32
        %ne3A_1179 = arith.cmpi ne, %rem3A_1177, %ne3A_1178 : i32
        %lt3A_1180 = arith.constant 0 : i32
        %lt3A_1181 = arith.cmpi slt, %rem3A_1177, %lt3A_1180 : i32
        %lt3A_1182 = arith.constant 0 : i32
        %lt3A_1183 = arith.cmpi slt, %select_n3A_1176, %lt3A_1182 : i32
        %ne3A_1184 = arith.xori %lt3A_1181, %lt3A_1183 : i1
        %and3A_1185 = arith.andi %ne3A_1184, %ne3A_1179 : i1
        %add3A_1186 = arith.addi %rem3A_1177, %select_n3A_1176 : i32
        %select_n3A_1187 = arith.select %and3A_1185, %add3A_1186, %rem3A_1177 : i32
        %mul3A_1188 = arith.constant 16 : i32
        %mul3A_1189 = arith.muli %select_n3A_1187, %mul3A_1188 : i32
        %swap3A_1190 = arith.index_cast %add3A_1171 : i32 to index
        %swap3A_1191 = arith.index_cast %mul3A_1189 : i32 to index
        %swap3A_1192 = tpu.vector_load %arg17[%swap3A_1190, %swap3A_1191] {strides = array<i32>} : memref<42x128xf32, #tpu.memory_space<vmem>>, vector<1x16xf32>,
        %swap3A_1193 = vector.shape_cast %swap3A_1192 : vector<1x16xf32> to vector<16xf32>
        %swap3A_1194 = vector.shape_cast %add3A_1145 : vector<16xf32> to vector<1x16xf32>
        tpu.vector_store %arg17[%swap3A_1190, %swap3A_1191], %swap3A_1194 {strides = array<i32>} : memref<42x128xf32, #tpu.memory_space<vmem>>, vector<1x16xf32>,
        %mul3A_1195 = arith.constant 20 : i32
        %mul3A_1196 = arith.muli %scan3A_174, %mul3A_1195 : i32
        %add3A_1197 = arith.constant 15 : i32
        %add3A_1198 = arith.addi %mul3A_1196, %add3A_1197 : i32
        %get3A_1199 = arith.index_cast %add3A_1198 : i32 to index
        %get3A_1200 = arith.constant 0 : index
        %get3A_1201 = tpu.vector_load %arg16[%get3A_1199, %get3A_1200] {strides = array<i32>} : memref<320x32xf32, #tpu.memory_space<vmem>>, vector<1x16xf32>,
        %get3A_1202 = vector.shape_cast %get3A_1201 : vector<1x16xf32> to vector<16xf32>
        %get3A_1203 = arith.index_cast %add3A_1198 : i32 to index
        %get3A_1204 = arith.constant 16 : index
        %get3A_1205 = tpu.vector_load %arg16[%get3A_1203, %get3A_1204] {strides = array<i32>} : memref<320x32xf32, #tpu.memory_space<vmem>>, vector<1x16xf32>,
        %get3A_1206 = vector.shape_cast %get3A_1205 : vector<1x16xf32> to vector<16xf32>
        %mul3A_1207 = arith.mulf %neg3A_183, %get3A_1202 : vector<16xf32>
        %mul3A_1208 = arith.mulf %neg3A_186, %get3A_1206 : vector<16xf32>
        %add3A_1209 = arith.addf %mul3A_1207, %mul3A_1208 : vector<16xf32>
        %jit3A_1210 = arith.constant 8 : i32
        %div3A_1211 = arith.divsi %add3A_1198, %jit3A_1210 : i32
        %sign3A_1212 = arith.constant 0 : i32
        %sign3A_1213 = arith.cmpi sgt, %add3A_1198, %sign3A_1212 : i32
        %sign3A_1214 = arith.extui %sign3A_1213 : i1 to i32
        %sign3A_1215 = arith.constant 0 : i32
        %sign3A_1216 = arith.cmpi slt, %add3A_1198, %sign3A_1215 : i32
        %sign3A_1217 = arith.extui %sign3A_1216 : i1 to i32
        %sign3A_1218 = arith.subi %sign3A_1214, %sign3A_1217 : i32
        %sign3A_1219 = arith.constant 0 : i32
        %sign3A_1220 = arith.cmpi sgt, %jit3A_1210, %sign3A_1219 : i32
        %sign3A_1221 = arith.extui %sign3A_1220 : i1 to i32
        %sign3A_1222 = arith.constant 0 : i32
        %sign3A_1223 = arith.cmpi slt, %jit3A_1210, %sign3A_1222 : i32
        %sign3A_1224 = arith.extui %sign3A_1223 : i1 to i32
        %sign3A_1225 = arith.subi %sign3A_1221, %sign3A_1224 : i32
        %ne3A_1226 = arith.cmpi ne, %sign3A_1218, %sign3A_1225 : i32
        %rem3A_1227 = arith.remsi %add3A_1198, %jit3A_1210 : i32
        %ne3A_1228 = arith.constant 0 : i32
        %ne3A_1229 = arith.cmpi ne, %rem3A_1227, %ne3A_1228 : i32
        %and3A_1230 = arith.andi %ne3A_1226, %ne3A_1229 : i1
        %sub3A_1231 = arith.constant 1 : i32
        %sub3A_1232 = arith.subi %div3A_1211, %sub3A_1231 : i32
        %select_n3A_1233 = arith.select %and3A_1230, %sub3A_1232, %div3A_1211 : i32
        %add3A_1234 = arith.constant 2 : i32
        %add3A_1235 = arith.addi %add3A_1234, %select_n3A_1233 : i32
        %jit3A_1236 = arith.constant 8 : i32
        %eq3A_1237 = arith.constant 0 : i32
        %eq3A_1238 = arith.cmpi eq, %jit3A_1236, %eq3A_1237 : i32
        %jit3A_1239 = arith.constant 1 : i32
        %select_n3A_1240 = arith.select %eq3A_1238, %jit3A_1239, %jit3A_1236 : i32
        %rem3A_1241 = arith.remsi %add3A_1198, %select_n3A_1240 : i32
        %ne3A_1242 = arith.constant 0 : i32
        %ne3A_1243 = arith.cmpi ne, %rem3A_1241, %ne3A_1242 : i32
        %lt3A_1244 = arith.constant 0 : i32
        %lt3A_1245 = arith.cmpi slt, %rem3A_1241, %lt3A_1244 : i32
        %lt3A_1246 = arith.constant 0 : i32
        %lt3A_1247 = arith.cmpi slt, %select_n3A_1240, %lt3A_1246 : i32
        %ne3A_1248 = arith.xori %lt3A_1245, %lt3A_1247 : i1
        %and3A_1249 = arith.andi %ne3A_1248, %ne3A_1243 : i1
        %add3A_1250 = arith.addi %rem3A_1241, %select_n3A_1240 : i32
        %select_n3A_1251 = arith.select %and3A_1249, %add3A_1250, %rem3A_1241 : i32
        %mul3A_1252 = arith.constant 16 : i32
        %mul3A_1253 = arith.muli %select_n3A_1251, %mul3A_1252 : i32
        %swap3A_1254 = arith.index_cast %add3A_1235 : i32 to index
        %swap3A_1255 = arith.index_cast %mul3A_1253 : i32 to index
        %swap3A_1256 = tpu.vector_load %arg17[%swap3A_1254, %swap3A_1255] {strides = array<i32>} : memref<42x128xf32, #tpu.memory_space<vmem>>, vector<1x16xf32>,
        %swap3A_1257 = vector.shape_cast %swap3A_1256 : vector<1x16xf32> to vector<16xf32>
        %swap3A_1258 = vector.shape_cast %add3A_1209 : vector<16xf32> to vector<1x16xf32>
        tpu.vector_store %arg17[%swap3A_1254, %swap3A_1255], %swap3A_1258 {strides = array<i32>} : memref<42x128xf32, #tpu.memory_space<vmem>>, vector<1x16xf32>,
        %mul3A_1259 = arith.constant 20 : i32
        %mul3A_1260 = arith.muli %scan3A_174, %mul3A_1259 : i32
        %add3A_1261 = arith.constant 16 : i32
        %add3A_1262 = arith.addi %mul3A_1260, %add3A_1261 : i32
        %get3A_1263 = arith.index_cast %add3A_1262 : i32 to index
        %get3A_1264 = arith.constant 0 : index
        %get3A_1265 = tpu.vector_load %arg16[%get3A_1263, %get3A_1264] {strides = array<i32>} : memref<320x32xf32, #tpu.memory_space<vmem>>, vector<1x16xf32>,
        %get3A_1266 = vector.shape_cast %get3A_1265 : vector<1x16xf32> to vector<16xf32>
        %get3A_1267 = arith.index_cast %add3A_1262 : i32 to index
        %get3A_1268 = arith.constant 16 : index
        %get3A_1269 = tpu.vector_load %arg16[%get3A_1267, %get3A_1268] {strides = array<i32>} : memref<320x32xf32, #tpu.memory_space<vmem>>, vector<1x16xf32>,
        %get3A_1270 = vector.shape_cast %get3A_1269 : vector<1x16xf32> to vector<16xf32>
        %mul3A_1271 = arith.mulf %neg3A_183, %get3A_1266 : vector<16xf32>
        %mul3A_1272 = arith.mulf %neg3A_186, %get3A_1270 : vector<16xf32>
        %add3A_1273 = arith.addf %mul3A_1271, %mul3A_1272 : vector<16xf32>
        %jit3A_1274 = arith.constant 8 : i32
        %div3A_1275 = arith.divsi %add3A_1262, %jit3A_1274 : i32
        %sign3A_1276 = arith.constant 0 : i32
        %sign3A_1277 = arith.cmpi sgt, %add3A_1262, %sign3A_1276 : i32
        %sign3A_1278 = arith.extui %sign3A_1277 : i1 to i32
        %sign3A_1279 = arith.constant 0 : i32
        %sign3A_1280 = arith.cmpi slt, %add3A_1262, %sign3A_1279 : i32
        %sign3A_1281 = arith.extui %sign3A_1280 : i1 to i32
        %sign3A_1282 = arith.subi %sign3A_1278, %sign3A_1281 : i32
        %sign3A_1283 = arith.constant 0 : i32
        %sign3A_1284 = arith.cmpi sgt, %jit3A_1274, %sign3A_1283 : i32
        %sign3A_1285 = arith.extui %sign3A_1284 : i1 to i32
        %sign3A_1286 = arith.constant 0 : i32
        %sign3A_1287 = arith.cmpi slt, %jit3A_1274, %sign3A_1286 : i32
        %sign3A_1288 = arith.extui %sign3A_1287 : i1 to i32
        %sign3A_1289 = arith.subi %sign3A_1285, %sign3A_1288 : i32
        %ne3A_1290 = arith.cmpi ne, %sign3A_1282, %sign3A_1289 : i32
        %rem3A_1291 = arith.remsi %add3A_1262, %jit3A_1274 : i32
        %ne3A_1292 = arith.constant 0 : i32
        %ne3A_1293 = arith.cmpi ne, %rem3A_1291, %ne3A_1292 : i32
        %and3A_1294 = arith.andi %ne3A_1290, %ne3A_1293 : i1
        %sub3A_1295 = arith.constant 1 : i32
        %sub3A_1296 = arith.subi %div3A_1275, %sub3A_1295 : i32
        %select_n3A_1297 = arith.select %and3A_1294, %sub3A_1296, %div3A_1275 : i32
        %add3A_1298 = arith.constant 2 : i32
        %add3A_1299 = arith.addi %add3A_1298, %select_n3A_1297 : i32
        %jit3A_1300 = arith.constant 8 : i32
        %eq3A_1301 = arith.constant 0 : i32
        %eq3A_1302 = arith.cmpi eq, %jit3A_1300, %eq3A_1301 : i32
        %jit3A_1303 = arith.constant 1 : i32
        %select_n3A_1304 = arith.select %eq3A_1302, %jit3A_1303, %jit3A_1300 : i32
        %rem3A_1305 = arith.remsi %add3A_1262, %select_n3A_1304 : i32
        %ne3A_1306 = arith.constant 0 : i32
        %ne3A_1307 = arith.cmpi ne, %rem3A_1305, %ne3A_1306 : i32
        %lt3A_1308 = arith.constant 0 : i32
        %lt3A_1309 = arith.cmpi slt, %rem3A_1305, %lt3A_1308 : i32
        %lt3A_1310 = arith.constant 0 : i32
        %lt3A_1311 = arith.cmpi slt, %select_n3A_1304, %lt3A_1310 : i32
        %ne3A_1312 = arith.xori %lt3A_1309, %lt3A_1311 : i1
        %and3A_1313 = arith.andi %ne3A_1312, %ne3A_1307 : i1
        %add3A_1314 = arith.addi %rem3A_1305, %select_n3A_1304 : i32
        %select_n3A_1315 = arith.select %and3A_1313, %add3A_1314, %rem3A_1305 : i32
        %mul3A_1316 = arith.constant 16 : i32
        %mul3A_1317 = arith.muli %select_n3A_1315, %mul3A_1316 : i32
        %swap3A_1318 = arith.index_cast %add3A_1299 : i32 to index
        %swap3A_1319 = arith.index_cast %mul3A_1317 : i32 to index
        %swap3A_1320 = tpu.vector_load %arg17[%swap3A_1318, %swap3A_1319] {strides = array<i32>} : memref<42x128xf32, #tpu.memory_space<vmem>>, vector<1x16xf32>,
        %swap3A_1321 = vector.shape_cast %swap3A_1320 : vector<1x16xf32> to vector<16xf32>
        %swap3A_1322 = vector.shape_cast %add3A_1273 : vector<16xf32> to vector<1x16xf32>
        tpu.vector_store %arg17[%swap3A_1318, %swap3A_1319], %swap3A_1322 {strides = array<i32>} : memref<42x128xf32, #tpu.memory_space<vmem>>, vector<1x16xf32>,
        %mul3A_1323 = arith.constant 20 : i32
        %mul3A_1324 = arith.muli %scan3A_174, %mul3A_1323 : i32
        %add3A_1325 = arith.constant 17 : i32
        %add3A_1326 = arith.addi %mul3A_1324, %add3A_1325 : i32
        %get3A_1327 = arith.index_cast %add3A_1326 : i32 to index
        %get3A_1328 = arith.constant 0 : index
        %get3A_1329 = tpu.vector_load %arg16[%get3A_1327, %get3A_1328] {strides = array<i32>} : memref<320x32xf32, #tpu.memory_space<vmem>>, vector<1x16xf32>,
        %get3A_1330 = vector.shape_cast %get3A_1329 : vector<1x16xf32> to vector<16xf32>
        %get3A_1331 = arith.index_cast %add3A_1326 : i32 to index
        %get3A_1332 = arith.constant 16 : index
        %get3A_1333 = tpu.vector_load %arg16[%get3A_1331, %get3A_1332] {strides = array<i32>} : memref<320x32xf32, #tpu.memory_space<vmem>>, vector<1x16xf32>,
        %get3A_1334 = vector.shape_cast %get3A_1333 : vector<1x16xf32> to vector<16xf32>
        %mul3A_1335 = arith.mulf %neg3A_183, %get3A_1330 : vector<16xf32>
        %mul3A_1336 = arith.mulf %neg3A_186, %get3A_1334 : vector<16xf32>
        %add3A_1337 = arith.addf %mul3A_1335, %mul3A_1336 : vector<16xf32>
        %jit3A_1338 = arith.constant 8 : i32
        %div3A_1339 = arith.divsi %add3A_1326, %jit3A_1338 : i32
        %sign3A_1340 = arith.constant 0 : i32
        %sign3A_1341 = arith.cmpi sgt, %add3A_1326, %sign3A_1340 : i32
        %sign3A_1342 = arith.extui %sign3A_1341 : i1 to i32
        %sign3A_1343 = arith.constant 0 : i32
        %sign3A_1344 = arith.cmpi slt, %add3A_1326, %sign3A_1343 : i32
        %sign3A_1345 = arith.extui %sign3A_1344 : i1 to i32
        %sign3A_1346 = arith.subi %sign3A_1342, %sign3A_1345 : i32
        %sign3A_1347 = arith.constant 0 : i32
        %sign3A_1348 = arith.cmpi sgt, %jit3A_1338, %sign3A_1347 : i32
        %sign3A_1349 = arith.extui %sign3A_1348 : i1 to i32
        %sign3A_1350 = arith.constant 0 : i32
        %sign3A_1351 = arith.cmpi slt, %jit3A_1338, %sign3A_1350 : i32
        %sign3A_1352 = arith.extui %sign3A_1351 : i1 to i32
        %sign3A_1353 = arith.subi %sign3A_1349, %sign3A_1352 : i32
        %ne3A_1354 = arith.cmpi ne, %sign3A_1346, %sign3A_1353 : i32
        %rem3A_1355 = arith.remsi %add3A_1326, %jit3A_1338 : i32
        %ne3A_1356 = arith.constant 0 : i32
        %ne3A_1357 = arith.cmpi ne, %rem3A_1355, %ne3A_1356 : i32
        %and3A_1358 = arith.andi %ne3A_1354, %ne3A_1357 : i1
        %sub3A_1359 = arith.constant 1 : i32
        %sub3A_1360 = arith.subi %div3A_1339, %sub3A_1359 : i32
        %select_n3A_1361 = arith.select %and3A_1358, %sub3A_1360, %div3A_1339 : i32
        %add3A_1362 = arith.constant 2 : i32
        %add3A_1363 = arith.addi %add3A_1362, %select_n3A_1361 : i32
        %jit3A_1364 = arith.constant 8 : i32
        %eq3A_1365 = arith.constant 0 : i32
        %eq3A_1366 = arith.cmpi eq, %jit3A_1364, %eq3A_1365 : i32
        %jit3A_1367 = arith.constant 1 : i32
        %select_n3A_1368 = arith.select %eq3A_1366, %jit3A_1367, %jit3A_1364 : i32
        %rem3A_1369 = arith.remsi %add3A_1326, %select_n3A_1368 : i32
        %ne3A_1370 = arith.constant 0 : i32
        %ne3A_1371 = arith.cmpi ne, %rem3A_1369, %ne3A_1370 : i32
        %lt3A_1372 = arith.constant 0 : i32
        %lt3A_1373 = arith.cmpi slt, %rem3A_1369, %lt3A_1372 : i32
        %lt3A_1374 = arith.constant 0 : i32
        %lt3A_1375 = arith.cmpi slt, %select_n3A_1368, %lt3A_1374 : i32
        %ne3A_1376 = arith.xori %lt3A_1373, %lt3A_1375 : i1
        %and3A_1377 = arith.andi %ne3A_1376, %ne3A_1371 : i1
        %add3A_1378 = arith.addi %rem3A_1369, %select_n3A_1368 : i32
        %select_n3A_1379 = arith.select %and3A_1377, %add3A_1378, %rem3A_1369 : i32
        %mul3A_1380 = arith.constant 16 : i32
        %mul3A_1381 = arith.muli %select_n3A_1379, %mul3A_1380 : i32
        %swap3A_1382 = arith.index_cast %add3A_1363 : i32 to index
        %swap3A_1383 = arith.index_cast %mul3A_1381 : i32 to index
        %swap3A_1384 = tpu.vector_load %arg17[%swap3A_1382, %swap3A_1383] {strides = array<i32>} : memref<42x128xf32, #tpu.memory_space<vmem>>, vector<1x16xf32>,
        %swap3A_1385 = vector.shape_cast %swap3A_1384 : vector<1x16xf32> to vector<16xf32>
        %swap3A_1386 = vector.shape_cast %add3A_1337 : vector<16xf32> to vector<1x16xf32>
        tpu.vector_store %arg17[%swap3A_1382, %swap3A_1383], %swap3A_1386 {strides = array<i32>} : memref<42x128xf32, #tpu.memory_space<vmem>>, vector<1x16xf32>,
        %mul3A_1387 = arith.constant 20 : i32
        %mul3A_1388 = arith.muli %scan3A_174, %mul3A_1387 : i32
        %add3A_1389 = arith.constant 18 : i32
        %add3A_1390 = arith.addi %mul3A_1388, %add3A_1389 : i32
        %get3A_1391 = arith.index_cast %add3A_1390 : i32 to index
        %get3A_1392 = arith.constant 0 : index
        %get3A_1393 = tpu.vector_load %arg16[%get3A_1391, %get3A_1392] {strides = array<i32>} : memref<320x32xf32, #tpu.memory_space<vmem>>, vector<1x16xf32>,
        %get3A_1394 = vector.shape_cast %get3A_1393 : vector<1x16xf32> to vector<16xf32>
        %get3A_1395 = arith.index_cast %add3A_1390 : i32 to index
        %get3A_1396 = arith.constant 16 : index
        %get3A_1397 = tpu.vector_load %arg16[%get3A_1395, %get3A_1396] {strides = array<i32>} : memref<320x32xf32, #tpu.memory_space<vmem>>, vector<1x16xf32>,
        %get3A_1398 = vector.shape_cast %get3A_1397 : vector<1x16xf32> to vector<16xf32>
        %mul3A_1399 = arith.mulf %neg3A_183, %get3A_1394 : vector<16xf32>
        %mul3A_1400 = arith.mulf %neg3A_186, %get3A_1398 : vector<16xf32>
        %add3A_1401 = arith.addf %mul3A_1399, %mul3A_1400 : vector<16xf32>
        %jit3A_1402 = arith.constant 8 : i32
        %div3A_1403 = arith.divsi %add3A_1390, %jit3A_1402 : i32
        %sign3A_1404 = arith.constant 0 : i32
        %sign3A_1405 = arith.cmpi sgt, %add3A_1390, %sign3A_1404 : i32
        %sign3A_1406 = arith.extui %sign3A_1405 : i1 to i32
        %sign3A_1407 = arith.constant 0 : i32
        %sign3A_1408 = arith.cmpi slt, %add3A_1390, %sign3A_1407 : i32
        %sign3A_1409 = arith.extui %sign3A_1408 : i1 to i32
        %sign3A_1410 = arith.subi %sign3A_1406, %sign3A_1409 : i32
        %sign3A_1411 = arith.constant 0 : i32
        %sign3A_1412 = arith.cmpi sgt, %jit3A_1402, %sign3A_1411 : i32
        %sign3A_1413 = arith.extui %sign3A_1412 : i1 to i32
        %sign3A_1414 = arith.constant 0 : i32
        %sign3A_1415 = arith.cmpi slt, %jit3A_1402, %sign3A_1414 : i32
        %sign3A_1416 = arith.extui %sign3A_1415 : i1 to i32
        %sign3A_1417 = arith.subi %sign3A_1413, %sign3A_1416 : i32
        %ne3A_1418 = arith.cmpi ne, %sign3A_1410, %sign3A_1417 : i32
        %rem3A_1419 = arith.remsi %add3A_1390, %jit3A_1402 : i32
        %ne3A_1420 = arith.constant 0 : i32
        %ne3A_1421 = arith.cmpi ne, %rem3A_1419, %ne3A_1420 : i32
        %and3A_1422 = arith.andi %ne3A_1418, %ne3A_1421 : i1
        %sub3A_1423 = arith.constant 1 : i32
        %sub3A_1424 = arith.subi %div3A_1403, %sub3A_1423 : i32
        %select_n3A_1425 = arith.select %and3A_1422, %sub3A_1424, %div3A_1403 : i32
        %add3A_1426 = arith.constant 2 : i32
        %add3A_1427 = arith.addi %add3A_1426, %select_n3A_1425 : i32
        %jit3A_1428 = arith.constant 8 : i32
        %eq3A_1429 = arith.constant 0 : i32
        %eq3A_1430 = arith.cmpi eq, %jit3A_1428, %eq3A_1429 : i32
        %jit3A_1431 = arith.constant 1 : i32
        %select_n3A_1432 = arith.select %eq3A_1430, %jit3A_1431, %jit3A_1428 : i32
        %rem3A_1433 = arith.remsi %add3A_1390, %select_n3A_1432 : i32
        %ne3A_1434 = arith.constant 0 : i32
        %ne3A_1435 = arith.cmpi ne, %rem3A_1433, %ne3A_1434 : i32
        %lt3A_1436 = arith.constant 0 : i32
        %lt3A_1437 = arith.cmpi slt, %rem3A_1433, %lt3A_1436 : i32
        %lt3A_1438 = arith.constant 0 : i32
        %lt3A_1439 = arith.cmpi slt, %select_n3A_1432, %lt3A_1438 : i32
        %ne3A_1440 = arith.xori %lt3A_1437, %lt3A_1439 : i1
        %and3A_1441 = arith.andi %ne3A_1440, %ne3A_1435 : i1
        %add3A_1442 = arith.addi %rem3A_1433, %select_n3A_1432 : i32
        %select_n3A_1443 = arith.select %and3A_1441, %add3A_1442, %rem3A_1433 : i32
        %mul3A_1444 = arith.constant 16 : i32
        %mul3A_1445 = arith.muli %select_n3A_1443, %mul3A_1444 : i32
        %swap3A_1446 = arith.index_cast %add3A_1427 : i32 to index
        %swap3A_1447 = arith.index_cast %mul3A_1445 : i32 to index
        %swap3A_1448 = tpu.vector_load %arg17[%swap3A_1446, %swap3A_1447] {strides = array<i32>} : memref<42x128xf32, #tpu.memory_space<vmem>>, vector<1x16xf32>,
        %swap3A_1449 = vector.shape_cast %swap3A_1448 : vector<1x16xf32> to vector<16xf32>
        %swap3A_1450 = vector.shape_cast %add3A_1401 : vector<16xf32> to vector<1x16xf32>
        tpu.vector_store %arg17[%swap3A_1446, %swap3A_1447], %swap3A_1450 {strides = array<i32>} : memref<42x128xf32, #tpu.memory_space<vmem>>, vector<1x16xf32>,
        %mul3A_1451 = arith.constant 20 : i32
        %mul3A_1452 = arith.muli %scan3A_174, %mul3A_1451 : i32
        %add3A_1453 = arith.constant 19 : i32
        %add3A_1454 = arith.addi %mul3A_1452, %add3A_1453 : i32
        %get3A_1455 = arith.index_cast %add3A_1454 : i32 to index
        %get3A_1456 = arith.constant 0 : index
        %get3A_1457 = tpu.vector_load %arg16[%get3A_1455, %get3A_1456] {strides = array<i32>} : memref<320x32xf32, #tpu.memory_space<vmem>>, vector<1x16xf32>,
        %get3A_1458 = vector.shape_cast %get3A_1457 : vector<1x16xf32> to vector<16xf32>
        %get3A_1459 = arith.index_cast %add3A_1454 : i32 to index
        %get3A_1460 = arith.constant 16 : index
        %get3A_1461 = tpu.vector_load %arg16[%get3A_1459, %get3A_1460] {strides = array<i32>} : memref<320x32xf32, #tpu.memory_space<vmem>>, vector<1x16xf32>,
        %get3A_1462 = vector.shape_cast %get3A_1461 : vector<1x16xf32> to vector<16xf32>
        %mul3A_1463 = arith.mulf %neg3A_183, %get3A_1458 : vector<16xf32>
        %mul3A_1464 = arith.mulf %neg3A_186, %get3A_1462 : vector<16xf32>
        %add3A_1465 = arith.addf %mul3A_1463, %mul3A_1464 : vector<16xf32>
        %jit3A_1466 = arith.constant 8 : i32
        %div3A_1467 = arith.divsi %add3A_1454, %jit3A_1466 : i32
        %sign3A_1468 = arith.constant 0 : i32
        %sign3A_1469 = arith.cmpi sgt, %add3A_1454, %sign3A_1468 : i32
        %sign3A_1470 = arith.extui %sign3A_1469 : i1 to i32
        %sign3A_1471 = arith.constant 0 : i32
        %sign3A_1472 = arith.cmpi slt, %add3A_1454, %sign3A_1471 : i32
        %sign3A_1473 = arith.extui %sign3A_1472 : i1 to i32
        %sign3A_1474 = arith.subi %sign3A_1470, %sign3A_1473 : i32
        %sign3A_1475 = arith.constant 0 : i32
        %sign3A_1476 = arith.cmpi sgt, %jit3A_1466, %sign3A_1475 : i32
        %sign3A_1477 = arith.extui %sign3A_1476 : i1 to i32
        %sign3A_1478 = arith.constant 0 : i32
        %sign3A_1479 = arith.cmpi slt, %jit3A_1466, %sign3A_1478 : i32
        %sign3A_1480 = arith.extui %sign3A_1479 : i1 to i32
        %sign3A_1481 = arith.subi %sign3A_1477, %sign3A_1480 : i32
        %ne3A_1482 = arith.cmpi ne, %sign3A_1474, %sign3A_1481 : i32
        %rem3A_1483 = arith.remsi %add3A_1454, %jit3A_1466 : i32
        %ne3A_1484 = arith.constant 0 : i32
        %ne3A_1485 = arith.cmpi ne, %rem3A_1483, %ne3A_1484 : i32
        %and3A_1486 = arith.andi %ne3A_1482, %ne3A_1485 : i1
        %sub3A_1487 = arith.constant 1 : i32
        %sub3A_1488 = arith.subi %div3A_1467, %sub3A_1487 : i32
        %select_n3A_1489 = arith.select %and3A_1486, %sub3A_1488, %div3A_1467 : i32
        %add3A_1490 = arith.constant 2 : i32
        %add3A_1491 = arith.addi %add3A_1490, %select_n3A_1489 : i32
        %jit3A_1492 = arith.constant 8 : i32
        %eq3A_1493 = arith.constant 0 : i32
        %eq3A_1494 = arith.cmpi eq, %jit3A_1492, %eq3A_1493 : i32
        %jit3A_1495 = arith.constant 1 : i32
        %select_n3A_1496 = arith.select %eq3A_1494, %jit3A_1495, %jit3A_1492 : i32
        %rem3A_1497 = arith.remsi %add3A_1454, %select_n3A_1496 : i32
        %ne3A_1498 = arith.constant 0 : i32
        %ne3A_1499 = arith.cmpi ne, %rem3A_1497, %ne3A_1498 : i32
        %lt3A_1500 = arith.constant 0 : i32
        %lt3A_1501 = arith.cmpi slt, %rem3A_1497, %lt3A_1500 : i32
        %lt3A_1502 = arith.constant 0 : i32
        %lt3A_1503 = arith.cmpi slt, %select_n3A_1496, %lt3A_1502 : i32
        %ne3A_1504 = arith.xori %lt3A_1501, %lt3A_1503 : i1
        %and3A_1505 = arith.andi %ne3A_1504, %ne3A_1499 : i1
        %add3A_1506 = arith.addi %rem3A_1497, %select_n3A_1496 : i32
        %select_n3A_1507 = arith.select %and3A_1505, %add3A_1506, %rem3A_1497 : i32
        %mul3A_1508 = arith.constant 16 : i32
        %mul3A_1509 = arith.muli %select_n3A_1507, %mul3A_1508 : i32
        %swap3A_1510 = arith.index_cast %add3A_1491 : i32 to index
        %swap3A_1511 = arith.index_cast %mul3A_1509 : i32 to index
        %swap3A_1512 = tpu.vector_load %arg17[%swap3A_1510, %swap3A_1511] {strides = array<i32>} : memref<42x128xf32, #tpu.memory_space<vmem>>, vector<1x16xf32>,
        %swap3A_1513 = vector.shape_cast %swap3A_1512 : vector<1x16xf32> to vector<16xf32>
        %swap3A_1514 = vector.shape_cast %add3A_1465 : vector<16xf32> to vector<1x16xf32>
        tpu.vector_store %arg17[%swap3A_1510, %swap3A_1511], %swap3A_1514 {strides = array<i32>} : memref<42x128xf32, #tpu.memory_space<vmem>>, vector<1x16xf32>,
      }
      %scan3A_168 = arith.constant 16 : i32
      %mul3A_169 = arith.constant 32 : i32
      %mul3A_170 = arith.muli %add3A, %mul3A_169 : i32
      %add3A_171 = arith.addi %mul3A_170, %add3A_162 : i32
      %mul3A_172 = arith.constant 42 : i32
      %mul3A_173 = arith.muli %add3A_171, %mul3A_172 : i32
      "tpu.region"() ({
        %run_scoped3A = tpu.sem_alloc : memref<!tpu.dma_semaphore, #tpu.memory_space<semaphore_mem>>
        %dma_start3A_174 = arith.constant 0 : i32
        %dma_start3A_175 = tpu.memref_slice %arg7[%mul3A_173, %dma_start3A_174] : memref<43008x128xf32, #tpu.memory_space<hbm>> -> memref<42x128xf32, #tpu.memory_space<hbm>>
        %dma_start3A_176 = arith.constant 0 : i32
        %dma_start3A_177 = tpu.memref_slice %arg7[%mul3A_173, %dma_start3A_176] : memref<43008x128xf32, #tpu.memory_space<hbm>> -> memref<42x128xf32, #tpu.memory_space<hbm>>
        tpu.enqueue_dma source(%arg17 : memref<42x128xf32, #tpu.memory_space<vmem>>) target(%dma_start3A_177 : memref<42x128xf32, #tpu.memory_space<hbm>>) target_semaphore(%run_scoped3A : memref<!tpu.dma_semaphore, #tpu.memory_space<semaphore_mem>>)
        %dma_wait3A_178 = arith.constant 0 : i32
        %dma_wait3A_179 = tpu.memref_slice %arg7[%mul3A_173, %dma_wait3A_178] : memref<43008x128xf32, #tpu.memory_space<hbm>> -> memref<42x128xf32, #tpu.memory_space<hbm>>
        %dma_wait3A_180 = arith.constant 0 : i32
        %dma_wait3A_181 = tpu.memref_slice %arg7[%mul3A_173, %dma_wait3A_180] : memref<43008x128xf32, #tpu.memory_space<hbm>> -> memref<42x128xf32, #tpu.memory_space<hbm>>
        tpu.wait_dma2 semaphore(%run_scoped3A : memref<!tpu.dma_semaphore, #tpu.memory_space<semaphore_mem>>) src(%arg17 : memref<42x128xf32, #tpu.memory_space<vmem>>) dst(%dma_wait3A_181 : memref<42x128xf32, #tpu.memory_space<hbm>>)
        tpu.yield
      }) : () -> ()
    }
    %scan3A_60 = arith.constant 16 : i32
    return
  }
}

module attributes {stable_mosaic.version = 14 : i64} {
  func.func @_conv_body(%arg0: i32, %arg1: memref<32x8192xf32, #tpu.memory_space<vmem>>, %arg2: memref<32x8192xf32, #tpu.memory_space<vmem>>, %arg3: memref<2048x128xf32, #tpu.memory_space<vmem>>, %arg4: memref<2048x128xf32, #tpu.memory_space<vmem>>) attributes {dimension_semantics = [#tpu.dimension_semantics<arbitrary>], iteration_bounds = array<i64: 123>, scalar_prefetch = 0 : i64, scratch_operands = 0 : i64, tpu.core_type = #tpu.core_type<tc>, window_params = [{transform_indices = @transform_0, window_bounds = array<i64: 32, 8192>}, {transform_indices = @transform_1, window_bounds = array<i64: 32, 8192>}, {transform_indices = @transform_2, window_bounds = array<i64: 2048, 128>}, {transform_indices = @transform_3, window_bounds = array<i64: 2048, 128>}]} {
    %get3A = arith.constant 0 : index
    %get3A_0 = arith.constant 0 : index
    %get3A_1 = vector.load %arg1[%get3A, %get3A_0] : memref<32x8192xf32, #tpu.memory_space<vmem>>, vector<32x2048xf32>
    %transpose3A = tpu.transpose %get3A_1, [1, 0] : vector<32x2048xf32> -> vector<2048x32xf32>
    %get3A_2 = arith.constant 0 : index
    %get3A_3 = arith.constant 2048 : index
    %get3A_4 = vector.load %arg1[%get3A_2, %get3A_3] : memref<32x8192xf32, #tpu.memory_space<vmem>>, vector<32x2048xf32>
    %transpose3A_5 = tpu.transpose %get3A_4, [1, 0] : vector<32x2048xf32> -> vector<2048x32xf32>
    %get3A_6 = arith.constant 0 : index
    %get3A_7 = arith.constant 4096 : index
    %get3A_8 = vector.load %arg1[%get3A_6, %get3A_7] : memref<32x8192xf32, #tpu.memory_space<vmem>>, vector<32x2048xf32>
    %transpose3A_9 = tpu.transpose %get3A_8, [1, 0] : vector<32x2048xf32> -> vector<2048x32xf32>
    %get3A_10 = arith.constant 0 : index
    %get3A_11 = arith.constant 6144 : index
    %get3A_12 = vector.load %arg1[%get3A_10, %get3A_11] : memref<32x8192xf32, #tpu.memory_space<vmem>>, vector<32x2048xf32>
    %transpose3A_13 = tpu.transpose %get3A_12, [1, 0] : vector<32x2048xf32> -> vector<2048x32xf32>
    %concatenate3A = tpu.concatenate %transpose3A, %transpose3A_5, %transpose3A_9, %transpose3A_13 in 1 : vector<2048x32xf32>, vector<2048x32xf32>, vector<2048x32xf32>, vector<2048x32xf32> -> vector<2048x128xf32>
    %swap3A = arith.constant 0 : index
    %swap3A_14 = arith.constant 0 : index
    %swap3A_15 = vector.load %arg3[%swap3A, %swap3A_14] : memref<2048x128xf32, #tpu.memory_space<vmem>>, vector<2048x128xf32>
    tpu.vector_store %arg3[%swap3A, %swap3A_14], %concatenate3A {strides = array<i32>} : memref<2048x128xf32, #tpu.memory_space<vmem>>, vector<2048x128xf32>,
    %get3A_16 = arith.constant 0 : index
    %get3A_17 = arith.constant 0 : index
    %get3A_18 = vector.load %arg2[%get3A_16, %get3A_17] : memref<32x8192xf32, #tpu.memory_space<vmem>>, vector<32x2048xf32>
    %transpose3A_19 = tpu.transpose %get3A_18, [1, 0] : vector<32x2048xf32> -> vector<2048x32xf32>
    %get3A_20 = arith.constant 0 : index
    %get3A_21 = arith.constant 2048 : index
    %get3A_22 = vector.load %arg2[%get3A_20, %get3A_21] : memref<32x8192xf32, #tpu.memory_space<vmem>>, vector<32x2048xf32>
    %transpose3A_23 = tpu.transpose %get3A_22, [1, 0] : vector<32x2048xf32> -> vector<2048x32xf32>
    %get3A_24 = arith.constant 0 : index
    %get3A_25 = arith.constant 4096 : index
    %get3A_26 = vector.load %arg2[%get3A_24, %get3A_25] : memref<32x8192xf32, #tpu.memory_space<vmem>>, vector<32x2048xf32>
    %transpose3A_27 = tpu.transpose %get3A_26, [1, 0] : vector<32x2048xf32> -> vector<2048x32xf32>
    %get3A_28 = arith.constant 0 : index
    %get3A_29 = arith.constant 6144 : index
    %get3A_30 = vector.load %arg2[%get3A_28, %get3A_29] : memref<32x8192xf32, #tpu.memory_space<vmem>>, vector<32x2048xf32>
    %transpose3A_31 = tpu.transpose %get3A_30, [1, 0] : vector<32x2048xf32> -> vector<2048x32xf32>
    %concatenate3A_32 = tpu.concatenate %transpose3A_19, %transpose3A_23, %transpose3A_27, %transpose3A_31 in 1 : vector<2048x32xf32>, vector<2048x32xf32>, vector<2048x32xf32>, vector<2048x32xf32> -> vector<2048x128xf32>
    %swap3A_33 = arith.constant 0 : index
    %swap3A_34 = arith.constant 0 : index
    %swap3A_35 = vector.load %arg4[%swap3A_33, %swap3A_34] : memref<2048x128xf32, #tpu.memory_space<vmem>>, vector<2048x128xf32>
    tpu.vector_store %arg4[%swap3A_33, %swap3A_34], %concatenate3A_32 {strides = array<i32>} : memref<2048x128xf32, #tpu.memory_space<vmem>>, vector<2048x128xf32>,
    return
  }
  func.func @transform_0(%arg0: i32) -> (i32, i32) {
    %c0_i32 = arith.constant 0 : i32
    %c0_i32_0 = arith.constant 0 : i32
    return %c0_i32, %arg0 : i32, i32
  }
  func.func @transform_1(%arg0: i32) -> (i32, i32) {
    %c0_i32 = arith.constant 0 : i32
    %c0_i32_0 = arith.constant 0 : i32
    return %c0_i32, %arg0 : i32, i32
  }
  func.func @transform_2(%arg0: i32) -> (i32, i32) {
    %c0_i32 = arith.constant 0 : i32
    %c0_i32_0 = arith.constant 0 : i32
    return %arg0, %c0_i32 : i32, i32
  }
  func.func @transform_3(%arg0: i32) -> (i32, i32) {
    %c0_i32 = arith.constant 0 : i32
    %c0_i32_0 = arith.constant 0 : i32
    return %arg0, %c0_i32 : i32, i32
  }
}

module attributes {stable_mosaic.version = 14 : i64} {
  func.func @_loss_body(%arg0: i32, %arg1: memref<7168x128xf32, #tpu.memory_space<vmem>>, %arg2: memref<1x1xf32, #tpu.memory_space<vmem>>) attributes {dimension_semantics = [#tpu.dimension_semantics<arbitrary>], iteration_bounds = array<i64: 6>, scalar_prefetch = 0 : i64, scratch_operands = 0 : i64, tpu.core_type = #tpu.core_type<tc>, window_params = [{transform_indices = @transform_0, window_bounds = array<i64: 7168, 128>}, {pipeline_mode = #tpu.pipeline_mode<synchronous>, transform_indices = @transform_1, window_bounds = array<i64: 1, 1>}]} {
    %get3A = arith.constant 0 : index
    %get3A_0 = arith.constant 0 : index
    %get3A_1 = vector.load %arg1[%get3A, %get3A_0] : memref<7168x128xf32, #tpu.memory_space<vmem>>, vector<7168x128xf32>
    %iota3A = tpu.iota {dimensions = array<i32: 0>} : vector<128x8xi32>
    %iota3A_2 = tpu.iota {dimensions = array<i32: 1>} : vector<128x8xi32>
    %jit3A = arith.constant 16 : i32
    %div3A = vector.broadcast %jit3A : i32 to vector<128x8xi32>
    %div3A_3 = arith.divsi %iota3A, %div3A : vector<128x8xi32>
    %sign3A = arith.constant 0 : i32
    %sign3A_4 = vector.broadcast %sign3A : i32 to vector<128x8xi32>
    %sign3A_5 = arith.cmpi sgt, %iota3A, %sign3A_4 : vector<128x8xi32>
    %sign3A_6 = arith.extui %sign3A_5 : vector<128x8xi1> to vector<128x8xi32>
    %sign3A_7 = arith.constant 0 : i32
    %sign3A_8 = vector.broadcast %sign3A_7 : i32 to vector<128x8xi32>
    %sign3A_9 = arith.cmpi slt, %iota3A, %sign3A_8 : vector<128x8xi32>
    %sign3A_10 = arith.extui %sign3A_9 : vector<128x8xi1> to vector<128x8xi32>
    %sign3A_11 = arith.subi %sign3A_6, %sign3A_10 : vector<128x8xi32>
    %sign3A_12 = arith.constant 0 : i32
    %sign3A_13 = arith.cmpi sgt, %jit3A, %sign3A_12 : i32
    %sign3A_14 = arith.extui %sign3A_13 : i1 to i32
    %sign3A_15 = arith.constant 0 : i32
    %sign3A_16 = arith.cmpi slt, %jit3A, %sign3A_15 : i32
    %sign3A_17 = arith.extui %sign3A_16 : i1 to i32
    %sign3A_18 = arith.subi %sign3A_14, %sign3A_17 : i32
    %ne3A = vector.broadcast %sign3A_18 : i32 to vector<128x8xi32>
    %ne3A_19 = arith.cmpi ne, %sign3A_11, %ne3A : vector<128x8xi32>
    %rem3A = vector.broadcast %jit3A : i32 to vector<128x8xi32>
    %rem3A_20 = arith.remsi %iota3A, %rem3A : vector<128x8xi32>
    %ne3A_21 = arith.constant 0 : i32
    %ne3A_22 = vector.broadcast %ne3A_21 : i32 to vector<128x8xi32>
    %ne3A_23 = arith.cmpi ne, %rem3A_20, %ne3A_22 : vector<128x8xi32>
    %and3A = arith.andi %ne3A_19, %ne3A_23 : vector<128x8xi1>
    %sub3A = arith.constant 1 : i32
    %sub3A_24 = vector.broadcast %sub3A : i32 to vector<128x8xi32>
    %sub3A_25 = arith.subi %div3A_3, %sub3A_24 : vector<128x8xi32>
    %select_n3A = arith.select %and3A, %sub3A_25, %div3A_3 : vector<128x8xi1>, vector<128x8xi32>
    %eq3A = arith.cmpi eq, %select_n3A, %iota3A_2 : vector<128x8xi32>
    %jit3A_26 = arith.constant 1.000000e+00 : f32
    %jit3A_27 = arith.constant 0.000000e+00 : f32
    %broadcast_in_dim3A = vector.broadcast %jit3A_26 : f32 to vector<128x8xf32>
    %broadcast_in_dim3A_28 = vector.broadcast %jit3A_27 : f32 to vector<128x8xf32>
    %select_n3A_29 = arith.select %eq3A, %broadcast_in_dim3A, %broadcast_in_dim3A_28 : vector<128x8xi1>, vector<128x8xf32>
    %dot_general3A = arith.constant dense<0.000000e+00> : vector<7168x8xf32>
    %dot_general3A_30 = tpu.matmul %get3A_1, %select_n3A_29, %dot_general3A {dimension_numbers = #tpu.dot_dimension_numbers<[1], [0], [0], [1], [0, 0, 1, 1], [], []>, transpose_lhs_hint = false} : vector<7168x128xf32>, vector<128x8xf32>, vector<7168x8xf32> -> vector<7168x8xf32>
    %min3A = arith.constant 0.000000e+00 : f32
    %min3A_31 = vector.broadcast %min3A : f32 to vector<7168x8xf32>
    %min3A_32 = arith.minimumf %dot_general3A_30, %min3A_31 : vector<7168x8xf32>
    %abs3A = math.absf %dot_general3A_30 : vector<7168x8xf32>
    %neg3A = arith.constant 0.000000e+00 : f32
    %neg3A_33 = vector.broadcast %neg3A : f32 to vector<7168x8xf32>
    %neg3A_34 = arith.subf %neg3A_33, %abs3A : vector<7168x8xf32>
    %exp3A = math.exp %neg3A_34 : vector<7168x8xf32>
    %log1p3A = math.log1p %exp3A : vector<7168x8xf32>
    %sub3A_35 = arith.subf %min3A_32, %log1p3A : vector<7168x8xf32>
    %eq3A_36 = arith.constant 0 : i32
    %eq3A_37 = arith.cmpi eq, %arg0, %eq3A_36 : i32
    %convert_element_type3A = arith.extui %eq3A_37 : i1 to i32
    %cond3A = arith.constant 0 : i32
    %cond3A_38 = arith.cmpi ne, %convert_element_type3A, %cond3A : i32
    scf.if %cond3A_38 {
      %broadcast_in_dim3A_53 = arith.constant 0.000000e+00 : f32
      %broadcast_in_dim3A_54 = vector.broadcast %broadcast_in_dim3A_53 : f32 to vector<1x1xf32>
      %swap3A_55 = arith.constant 0 : index
      %swap3A_56 = arith.constant 0 : index
      %swap3A_57 = vector.load %arg2[%swap3A_55, %swap3A_56] : memref<1x1xf32, #tpu.memory_space<vmem>>, vector<1x1xf32>
      tpu.vector_store %arg2[%swap3A_55, %swap3A_56], %broadcast_in_dim3A_54 {strides = array<i32>} : memref<1x1xf32, #tpu.memory_space<vmem>>, vector<1x1xf32>,
    } else {
    }
    %get3A_39 = arith.constant 0 : index
    %get3A_40 = arith.constant 0 : index
    %get3A_41 = vector.load %arg2[%get3A_39, %get3A_40] : memref<1x1xf32, #tpu.memory_space<vmem>>, vector<1x1xf32>
    %reduce_sum3A = vector.shape_cast %sub3A_35 : vector<7168x8xf32> to vector<1x7168x8xf32>
    %reduce_sum3A_42 = arith.constant dense<0.000000e+00> : vector<1xf32>
    %reduce_sum3A_43 = vector.multi_reduction <add>, %reduce_sum3A, %reduce_sum3A_42 [1, 2] : vector<1x7168x8xf32> to vector<1xf32>
    %reduce_sum3A_44 = vector.shape_cast %reduce_sum3A_43 : vector<1xf32> to vector<1x1x1xf32>
    %reduce_sum3A_45 = vector.extract %reduce_sum3A_44[0, 0, 0] : f32 from vector<1x1x1xf32>
    %reshape3A = vector.broadcast %reduce_sum3A_45 : f32 to vector<1x1xf32>
    %add3A = arith.addf %get3A_41, %reshape3A : vector<1x1xf32>
    %swap3A = arith.constant 0 : index
    %swap3A_46 = arith.constant 0 : index
    %swap3A_47 = vector.load %arg2[%swap3A, %swap3A_46] : memref<1x1xf32, #tpu.memory_space<vmem>>, vector<1x1xf32>
    tpu.vector_store %arg2[%swap3A, %swap3A_46], %add3A {strides = array<i32>} : memref<1x1xf32, #tpu.memory_space<vmem>>, vector<1x1xf32>,
    %eq3A_48 = arith.constant 5 : i32
    %eq3A_49 = arith.cmpi eq, %arg0, %eq3A_48 : i32
    %convert_element_type3A_50 = arith.extui %eq3A_49 : i1 to i32
    %cond3A_51 = arith.constant 0 : i32
    %cond3A_52 = arith.cmpi ne, %convert_element_type3A_50, %cond3A_51 : i32
    scf.if %cond3A_52 {
      %get3A_53 = arith.constant 0 : index
      %get3A_54 = arith.constant 0 : index
      %get3A_55 = vector.load %arg2[%get3A_53, %get3A_54] : memref<1x1xf32, #tpu.memory_space<vmem>>, vector<1x1xf32>
      %neg3A_56 = arith.constant 0.000000e+00 : f32
      %neg3A_57 = vector.broadcast %neg3A_56 : f32 to vector<1x1xf32>
      %neg3A_58 = arith.subf %neg3A_57, %get3A_55 : vector<1x1xf32>
      %div3A_59 = arith.constant 1.638400e+04 : f32
      %div3A_60 = vector.broadcast %div3A_59 : f32 to vector<1x1xf32>
      %div3A_61 = arith.divf %neg3A_58, %div3A_60 : vector<1x1xf32>
      %swap3A_62 = arith.constant 0 : index
      %swap3A_63 = arith.constant 0 : index
      %swap3A_64 = vector.load %arg2[%swap3A_62, %swap3A_63] : memref<1x1xf32, #tpu.memory_space<vmem>>, vector<1x1xf32>
      tpu.vector_store %arg2[%swap3A_62, %swap3A_63], %div3A_61 {strides = array<i32>} : memref<1x1xf32, #tpu.memory_space<vmem>>, vector<1x1xf32>,
    } else {
    }
    return
  }
  func.func @transform_0(%arg0: i32) -> (i32, i32) {
    %c0_i32 = arith.constant 0 : i32
    %c0_i32_0 = arith.constant 0 : i32
    return %arg0, %c0_i32 : i32, i32
  }
  func.func @transform_1(%arg0: i32) -> (i32, i32) {
    %c0_i32 = arith.constant 0 : i32
    %c0_i32_0 = arith.constant 0 : i32
    %c0_i32_1 = arith.constant 0 : i32
    return %c0_i32, %c0_i32_0 : i32, i32
  }
}

</mosaic_0001>

<sc_bundles>
// kernel: kernel.5.cloned.1.call-start
scs
__scs_entry_jumppad:
0x0: {  	(pc) =	sbr.rel $0x88, $3  }
0x1: {  	(tag) =	ssettag $0x0;
	lr =	simm.s32 $0x1  }
0x2: {  	[smem:$0x3F9C] =	sst lr;
	_ =	strace $0xD0000000  }
0x3: {  	_ = 	snop  }
0x4: {  	_ = 	snop  }
0x5: {  	_ = 	snop  }
0x6: {  	_ = 	snop  }
0x7: {  	_ = 	snop  }
__scs_overlays_trampoline_lowered:
0x8: {  	[smem:$0x3FAB] =	sst s0  }
0x9: {  	[smem:$0x3FAC] =	sst s1  }
0xa: {  	[smem:$0x3FAD] =	sst s2  }
0xb: {  	[smem:$0x3FAE] =	sst s3  }
0xc: {  	[smem:$0x3FAF] =	sst s4  }
0xd: {  	[smem:$0x3FB0] =	sst s5  }
0xe: {  	[smem:$0x3FB1] =	sst s6  }
0xf: {  	[smem:$0x3FB2] =	sst s7  }
0x10: {  	[smem:$0x3FB3] =	sst s8  }
0x11: {  	[smem:$0x3FB4] =	sst s9;
	s0 =	simm.s32 @!p0 $0x0  }
0x12: {  	s1 =	sld [smem:$0x3F9A];
	s0 =	simm.s32 @p0 $0x1  }
0x13: {  	[smem:$0x3FB5] =	sst s0;
	s0 =	simm.s32 @!p1 $0x0  }
0x14: {  	s2 =	sld [smem:$0x3F99];
	s0 =	simm.s32 @p1 $0x1  }
0x15: {  	[smem:$0x3FB6] =	sst s0;
	s0 =	simm.s32 @!p2 $0x0  }
0x16: {  	s3 =	sld [smem:$0x3FDB];
	s0 =	simm.s32 @p2 $0x1  }
0x17: {  	s4 =	simm.s32 $0x1BF5;
	[smem:$0x3FB8] =	sst s0  }
0x18: {  	s0 =	sld [smem:$0x3F9B];
	_ =	swait.ge [sflag:s4], $0x0  }
0x19: {  	s7 =	sld [smem:$0x3F9C]  }
0x1a: {  	s8 =	sadd.s32 $0xFFFFE003, lr  }
0x1b: {  	s9 =	sadd.s32 $0xFFFFFEF7, lr;
	s5 =	simm.s32 $0xFFFFFFFF;
	p2 =	slt.u32 s8, $0xFFFFF086  }
0x1c: {  	p1 =	slt.u32 s9, $0xF7A;
	s5 =	simm.s32 @!p2 $0x0  }
0x1d: {  	s5 =	simm.s32 @p1 $0x1;
	p0 =	seq.s32 s7, s2  }
0x1e: {  	s7 =	smul.u32 @!p0 $0xF7A, s2;
	p2 =	seq.s32 @!p0 s5, $0x0  }
0x1f: {  	s9 =	smul.u32 $0xF7A, s1;
	s8 =	simm.s32 @!p0 $0x1BF5;
	p2 =	por !p2, p0  }
0x20: {  	[sflag:s8] =	ssyncset.s32 @!p0 $0xFFFFF086;
	s6 =	sadd.s32 @!p0 s3, s7;
	s7 =	simm.s32 @!p0 $0x108  }
0x21: {  	s3 =	sadd.s32 s3, s9;
	s6 =	sadd.s32 @!p0 $0x88, s6;
	s7 =	simm.s32 @p2 $0x1082  }
0x22: {  	[simem:s7], [sflag:s8] =	dma.local @!p0 [hbm:s6], $0xF7A  }
0x23: {  	s9 =	sor.u32 $0xD0000000, s2;
	s6 =	simm.s32 $0x108;
	_ =	swait.ge @!p0 [sflag:s8], $0x0  }
0x24: {  	s3 =	sadd.s32 $0x88, s3;
	s6 =	simm.s32 @!p1 $0x1082;
	[sflag:s4] =	ssyncset.s32 $0xFFFFF086  }
0x25: {  	[simem:s6], [sflag:s4] =	dma.local [hbm:s3], $0xF7A  }
0x26: {  	[smem:$0x3F9C] =	sst s1;
	(tag) =	ssettag s2;
	_ =	strace s9  }
0x27: {  	s1 =	sld [smem:$0x3FAC]  }
0x28: {  	s2 =	sld [smem:$0x3FAD]  }
0x29: {  	s4 =	sld [smem:$0x3FAF]  }
0x2a: {  	p0 =	seq.s32 s5, $0x0;
	s5 =	sld [smem:$0x3FB0]  }
0x2b: {  	s6 =	sld [smem:$0x3FB1]  }
0x2c: {  	s7 =	sld [smem:$0x3FB2]  }
0x2d: {  	s3 =	simm.s32 $0x108;
	s8 =	sld [smem:$0x3FB3]  }
0x2e: {  	s3 =	simm.s32 @!p0 $0x1082;
	s9 =	sld [smem:$0x3FB4]  }
0x2f: {  	lr =	sadd.s32 s0, s3;
	s0 =	sld [smem:$0x3FAB]  }
0x30: {  	s3 =	sld [smem:$0x3FAE]  }
0x31: {  	[smem:$0x3FB7] =	sst s10  }
0x32: {  	s10 =	sld [smem:$0x3FB5];
	_ =	sdelay $0x3  }
0x33: {  	p0 =	seq.s32 s10, $0x1;
	s10 =	sld [smem:$0x3FB7];
	_ =	sdelay $0x3  }
0x34: {  	[smem:$0x3FB7] =	sst s10  }
0x35: {  	s10 =	sld [smem:$0x3FB6];
	_ =	sdelay $0x3  }
0x36: {  	p1 =	seq.s32 s10, $0x1;
	s10 =	sld [smem:$0x3FB7];
	_ =	sdelay $0x3  }
0x37: {  	[smem:$0x3FB7] =	sst s10  }
0x38: {  	s10 =	sld [smem:$0x3FB8]  }
0x39: {  	_ = 	snop;
	(pc) =	sbr.ind lr, $3  }
0x3a: {  	_ = 	snop  }
0x3b: {  	_ = 	snop  }
0x3c: {  	p2 =	seq.s32 s10, $0x1;
	s10 =	sld [smem:$0x3FB7]  }
0x3d: {  	_ =	shalt  }
0x3e: {  	_ =	shalt  }
0x3f: {  	_ =	shalt  }
0x40: {  	_ =	shalt  }
0x41: {  	_ =	shalt  }
0x42: {  	_ =	shalt  }
0x43: {  	_ =	shalt  }
0x44: {  	_ =	shalt  }
0x45: {  	_ =	shalt  }
0x46: {  	_ =	shalt  }
0x47: {  	_ =	shalt  }
0x48: {  	_ =	shalt  }
0x49: {  	_ =	shalt  }
0x4a: {  	_ =	shalt  }
0x4b: {  	_ =	shalt  }
0x4c: {  	_ =	shalt  }
0x4d: {  	_ =	shalt  }
0x4e: {  	_ =	shalt  }
0x4f: {  	_ =	shalt  }
0x50: {  	_ =	shalt  }
0x51: {  	_ =	shalt  }
0x52: {  	_ =	shalt  }
0x53: {  	_ =	shalt  }
0x54: {  	_ =	shalt  }
0x55: {  	_ =	shalt  }
0x56: {  	_ =	shalt  }
0x57: {  	_ =	shalt  }
0x58: {  	_ =	shalt  }
0x59: {  	_ =	shalt  }
0x5a: {  	_ =	shalt  }
0x5b: {  	_ =	shalt  }
0x5c: {  	_ =	shalt  }
0x5d: {  	_ =	shalt  }
0x5e: {  	_ =	shalt  }
0x5f: {  	_ =	shalt  }
0x60: {  	_ =	shalt  }
0x61: {  	_ =	shalt  }
0x62: {  	_ =	shalt  }
0x63: {  	_ =	shalt  }
0x64: {  	_ =	shalt  }
0x65: {  	_ =	shalt  }
0x66: {  	_ =	shalt  }
0x67: {  	_ =	shalt  }
0x68: {  	_ =	shalt  }
0x69: {  	_ =	shalt  }
0x6a: {  	_ =	shalt  }
0x6b: {  	_ =	shalt  }
0x6c: {  	_ =	shalt  }
0x6d: {  	_ =	shalt  }
0x6e: {  	_ =	shalt  }
0x6f: {  	_ =	shalt  }
0x70: {  	_ =	shalt  }
0x71: {  	_ =	shalt  }
0x72: {  	_ =	shalt  }
0x73: {  	_ =	shalt  }
0x74: {  	_ =	shalt  }
0x75: {  	_ =	shalt  }
0x76: {  	_ =	shalt  }
0x77: {  	_ =	shalt  }
0x78: {  	_ =	shalt  }
0x79: {  	_ =	shalt  }
0x7a: {  	_ =	shalt  }
0x7b: {  	_ =	shalt  }
0x7c: {  	_ =	shalt  }
0x7d: {  	_ =	shalt  }
0x7e: {  	_ =	shalt  }
0x7f: {  	_ =	shalt  }
0x80: {  	_ =	shalt  }
0x81: {  	_ =	shalt  }
0x82: {  	_ =	shalt  }
0x83: {  	_ =	shalt  }
0x84: {  	_ =	shalt  }
0x85: {  	_ =	shalt  }
0x86: {  	_ =	shalt  }
0x87: {  	_ =	shalt  }
.Lfunc_end0:
.L_simem_size_0:
called_computation_lowered:
.L_overlay_start_0:
0x88: {  	s2 =	sld [smem:$0x3FD9]  }
0x89: {  	s3 =	sld [smem:$0x3FFE];
	_ =	sdelay $0x1  }
0x8a: {  	s1 =	srdreg.scid  }
0x8b: {  	s0 =	sand.u32 $0x1, s1  }
0x8c: {  	s17 =	sshll.u32 s0, $0xA;
	s2 =	sadd.s32 s3, s2  }
0x8d: {  	s2 =	sadd.s32 s2, s17  }
0x8e: {  	[smem:$0x3FC3] =	sst s2  }
0x8f: {  	_ = 	snop  }
0x90: {  	s2 =	sld [smem:$0x3FC9]  }
0x91: {  	s18 =	sld [smem:$0x3FC8];
	(tm) =	ssettm $0x1  }
0x92: {  	s4 =	sld [smem:$0x3FFB];
	_ =	sdelay $0x3  }
0x93: {  	_ =	strace s4  }
0x94: {  	s4 =	sld [smem:$0x3FFC];
	_ =	sdelay $0x3  }
0x95: {  	_ =	strace s4  }
0x96: {  	s4 =	sld [smem:$0x3FFD];
	_ =	sdelay $0x3  }
0x97: {  	_ =	strace s4  }
0x98: {  	_ =	strace $0x8FFFFFFF  }
0x99: {  	s19 =	sld [smem:$0x3FDB];
	_ =	sdelay $0x1  }
0x9a: {  	s5 =	simm.s32 $_scs_section_size  }
0x9b: {  	s6 =	simm.s32 $_size__tile_overlayer_lowered;
	s7 =	simm.s32 $_tile_overlayer_lowered  }
0x9c: {  	s22 =	simm.s32 $0x1BFF;
	s21 =	sshll.u32 s7, $0x1;
	s4 =	sadd.s32 s5, s19  }
0x9d: {  	s8 =	simm.s32 $0x0;
	s20 =	sshll.u32 s6, $0x1;
	s6 =	sadd.s32 s21, s4  }
0x9e: {  	[timem:s8], [sflag:s22] =	dma.local [hbm:s6], s20  }
0x9f: {  	_ =	swait.ge [sflag:s22], s20  }
0xa0: {  	s5 =	ssub.s32 $0x0, s20;
	[sflag:s22] =	ssyncset.done $0x0  }
0xa1: {  	[sflag:s22] =	ssyncadd.s32 s5;
	_ =	sdelay $0x1  }
0xa2: {  	s23 =	simm.s32 $0x1B8B  }
0xa3: {  	_ =	swait.ge [sflag:s23], $0x1  }
0xa4: {  	[sflag:s23] =	ssyncset.done $0x0  }
0xa5: {  	s25 =	simm.s32 $0x1B8E;
	s24 =	sld [smem:$0x3FFE];
	[sflag:s23] =	ssyncadd.s32 $0xFFFFFFFF  }
0xa6: {  	s26 =	simm.s32 $execute0_lowered;
	[smem:$0x3FD2] =	sst s25  }
0xa7: {  	s6 =	sshll.u32 s26, $0x1;
	_ =	strace $0x80000046;
	[dreg:$0x1] =	wrdreg $0xFFFFFFFF  }
0xa8: {  	s28 =	simm.s32 $_size_execute0_lowered;
	s4 =	sadd.s32 s4, s6;
	[dreg:$0x0] =	wrdreg $0x0  }
0xa9: {  	s6 =	sshll.u32 s28, $0x1;
	[dreg:$0x2] =	wrdreg s4  }
0xaa: {  	[dreg:$0x3] =	wrdreg s6  }
0xab: {  	[dreg:$0x4] =	wrdreg $0xC0  }
0xac: {  	_ =	task [dreg:s8], $0x5FFFF  }
0xad: {  	[dreg:$0x1] =	wrdreg $0xFFFFFFFF  }
0xae: {  	[dreg:$0x0] =	wrdreg $0x60  }
0xaf: {  	[dreg:$0x2] =	wrdreg s24  }
0xb0: {  	[dreg:$0x3] =	wrdreg s2  }
0xb1: {  	[dreg:$0x4] =	wrdreg s18  }
0xb2: {  	[dreg:$0x5] =	wrdreg $0x9  }
0xb3: {  	_ =	task.clear_ibuf [dreg:s8], $0x6FFFF;
	_ =	strace $0x90000046  }
0xb4: {  	s29 =	simm.s32 $0x9;
	_ =	strace $0x80000048  }
0xb5: {  	_ =	swait.ge [sflag:s29], $0x1  }
0xb6: {  	[sflag:s29] =	ssyncadd.s32 $0xFFFFFFFF  }
0xb7: {  	_ =	strace $0x90000048  }
0xb8: {  	_ =	sfence  }
0xb9: {  	s30 =	sld [smem:$0x0];
	_ =	sdelay $0x2  }
0xba: {  	s31 =	sshll.u32 s1, $0xD;
	s1 =	sshrl.u32 s1, $0x2  }
0xbb: {  	s3 =	sand.u32 $0x4000, s31;
	s1 =	sadd.s32 s1, s30  }
0xbc: {  	s0 =	sor.u32 s3, s0;
	s1 =	sshll.u32 s1, $0x11  }
0xbd: {  	s0 =	sor.u32 s1, s0  }
0xbe: {  	s0 =	sadd.s32 $0x8F2B, s0  }
0xbf: {  	[sflag:s0] =	ssyncadd.remote.s32 $0x1  }
0xc0: {  	_ =	sfence.sel $0xFFFF  }
0xc1: {  	[dreg:$0x0] =	wrdreg $0xFFFFFFFF;
	(pc) =	sbr.abs _section_cstart, $3  }
0xc2: {  	[dreg:$0x1] =	wrdreg $0xFFFFFFFF  }
0xc3: {  	_ =	task.clear_ibuf [dreg:s8], $0x2FFFF;
	_ =	strace $0x9FFFFFFF  }
0xc4: {  	(tm) =	ssettm $0x7FFFFFFF  }
0xc5: {  	_ =	shalt  }
tec
execute0_lowered:
.L_overlay_start_1:
0x0: {  	(tag) =	ssettag $0x1  }
0x1: {  	s0 =	rddreg [dreg:$0x0]  }
0x2: {  	s1 =	rddreg [dreg:$0x1];
	s2 =	srdreg.scid  }
0x3: {  	s3 =	stileid.u32;
	s6 =	rddreg [dreg:$0x2];
	s11 =	simm.s32 $0x3  }
0x4: {  	s14 =	simm.s32 $0x10;
	s17 =	simm.s32 $0x80;
	s21 =	simm.s32 $0x40  }
0x5: {  	s28 =	simm.s32 $0x6C00;
	s29 =	simm.s32 $0x7C00;
	s30 =	simm.s32 $0x1  }
0x6: {  	s31 =	simm.s32 $0x8400;
	s4 =	sand.u32 $0x1, s2;
	s3 =	sshll.u32 s3, $0x1  }
0x7: {  	s15 =	simm.s32 $0x0;
	s2 =	simm.s32 $0x0;
	s7 =	sor.u32 s4, s3  }
0x8: {  	[smem:$0x7FF] =	sst s2;
	s3 =	sadd.s32 $0xA800, s0;
	s8 =	ssub.s32 $0x2, s4  }
0x9: {  	s4 =	sadd.s32 $0x3E2800, s0;
	s5 =	smul.u32 $0x500, s7;
	s10 =	sshrl.u32 s8, $0x1  }
0xa: {  	_ =	strace $0x80000047;
	s24 =	sshll.u32 s7, $0x6;
	s23 =	ssub.s32 s8, s10  }
0xb: {  	s1 =	sadd.s32 s1, s24;
	s25 =	sadd.s32 s6, s24;
	s8 =	simm.s32 $0x400  }
0xc: {  	s6 =	simm.s32 $0x0;
	s9 =	sadd.s32 s5, s0;
	[dreg:$0x4] =	wrdreg s1  }
0xd: {  	s5 =	sadd.s32 $0x7BA800, s0;
	[dreg:$0x5] =	wrdreg s25;
	s0 =	smax.u32 s23, $0x1  }
0xe: {  	s1 =	simm.s32 $0x2;
	s26 =	sadd.s32 $0x800, s9;
	[dreg:$0x7] =	wrdreg s0  }
0xf: {  	s9 =	sshll.u32 s7, $0x5;
	s7 =	simm.s32 $0x200;
	[dreg:$0x6] =	wrdreg s26  }
.LBB2_1:
0x10: {  	[dreg:$0x8] =	wrdreg s6  }
0x11: {  	s0 =	rddreg [dreg:$0x4]  }
0x12: {  	[tilespmem:s2], [sflag:$0x3] =	stream.linear.gather [hbm4b:s0+s2], $0x200, $0x38;
	[tilespmem:$0x9900] =	vst v63  }
0x13: {  	_ =	swait.ge [sflag:s11], $0x200  }
0x14: {  	[sflag:s11] =	ssyncset.done $0x0  }
0x15: {  	s25 =	rddreg [dreg:$0x5];
	[sflag:s11] =	ssyncadd.s32 $0xFFFFFE00  }
0x16: {  	[tilespmem:s7], [sflag:$0x3] =	stream.linear.gather [hbm4b:s25+s2], $0x200, $0x38;
	[tilespmem:$0x9900] =	vst v63  }
0x17: {  	_ =	swait.ge [sflag:s11], $0x200  }
0x18: {  	[sflag:s11] =	ssyncset.done $0x0  }
0x19: {  	s26 =	rddreg [dreg:$0x6];
	[sflag:s11] =	ssyncadd.s32 $0xFFFFFE00  }
0x1a: {  	[tilespmem:s8], [sflag:$0x3] =	stream.linear.gather [hbm4b:s26+s2], $0x2800, $0x38;
	[tilespmem:$0x9900] =	vst v63  }
0x1b: {  	_ =	swait.ge [sflag:s11], $0x2800  }
0x1c: {  	[sflag:s11] =	ssyncset.done $0x0  }
0x1d: {  	s6 =	simm.s32 $0x40;
	s0 =	simm.s32 $0x0;
	[sflag:s11] =	ssyncadd.s32 $0xFFFFD800  }
.LBB2_2:
0x1e: {  	p0 =	sne.s32 s6, $0x7C0;
	v0 =	vld [tilespmem:s0+$0x0];
	_ =	sdelay $0x4  }
.Ltmp0:
0x1f: {  	v1 =	vshll.u32 v0, $0x2;
	(pc) =	sbr.rel @p0 .LBB2_2-.Ltmp0, $4  }
0x20: {  	v2 =	vshrl.u32 v0, $0xB;
	v0 =	vand.u32 $0xFFFFE000, v0;
	v1 =	vand.u32 $0x1FFC, v1  }
0x21: {  	v2 =	vand.u32 $0x3, v2;
	v0 =	vor.u32 v0, v1  }
0x22: {  	v0 =	vor.u32 v2, v0  }
0x23: {  	[tilespmem:s0+$0x0] =	vst v0;
	s0 =	sshra.s32 s6, $0x2;
	s6 =	sadd.s32 $0x40, s6  }
0x24: {  	v0 =	vld [tilespmem:s0+$0x0];
	_ =	sdelay $0x4  }
0x25: {  	v1 =	vshll.u32 v0, $0x2  }
0x26: {  	v2 =	vshrl.u32 v0, $0xB;
	v0 =	vand.u32 $0xFFFFE000, v0;
	v1 =	vand.u32 $0x1FFC, v1  }
0x27: {  	v2 =	vand.u32 $0x3, v2;
	v0 =	vor.u32 v0, v1  }
0x28: {  	v0 =	vor.u32 v2, v0  }
0x29: {  	s6 =	simm.s32 $0x40;
	[tilespmem:s0+$0x0] =	vst v0;
	s0 =	simm.s32 $0x0  }
.LBB2_4:
0x2a: {  	p0 =	sne.s32 s6, $0x7C0;
	v0 =	vld [tilespmem:s0+$0x200];
	_ =	sdelay $0x4  }
.Ltmp1:
0x2b: {  	v1 =	vshll.u32 v0, $0x2;
	(pc) =	sbr.rel @p0 .LBB2_4-.Ltmp1, $4  }
0x2c: {  	v2 =	vshrl.u32 v0, $0xB;
	v0 =	vand.u32 $0xFFFFE000, v0;
	v1 =	vand.u32 $0x1FFC, v1  }
0x2d: {  	v2 =	vand.u32 $0x3, v2;
	v0 =	vor.u32 v0, v1  }
0x2e: {  	v0 =	vor.u32 v2, v0  }
0x2f: {  	[tilespmem:s0+$0x200] =	vst v0;
	s0 =	sshra.s32 s6, $0x2;
	s6 =	sadd.s32 $0x40, s6  }
0x30: {  	v0 =	vld [tilespmem:s0+$0x200];
	_ =	sdelay $0x4  }
0x31: {  	v1 =	vshll.u32 v0, $0x2  }
0x32: {  	v2 =	vshrl.u32 v0, $0xB;
	v0 =	vand.u32 $0xFFFFE000, v0;
	v1 =	vand.u32 $0x1FFC, v1  }
0x33: {  	v2 =	vand.u32 $0x3, v2;
	v0 =	vor.u32 v0, v1  }
0x34: {  	v0 =	vor.u32 v2, v0  }
0x35: {  	s6 =	simm.s32 $0x40;
	[tilespmem:s0+$0x200] =	vst v0;
	s0 =	simm.s32 $0x0  }
.LBB2_6:
0x36: {  	p0 =	sne.s32 s6, $0x9FC0;
	v0 =	vld [tilespmem:s0+$0x400];
	_ =	sdelay $0x4  }
.Ltmp2:
0x37: {  	v1 =	vshll.u32 v0, $0x2;
	(pc) =	sbr.rel @p0 .LBB2_6-.Ltmp2, $4  }
0x38: {  	v2 =	vshrl.u32 v0, $0xB;
	v0 =	vand.u32 $0xFFFFE000, v0;
	v1 =	vand.u32 $0x1FFC, v1  }
0x39: {  	v2 =	vand.u32 $0x3, v2;
	v0 =	vor.u32 v0, v1  }
0x3a: {  	v0 =	vor.u32 v2, v0  }
0x3b: {  	[tilespmem:s0+$0x400] =	vst v0;
	s0 =	sshra.s32 s6, $0x2;
	s6 =	sadd.s32 $0x40, s6  }
0x3c: {  	v0 =	vld [tilespmem:s0+$0x400];
	_ =	sdelay $0x4  }
0x3d: {  	v1 =	vshll.u32 v0, $0x2  }
0x3e: {  	v2 =	vshrl.u32 v0, $0xB;
	v0 =	vand.u32 $0xFFFFE000, v0;
	v1 =	vand.u32 $0x1FFC, v1  }
0x3f: {  	v2 =	vand.u32 $0x3, v2;
	v0 =	vor.u32 v0, v1  }
0x40: {  	v0 =	vor.u32 v2, v0  }
0x41: {  	s20 =	simm.s32 $0x2C00;
	[tilespmem:s0+$0x400] =	vst v0  }
0x42: {  	[tilespmem:s20], [sflag:$0x1] =	stream.indirect.gather [hbm4b:s3+s14], $0x20, s15, s14, $0xb8;
	[tilespmem:$0x9900] =	vst v63  }
0x43: {  	s22 =	simm.s32 $0x2E00  }
0x44: {  	[tilespmem:s22], [sflag:$0x1] =	stream.indirect.gather [hbm4b:s4+s14], $0x20, s7, s14, $0xb8;
	[tilespmem:$0x9900] =	vst v63  }
0x45: {  	s23 =	simm.s32 $0x3000  }
0x46: {  	[tilespmem:s23], [sflag:$0x1] =	stream.indirect.gather [hbm4b:s4+s17], $0x20, s8, s17, $0xb8;
	[tilespmem:$0x9900] =	vst v63  }
0x47: {  	s24 =	simm.s32 $0x480;
	s6 =	simm.s32 $0x4000  }
0x48: {  	[tilespmem:s6], [sflag:$0x1] =	stream.indirect.gather [hbm4b:s4+s17], $0x20, s24, s17, $0xb8;
	[tilespmem:$0x9900] =	vst v63  }
0x49: {  	s25 =	simm.s32 $0x500;
	s26 =	simm.s32 $0x5000;
	s16 =	simm.s32 $0x0  }
0x4a: {  	[tilespmem:s26], [sflag:$0x1] =	stream.indirect.gather [hbm4b:s4+s21], $0x20, s25, s21, $0xb8;
	[tilespmem:$0x9900] =	vst v63  }
.LBB2_8:
0x4b: {  	s18 =	sshllo.u32 s16, $0x1  }
0x4c: {  	s6 =	simm.s32 $0x5800;
	s0 =	sshll.u32 s18, $0x4;
	s24 =	smul.u32 $0x500, s18  }
0x4d: {  	[tilespmem:s6], [sflag:$0x2] =	stream.indirect.gather [hbm4b:s3+s14], $0x20, s0, s14, $0xb8;
	[tilespmem:$0x9900] =	vst v63  }
0x4e: {  	s7 =	simm.s32 $0x5A00;
	s0 =	sadd.s32 $0x200, s0;
	s25 =	sshra.s32 s24, $0x2  }
0x4f: {  	[tilespmem:s7], [sflag:$0x2] =	stream.indirect.gather [hbm4b:s4+s14], $0x20, s0, s14, $0xb8;
	[tilespmem:$0x9900] =	vst v63  }
0x50: {  	s26 =	simm.s32 $0x5C00;
	s6 =	sadd.s32 $0x400, s25  }
0x51: {  	[tilespmem:s26], [sflag:$0x2] =	stream.indirect.gather [hbm4b:s4+s17], $0x20, s6, s17, $0xb8;
	[tilespmem:$0x9900] =	vst v63  }
0x52: {  	s8 =	sadd.s32 $0x480, s25  }
0x53: {  	[tilespmem:s28], [sflag:$0x2] =	stream.indirect.gather [hbm4b:s4+s17], $0x20, s8, s17, $0xb8;
	[tilespmem:$0x9900] =	vst v63  }
0x54: {  	s0 =	sadd.s32 $0x500, s25  }
0x55: {  	[tilespmem:s29], [sflag:$0x2] =	stream.indirect.gather [hbm4b:s4+s21], $0x20, s0, s21, $0xb8;
	[tilespmem:$0x9900] =	vst v63  }
0x56: {  	_ =	swait.ge [sflag:s30], $0x200  }
0x57: {  	[sflag:s30] =	ssyncset.done $0x0  }
0x58: {  	[sflag:s30] =	ssyncadd.s32 $0xFFFFFE00  }
0x59: {  	_ =	swait.ge [sflag:s30], $0x200  }
0x5a: {  	[sflag:s30] =	ssyncset.done $0x0  }
0x5b: {  	[sflag:s30] =	ssyncadd.s32 $0xFFFFFE00  }
0x5c: {  	_ =	swait.ge [sflag:s30], $0x2800  }
0x5d: {  	[sflag:s30] =	ssyncset.done $0x0  }
0x5e: {  	s10 =	simm.s32 $0x2C10;
	[sflag:s30] =	ssyncadd.s32 $0xFFFFD800  }
0x5f: {  	s12 =	simm.s32 $0x2E10;
	v0 =	vld [tilespmem:s10+$0xFFFFFFF0]  }
0x60: {  	v1 =	vld [tilespmem:s12+$0x0]  }
0x61: {  	v2 =	vld [tilespmem:s12+$0xFFFFFFF0]  }
0x62: {  	v3 =	vld [tilespmem:s10+$0x0];
	_ =	sdelay $0x4  }
0x63: {  	v2 =	vmul.f32 v2, v0;
	v1 =	vmul.f32 v1, v3  }
0x64: {  	s13 =	sand.u32 $0x200, s15  }
0x65: {  	s19 =	sand.u32 $0x70, s15;
	s0 =	sshrl.u32 s13, $0x2;
	v1 =	vadd.f32 v1, v2  }
0x66: {  	s0 =	sor.u32 s19, s0  }
0x67: {  	s19 =	simm.s32 $0x3140;
	[tilespmem:s0+$0x8400] =	vst v1  }
0x68: {  	v2 =	vld [tilespmem:s19+$0xFFFFFED0]  }
0x69: {  	v4 =	vld [tilespmem:s19+$0xFFFFFEC0];
	_ =	sdelay $0x2  }
0x6a: {  	v1 =	vsub.f32 $0.0e+00, v0;
	v0 =	vsub.f32 $0.0e+00, v3  }
0x6b: {  	s20 =	simm.s32 $0x0  }
0x6c: {  	s0 =	sand.u32 $0x7E00, s20;
	v2 =	vmul.f32 v2, v0;
	v3 =	vmul.f32 v4, v1  }
0x6d: {  	s22 =	sshrl.u32 s0, $0x2  }
0x6e: {  	s0 =	sand.u32 $0x40, s15;
	s6 =	sadd.s32 $0x8500, s22;
	v2 =	vadd.f32 v2, v3  }
0x6f: {  	s23 =	sor.u32 s0, s6  }
0x70: {  	[tilespmem:s23+$0x0] =	vst v2  }
0x71: {  	v2 =	vld [tilespmem:s19+$0xFFFFFEE0]  }
0x72: {  	v3 =	vld [tilespmem:s19+$0xFFFFFEF0];
	_ =	sdelay $0x4  }
0x73: {  	v2 =	vmul.f32 v2, v1;
	v3 =	vmul.f32 v3, v0  }
0x74: {  	s24 =	simm.s32 $0x10  }
0x75: {  	s7 =	sand.u32 $0x50, s24;
	v2 =	vadd.f32 v3, v2  }
0x76: {  	s7 =	sor.u32 s7, s6  }
0x77: {  	[tilespmem:s7+$0x0] =	vst v2  }
0x78: {  	v2 =	vld [tilespmem:s19+$0xFFFFFF00]  }
0x79: {  	v3 =	vld [tilespmem:s19+$0xFFFFFF10];
	_ =	sdelay $0x4  }
0x7a: {  	v2 =	vmul.f32 v2, v1;
	v3 =	vmul.f32 v3, v0  }
0x7b: {  	s25 =	simm.s32 $0x20  }
0x7c: {  	s7 =	sand.u32 $0x60, s25;
	v2 =	vadd.f32 v3, v2  }
0x7d: {  	s7 =	sor.u32 s7, s6  }
0x7e: {  	[tilespmem:s7+$0x0] =	vst v2  }
0x7f: {  	v2 =	vld [tilespmem:s19+$0xFFFFFF20]  }
0x80: {  	v3 =	vld [tilespmem:s19+$0xFFFFFF30];
	_ =	sdelay $0x4  }
0x81: {  	v2 =	vmul.f32 v2, v1;
	v3 =	vmul.f32 v3, v0  }
0x82: {  	s26 =	simm.s32 $0x30  }
0x83: {  	s7 =	sand.u32 $0x70, s26;
	v2 =	vadd.f32 v3, v2  }
0x84: {  	s6 =	sor.u32 s7, s6  }
0x85: {  	[tilespmem:s6+$0x0] =	vst v2  }
0x86: {  	v2 =	vld [tilespmem:s19+$0xFFFFFF40]  }
0x87: {  	v3 =	vld [tilespmem:s19+$0xFFFFFF50];
	_ =	sdelay $0x4  }
0x88: {  	s7 =	simm.s32 $0x100;
	v2 =	vmul.f32 v2, v1;
	v3 =	vmul.f32 v3, v0  }
0x89: {  	s8 =	simm.s32 $0x40;
	s6 =	sand.u32 $0xFE00, s7  }
0x8a: {  	s7 =	sand.u32 $0x40, s8;
	s6 =	sshrl.u32 s6, $0x2;
	v2 =	vadd.f32 v3, v2  }
0x8b: {  	s6 =	sor.u32 s7, s6  }
0x8c: {  	[tilespmem:s6+$0x8500] =	vst v2  }
0x8d: {  	v2 =	vld [tilespmem:s19+$0xFFFFFF60]  }
0x8e: {  	v3 =	vld [tilespmem:s19+$0xFFFFFF70];
	_ =	sdelay $0x4  }
0x8f: {  	s10 =	simm.s32 $0x140;
	v2 =	vmul.f32 v2, v1;
	v3 =	vmul.f32 v3, v0  }
0x90: {  	s12 =	simm.s32 $0x50;
	s6 =	sand.u32 $0xFE00, s10  }
0x91: {  	s7 =	sand.u32 $0x50, s12;
	s6 =	sshrl.u32 s6, $0x2;
	v2 =	vadd.f32 v3, v2  }
0x92: {  	s6 =	sor.u32 s7, s6  }
0x93: {  	[tilespmem:s6+$0x8500] =	vst v2  }
0x94: {  	v2 =	vld [tilespmem:s19+$0xFFFFFF80]  }
0x95: {  	v3 =	vld [tilespmem:s19+$0xFFFFFF90];
	_ =	sdelay $0x4  }
0x96: {  	s13 =	simm.s32 $0x180;
	v2 =	vmul.f32 v2, v1;
	v3 =	vmul.f32 v3, v0  }
0x97: {  	s20 =	simm.s32 $0x60;
	s6 =	sand.u32 $0xFE00, s13  }
0x98: {  	s7 =	sand.u32 $0x60, s20;
	s6 =	sshrl.u32 s6, $0x2;
	v2 =	vadd.f32 v3, v2  }
0x99: {  	s6 =	sor.u32 s7, s6  }
0x9a: {  	[tilespmem:s6+$0x8500] =	vst v2  }
0x9b: {  	v2 =	vld [tilespmem:s19+$0xFFFFFFA0]  }
0x9c: {  	v3 =	vld [tilespmem:s19+$0xFFFFFFB0];
	_ =	sdelay $0x4  }
0x9d: {  	s22 =	simm.s32 $0x1C0;
	v2 =	vmul.f32 v2, v1;
	v3 =	vmul.f32 v3, v0  }
0x9e: {  	s23 =	simm.s32 $0x70;
	s6 =	sand.u32 $0xFE00, s22  }
0x9f: {  	s7 =	sand.u32 $0x70, s23;
	s6 =	sshrl.u32 s6, $0x2;
	v2 =	vadd.f32 v3, v2  }
0xa0: {  	s6 =	sor.u32 s7, s6  }
0xa1: {  	[tilespmem:s6+$0x8500] =	vst v2  }
0xa2: {  	v2 =	vld [tilespmem:s19+$0xFFFFFFC0]  }
0xa3: {  	v3 =	vld [tilespmem:s19+$0xFFFFFFD0];
	_ =	sdelay $0x4  }
0xa4: {  	s24 =	simm.s32 $0x200;
	v2 =	vmul.f32 v2, v1;
	v3 =	vmul.f32 v3, v0  }
0xa5: {  	s6 =	sand.u32 $0xFE00, s24  }
0xa6: {  	s6 =	sshrl.u32 s6, $0x2;
	v2 =	vadd.f32 v3, v2  }
0xa7: {  	s6 =	sor.u32 s0, s6  }
0xa8: {  	[tilespmem:s6+$0x8500] =	vst v2  }
0xa9: {  	v2 =	vld [tilespmem:s19+$0xFFFFFFE0]  }
0xaa: {  	v3 =	vld [tilespmem:s19+$0xFFFFFFF0];
	_ =	sdelay $0x4  }
0xab: {  	s25 =	simm.s32 $0x240;
	v2 =	vmul.f32 v2, v1;
	v3 =	vmul.f32 v3, v0  }
0xac: {  	s26 =	simm.s32 $0x90;
	s6 =	sand.u32 $0xFE00, s25  }
0xad: {  	s7 =	sand.u32 $0x50, s26;
	s6 =	sshrl.u32 s6, $0x2;
	v2 =	vadd.f32 v3, v2  }
0xae: {  	s6 =	sor.u32 s7, s6  }
0xaf: {  	[tilespmem:s6+$0x8500] =	vst v2  }
0xb0: {  	v2 =	vld [tilespmem:s19+$0x0]  }
0xb1: {  	v3 =	vld [tilespmem:s19+$0x10];
	_ =	sdelay $0x4  }
0xb2: {  	s8 =	simm.s32 $0x280;
	v2 =	vmul.f32 v2, v1;
	v3 =	vmul.f32 v3, v0  }
0xb3: {  	s10 =	simm.s32 $0xA0;
	s6 =	sand.u32 $0xFE00, s8  }
0xb4: {  	s7 =	sand.u32 $0x60, s10;
	s6 =	sshrl.u32 s6, $0x2;
	v2 =	vadd.f32 v3, v2  }
0xb5: {  	s6 =	sor.u32 s7, s6  }
0xb6: {  	[tilespmem:s6+$0x8500] =	vst v2  }
0xb7: {  	v2 =	vld [tilespmem:s19+$0x20]  }
0xb8: {  	v3 =	vld [tilespmem:s19+$0x30];
	_ =	sdelay $0x4  }
0xb9: {  	s12 =	simm.s32 $0x2C0;
	v2 =	vmul.f32 v2, v1;
	v3 =	vmul.f32 v3, v0  }
0xba: {  	s13 =	simm.s32 $0xB0;
	s6 =	sand.u32 $0xFE00, s12  }
0xbb: {  	s7 =	sand.u32 $0x70, s13;
	s6 =	sshrl.u32 s6, $0x2;
	v2 =	vadd.f32 v3, v2  }
0xbc: {  	s6 =	sor.u32 s7, s6  }
0xbd: {  	[tilespmem:s6+$0x8500] =	vst v2  }
0xbe: {  	v2 =	vld [tilespmem:s19+$0x40]  }
0xbf: {  	v3 =	vld [tilespmem:s19+$0x50];
	_ =	sdelay $0x4  }
0xc0: {  	s20 =	simm.s32 $0x300;
	v2 =	vmul.f32 v2, v1;
	v3 =	vmul.f32 v3, v0  }
0xc1: {  	s22 =	simm.s32 $0xC0;
	s6 =	sand.u32 $0xFE00, s20  }
0xc2: {  	s7 =	sand.u32 $0x40, s22;
	s6 =	sshrl.u32 s6, $0x2;
	v2 =	vadd.f32 v3, v2  }
0xc3: {  	s6 =	sor.u32 s7, s6  }
0xc4: {  	[tilespmem:s6+$0x8500] =	vst v2  }
0xc5: {  	v2 =	vld [tilespmem:s19+$0x60]  }
0xc6: {  	v3 =	vld [tilespmem:s19+$0x70];
	_ =	sdelay $0x4  }
0xc7: {  	s23 =	simm.s32 $0x340;
	v2 =	vmul.f32 v2, v1;
	v3 =	vmul.f32 v3, v0  }
0xc8: {  	s24 =	simm.s32 $0xD0;
	s6 =	sand.u32 $0xFE00, s23  }
0xc9: {  	s7 =	sand.u32 $0x50, s24;
	s6 =	sshrl.u32 s6, $0x2;
	v2 =	vadd.f32 v3, v2  }
0xca: {  	s6 =	sor.u32 s7, s6  }
0xcb: {  	[tilespmem:s6+$0x8500] =	vst v2  }
0xcc: {  	v2 =	vld [tilespmem:s19+$0x80]  }
0xcd: {  	v3 =	vld [tilespmem:s19+$0x90];
	_ =	sdelay $0x4  }
0xce: {  	s25 =	simm.s32 $0x380;
	v2 =	vmul.f32 v2, v1;
	v3 =	vmul.f32 v3, v0  }
0xcf: {  	s26 =	simm.s32 $0xE0;
	s6 =	sand.u32 $0xFE00, s25  }
0xd0: {  	s7 =	sand.u32 $0x60, s26;
	s6 =	sshrl.u32 s6, $0x2;
	v2 =	vadd.f32 v3, v2  }
0xd1: {  	s6 =	sor.u32 s7, s6  }
0xd2: {  	[tilespmem:s6+$0x8500] =	vst v2  }
0xd3: {  	v2 =	vld [tilespmem:s19+$0xA0]  }
0xd4: {  	v3 =	vld [tilespmem:s19+$0xB0];
	_ =	sdelay $0x4  }
0xd5: {  	s7 =	simm.s32 $0x3C0;
	v2 =	vmul.f32 v2, v1;
	v3 =	vmul.f32 v3, v0  }
0xd6: {  	s8 =	simm.s32 $0xF0;
	s6 =	sand.u32 $0xFE00, s7  }
0xd7: {  	s7 =	sand.u32 $0x70, s8;
	s6 =	sshrl.u32 s6, $0x2;
	v2 =	vadd.f32 v3, v2  }
0xd8: {  	s6 =	sor.u32 s7, s6  }
0xd9: {  	[tilespmem:s6+$0x8500] =	vst v2  }
0xda: {  	v2 =	vld [tilespmem:s19+$0xC0]  }
0xdb: {  	v3 =	vld [tilespmem:s19+$0xD0];
	_ =	sdelay $0x4  }
0xdc: {  	s10 =	simm.s32 $0x400;
	v2 =	vmul.f32 v2, v1;
	v3 =	vmul.f32 v3, v0  }
0xdd: {  	s6 =	sand.u32 $0xFE00, s10  }
0xde: {  	s6 =	sshrl.u32 s6, $0x2;
	v2 =	vadd.f32 v3, v2  }
0xdf: {  	s0 =	sor.u32 s0, s6  }
0xe0: {  	[tilespmem:s0+$0x8500] =	vst v2  }
0xe1: {  	v2 =	vld [tilespmem:s19+$0xE0]  }
0xe2: {  	v3 =	vld [tilespmem:s19+$0xF0];
	_ =	sdelay $0x1  }
0xe3: {  	s13 =	simm.s32 $0x440  }
0xe4: {  	s12 =	simm.s32 $0x4C0;
	s22 =	simm.s32 $0x130;
	s20 =	sshll.u32 s16, $0x1  }
0xe5: {  	s24 =	simm.s32 $0x110;
	s23 =	simm.s32 $0x9C0;
	s26 =	sand.u32 $0x70, s22  }
0xe6: {  	s25 =	simm.s32 $0x120;
	s8 =	simm.s32 $0x480;
	s6 =	sand.u32 $0xFE00, s13;
	v2 =	vmul.f32 v2, v1;
	v3 =	vmul.f32 v3, v0  }
0xe7: {  	s8 =	sand.u32 $0xFE00, s8;
	s7 =	sand.u32 $0x50, s24;
	s6 =	sshrl.u32 s6, $0x2  }
0xe8: {  	s8 =	sshrl.u32 s8, $0x2;
	s6 =	sor.u32 s7, s6;
	s7 =	sand.u32 $0x60, s25;
	v2 =	vadd.f32 v3, v2  }
0xe9: {  	s13 =	simm.s32 $0x2E30;
	s24 =	sor.u32 s7, s8;
	s0 =	sand.u32 $0xFE00, s12  }
0xea: {  	s7 =	simm.s32 $0x0;
	s8 =	simm.s32 $0x0;
	s0 =	sshrl.u32 s0, $0x2;
	[tilespmem:s6+$0x8500] =	vst v2  }
0xeb: {  	s12 =	simm.s32 $0x33C0;
	s0 =	sor.u32 s26, s0;
	s6 =	simm.s32 $0x2C30;
	v2 =	vld [tilespmem:s19+$0x100]  }
.LBB2_9:
0xec: {  	v3 =	vld [tilespmem:s19+$0x110];
	s7 =	sadd.s32 $0x40, s7;
	s22 =	sadd.s32 $0x140, s22;
	s8 =	sadd.s32 $0x10, s8  }
0xed: {  	p0 =	sne.s32 s23, $0x4FC0;
	s10 =	smov.u32 s23;
	s23 =	sadd.s32 $0x500, s23  }
0xee: {  	_ =	sdelay $0x1  }
0xef: {  	v2 =	vmul.f32 v2, v1  }
0xf0: {  	v3 =	vmul.f32 v3, v0;
	_ =	sdelay $0x1  }
0xf1: {  	v2 =	vadd.f32 v3, v2;
	_ =	sdelay $0x1  }
0xf2: {  	[tilespmem:s24+$0x8500] =	vst v2  }
0xf3: {  	v2 =	vld [tilespmem:s19+$0x120]  }
0xf4: {  	v3 =	vld [tilespmem:s19+$0x130];
	s19 =	smov.u32 s12;
	_ =	sdelay $0x3  }
0xf5: {  	v1 =	vmul.f32 v2, v1  }
0xf6: {  	v0 =	vmul.f32 v3, v0;
	_ =	sdelay $0x1  }
0xf7: {  	v0 =	vadd.f32 v0, v1;
	_ =	sdelay $0x1  }
0xf8: {  	[tilespmem:s0+$0x8500] =	vst v0  }
0xf9: {  	v0 =	vld [tilespmem:s6+$0xFFFFFFF0]  }
0xfa: {  	v1 =	vld [tilespmem:s13+$0x0]  }
0xfb: {  	v2 =	vld [tilespmem:s13+$0xFFFFFFF0]  }
0xfc: {  	v3 =	vld [tilespmem:s6+$0x0];
	_ =	sdelay $0x4  }
0xfd: {  	v2 =	vmul.f32 v2, v0;
	v1 =	vmul.f32 v1, v3  }
0xfe: {  	s0 =	sand.u32 $0x200, s7  }
0xff: {  	s24 =	sand.u32 $0x70, s8;
	s0 =	sshrl.u32 s0, $0x2;
	v1 =	vadd.f32 v1, v2  }
0x100: {  	s0 =	sor.u32 s24, s0  }
0x101: {  	[tilespmem:s0+$0x8400] =	vst v1  }
0x102: {  	v2 =	vld [tilespmem:s12+$0xFFFFFED0]  }
0x103: {  	v4 =	vld [tilespmem:s12+$0xFFFFFEC0];
	_ =	sdelay $0x1  }
0x104: {  	v1 =	vsub.f32 $0.0e+00, v0;
	v0 =	vsub.f32 $0.0e+00, v3  }
0x105: {  	s0 =	sadd.s32 $0xFFFFFB40, s10  }
0x106: {  	s0 =	sand.u32 $0x7E00, s0;
	v2 =	vmul.f32 v2, v0  }
0x107: {  	s24 =	sshrl.u32 s0, $0x2;
	v3 =	vmul.f32 v4, v1  }
0x108: {  	s0 =	sand.u32 $0x40, s7;
	s24 =	sadd.s32 $0x8500, s24  }
0x109: {  	s25 =	sor.u32 s0, s24;
	v2 =	vadd.f32 v2, v3;
	_ =	sdelay $0x1  }
0x10a: {  	[tilespmem:s25+$0x0] =	vst v2  }
0x10b: {  	v2 =	vld [tilespmem:s12+$0xFFFFFEE0]  }
0x10c: {  	v3 =	vld [tilespmem:s12+$0xFFFFFEF0];
	_ =	sdelay $0x3  }
0x10d: {  	s25 =	sadd.s32 $0xFFFFFEE0, s22;
	v2 =	vmul.f32 v2, v1  }
0x10e: {  	s25 =	sand.u32 $0x50, s25;
	v3 =	vmul.f32 v3, v0  }
0x10f: {  	s25 =	sor.u32 s25, s24  }
0x110: {  	v2 =	vadd.f32 v3, v2;
	_ =	sdelay $0x1  }
0x111: {  	[tilespmem:s25+$0x0] =	vst v2  }
0x112: {  	v2 =	vld [tilespmem:s12+$0xFFFFFF00]  }
0x113: {  	v3 =	vld [tilespmem:s12+$0xFFFFFF10];
	_ =	sdelay $0x2  }
0x114: {  	s25 =	sadd.s32 $0xFFFFFEF0, s22  }
0x115: {  	s25 =	sand.u32 $0x60, s25;
	v2 =	vmul.f32 v2, v1  }
0x116: {  	s25 =	sor.u32 s25, s24;
	v3 =	vmul.f32 v3, v0;
	_ =	sdelay $0x1  }
0x117: {  	v2 =	vadd.f32 v3, v2;
	_ =	sdelay $0x1  }
0x118: {  	[tilespmem:s25+$0x0] =	vst v2  }
0x119: {  	v2 =	vld [tilespmem:s12+$0xFFFFFF20]  }
0x11a: {  	v3 =	vld [tilespmem:s12+$0xFFFFFF30];
	_ =	sdelay $0x1  }
0x11b: {  	s25 =	sadd.s32 $0xFFFFFF00, s22  }
0x11c: {  	s25 =	sand.u32 $0x70, s25  }
0x11d: {  	s24 =	sor.u32 s25, s24;
	v2 =	vmul.f32 v2, v1  }
0x11e: {  	v3 =	vmul.f32 v3, v0;
	_ =	sdelay $0x1  }
0x11f: {  	v2 =	vadd.f32 v3, v2;
	_ =	sdelay $0x1  }
0x120: {  	[tilespmem:s24+$0x0] =	vst v2  }
0x121: {  	v2 =	vld [tilespmem:s12+$0xFFFFFF40]  }
0x122: {  	s24 =	sadd.s32 $0xFFFFFC40, s10;
	v3 =	vld [tilespmem:s12+$0xFFFFFF50]  }
0x123: {  	s25 =	sadd.s32 $0xFFFFFF10, s22;
	s24 =	sand.u32 $0xFE00, s24  }
0x124: {  	s25 =	sand.u32 $0x40, s25;
	s24 =	sshrl.u32 s24, $0x2  }
0x125: {  	s24 =	sor.u32 s25, s24  }
0x126: {  	v2 =	vmul.f32 v2, v1  }
0x127: {  	v3 =	vmul.f32 v3, v0;
	_ =	sdelay $0x1  }
0x128: {  	v2 =	vadd.f32 v3, v2;
	_ =	sdelay $0x1  }
0x129: {  	[tilespmem:s24+$0x8500] =	vst v2  }
0x12a: {  	s24 =	sadd.s32 $0xFFFFFC80, s10;
	v2 =	vld [tilespmem:s12+$0xFFFFFF60]  }
0x12b: {  	s25 =	sadd.s32 $0xFFFFFF20, s22;
	s24 =	sand.u32 $0xFE00, s24;
	v3 =	vld [tilespmem:s12+$0xFFFFFF70]  }
0x12c: {  	s25 =	sand.u32 $0x50, s25;
	s24 =	sshrl.u32 s24, $0x2  }
0x12d: {  	s24 =	sor.u32 s25, s24;
	_ =	sdelay $0x1  }
0x12e: {  	v2 =	vmul.f32 v2, v1  }
0x12f: {  	v3 =	vmul.f32 v3, v0;
	_ =	sdelay $0x1  }
0x130: {  	v2 =	vadd.f32 v3, v2;
	_ =	sdelay $0x1  }
0x131: {  	[tilespmem:s24+$0x8500] =	vst v2;
	s24 =	sadd.s32 $0xFFFFFCC0, s10  }
0x132: {  	s25 =	sadd.s32 $0xFFFFFF30, s22;
	v2 =	vld [tilespmem:s12+$0xFFFFFF80];
	s24 =	sand.u32 $0xFE00, s24  }
0x133: {  	s25 =	sand.u32 $0x60, s25;
	v3 =	vld [tilespmem:s12+$0xFFFFFF90];
	s24 =	sshrl.u32 s24, $0x2  }
0x134: {  	s24 =	sor.u32 s25, s24;
	_ =	sdelay $0x2  }
0x135: {  	v2 =	vmul.f32 v2, v1  }
0x136: {  	v3 =	vmul.f32 v3, v0;
	_ =	sdelay $0x1  }
0x137: {  	v2 =	vadd.f32 v3, v2  }
0x138: {  	s25 =	sadd.s32 $0xFFFFFD00, s10  }
0x139: {  	s25 =	sand.u32 $0xFE00, s25;
	[tilespmem:s24+$0x8500] =	vst v2;
	s24 =	sadd.s32 $0xFFFFFF40, s22  }
0x13a: {  	s25 =	sshrl.u32 s25, $0x2;
	v2 =	vld [tilespmem:s12+$0xFFFFFFA0];
	s24 =	sand.u32 $0x70, s24  }
0x13b: {  	v3 =	vld [tilespmem:s12+$0xFFFFFFB0];
	s24 =	sor.u32 s24, s25;
	_ =	sdelay $0x3  }
0x13c: {  	v2 =	vmul.f32 v2, v1  }
0x13d: {  	v3 =	vmul.f32 v3, v0;
	_ =	sdelay $0x1  }
0x13e: {  	s25 =	sadd.s32 $0xFFFFFD40, s10;
	v2 =	vadd.f32 v3, v2  }
0x13f: {  	s25 =	sand.u32 $0xFE00, s25  }
0x140: {  	[tilespmem:s24+$0x8500] =	vst v2;
	s24 =	sshrl.u32 s25, $0x2  }
0x141: {  	v2 =	vld [tilespmem:s12+$0xFFFFFFC0];
	s24 =	sor.u32 s0, s24  }
0x142: {  	v3 =	vld [tilespmem:s12+$0xFFFFFFD0];
	_ =	sdelay $0x3  }
0x143: {  	v2 =	vmul.f32 v2, v1  }
0x144: {  	v3 =	vmul.f32 v3, v0  }
0x145: {  	s25 =	sadd.s32 $0xFFFFFD80, s10  }
0x146: {  	s26 =	sadd.s32 $0xFFFFFF60, s22;
	s25 =	sand.u32 $0xFE00, s25;
	v2 =	vadd.f32 v3, v2  }
0x147: {  	s26 =	sand.u32 $0x50, s26;
	s25 =	sshrl.u32 s25, $0x2  }
0x148: {  	[tilespmem:s24+$0x8500] =	vst v2;
	s24 =	sor.u32 s26, s25  }
0x149: {  	v2 =	vld [tilespmem:s12+$0xFFFFFFE0]  }
0x14a: {  	v3 =	vld [tilespmem:s12+$0xFFFFFFF0];
	_ =	sdelay $0x3  }
0x14b: {  	v2 =	vmul.f32 v2, v1  }
0x14c: {  	s25 =	sadd.s32 $0xFFFFFDC0, s10;
	v3 =	vmul.f32 v3, v0  }
0x14d: {  	s26 =	sadd.s32 $0xFFFFFF70, s22;
	s25 =	sand.u32 $0xFE00, s25  }
0x14e: {  	s26 =	sand.u32 $0x60, s26;
	s25 =	sshrl.u32 s25, $0x2;
	v2 =	vadd.f32 v3, v2  }
0x14f: {  	s25 =	sor.u32 s26, s25  }
0x150: {  	[tilespmem:s24+$0x8500] =	vst v2  }
0x151: {  	v2 =	vld [tilespmem:s12+$0x0]  }
0x152: {  	v3 =	vld [tilespmem:s12+$0x10];
	_ =	sdelay $0x3  }
0x153: {  	s24 =	sadd.s32 $0xFFFFFE00, s10;
	v2 =	vmul.f32 v2, v1  }
0x154: {  	s26 =	sadd.s32 $0xFFFFFF80, s22;
	s24 =	sand.u32 $0xFE00, s24;
	v3 =	vmul.f32 v3, v0  }
0x155: {  	s26 =	sand.u32 $0x70, s26;
	s24 =	sshrl.u32 s24, $0x2  }
0x156: {  	s24 =	sor.u32 s26, s24;
	v2 =	vadd.f32 v3, v2;
	_ =	sdelay $0x1  }
0x157: {  	[tilespmem:s25+$0x8500] =	vst v2  }
0x158: {  	v2 =	vld [tilespmem:s12+$0x20]  }
0x159: {  	v3 =	vld [tilespmem:s12+$0x30];
	_ =	sdelay $0x2  }
0x15a: {  	s25 =	sadd.s32 $0xFFFFFE40, s10  }
0x15b: {  	s26 =	sadd.s32 $0xFFFFFF90, s22;
	s25 =	sand.u32 $0xFE00, s25;
	v2 =	vmul.f32 v2, v1  }
0x15c: {  	s26 =	sand.u32 $0x40, s26;
	s25 =	sshrl.u32 s25, $0x2;
	v3 =	vmul.f32 v3, v0  }
0x15d: {  	s25 =	sor.u32 s26, s25  }
0x15e: {  	v2 =	vadd.f32 v3, v2;
	_ =	sdelay $0x1  }
0x15f: {  	[tilespmem:s24+$0x8500] =	vst v2  }
0x160: {  	v2 =	vld [tilespmem:s12+$0x40]  }
0x161: {  	v3 =	vld [tilespmem:s12+$0x50];
	_ =	sdelay $0x1  }
0x162: {  	s24 =	sadd.s32 $0xFFFFFE80, s10  }
0x163: {  	s26 =	sadd.s32 $0xFFFFFFA0, s22;
	s24 =	sand.u32 $0xFE00, s24  }
0x164: {  	s26 =	sand.u32 $0x50, s26;
	s24 =	sshrl.u32 s24, $0x2;
	v2 =	vmul.f32 v2, v1  }
0x165: {  	s24 =	sor.u32 s26, s24;
	v3 =	vmul.f32 v3, v0;
	_ =	sdelay $0x1  }
0x166: {  	v2 =	vadd.f32 v3, v2;
	_ =	sdelay $0x1  }
0x167: {  	[tilespmem:s25+$0x8500] =	vst v2  }
0x168: {  	v2 =	vld [tilespmem:s12+$0x60]  }
0x169: {  	v3 =	vld [tilespmem:s12+$0x70]  }
0x16a: {  	s25 =	sadd.s32 $0xFFFFFEC0, s10  }
0x16b: {  	s26 =	sadd.s32 $0xFFFFFFB0, s22;
	s25 =	sand.u32 $0xFE00, s25  }
0x16c: {  	s26 =	sand.u32 $0x60, s26;
	s25 =	sshrl.u32 s25, $0x2  }
0x16d: {  	s25 =	sor.u32 s26, s25;
	v2 =	vmul.f32 v2, v1  }
0x16e: {  	v3 =	vmul.f32 v3, v0;
	_ =	sdelay $0x1  }
0x16f: {  	v2 =	vadd.f32 v3, v2;
	_ =	sdelay $0x1  }
0x170: {  	[tilespmem:s24+$0x8500] =	vst v2  }
0x171: {  	v2 =	vld [tilespmem:s12+$0x80]  }
0x172: {  	s24 =	sadd.s32 $0xFFFFFF00, s10;
	v3 =	vld [tilespmem:s12+$0x90]  }
0x173: {  	s26 =	sadd.s32 $0xFFFFFFC0, s22;
	s24 =	sand.u32 $0xFE00, s24  }
0x174: {  	s26 =	sand.u32 $0x70, s26;
	s24 =	sshrl.u32 s24, $0x2  }
0x175: {  	s24 =	sor.u32 s26, s24  }
0x176: {  	v2 =	vmul.f32 v2, v1  }
0x177: {  	v3 =	vmul.f32 v3, v0;
	_ =	sdelay $0x1  }
0x178: {  	v2 =	vadd.f32 v3, v2;
	_ =	sdelay $0x1  }
0x179: {  	[tilespmem:s25+$0x8500] =	vst v2  }
0x17a: {  	s25 =	sadd.s32 $0xFFFFFF40, s10;
	v2 =	vld [tilespmem:s12+$0xA0]  }
0x17b: {  	s25 =	sand.u32 $0xFE00, s25;
	v3 =	vld [tilespmem:s12+$0xB0]  }
0x17c: {  	s25 =	sshrl.u32 s25, $0x2  }
0x17d: {  	s0 =	sor.u32 s0, s25;
	_ =	sdelay $0x1  }
0x17e: {  	v2 =	vmul.f32 v2, v1  }
0x17f: {  	v3 =	vmul.f32 v3, v0;
	_ =	sdelay $0x1  }
0x180: {  	v2 =	vadd.f32 v3, v2;
	_ =	sdelay $0x1  }
0x181: {  	[tilespmem:s24+$0x8500] =	vst v2;
	s24 =	sadd.s32 $0xFFFFFF80, s10  }
0x182: {  	s25 =	sadd.s32 $0xFFFFFFE0, s22;
	v2 =	vld [tilespmem:s12+$0xC0];
	s24 =	sand.u32 $0xFE00, s24  }
0x183: {  	s25 =	sand.u32 $0x50, s25;
	v3 =	vld [tilespmem:s12+$0xD0];
	s24 =	sshrl.u32 s24, $0x2  }
0x184: {  	s25 =	sor.u32 s25, s24;
	_ =	sdelay $0x2  }
0x185: {  	v2 =	vmul.f32 v2, v1  }
0x186: {  	v3 =	vmul.f32 v3, v0;
	_ =	sdelay $0x1  }
0x187: {  	v2 =	vadd.f32 v3, v2  }
0x188: {  	s24 =	sadd.s32 $0xFFFFFFC0, s10  }
0x189: {  	s24 =	sand.u32 $0xFE00, s24;
	[tilespmem:s0+$0x8500] =	vst v2;
	s0 =	sadd.s32 $0xFFFFFFF0, s22  }
0x18a: {  	s24 =	sshrl.u32 s24, $0x2;
	v2 =	vld [tilespmem:s12+$0xE0];
	s0 =	sand.u32 $0x60, s0  }
0x18b: {  	v3 =	vld [tilespmem:s12+$0xF0];
	s24 =	sor.u32 s0, s24;
	_ =	sdelay $0x3  }
0x18c: {  	v2 =	vmul.f32 v2, v1  }
0x18d: {  	v3 =	vmul.f32 v3, v0  }
.Ltmp3:
0x18e: {  	(pc) =	sbr.rel @p0 .LBB2_9-.Ltmp3, $4  }
0x18f: {  	v2 =	vadd.f32 v3, v2  }
0x190: {  	s0 =	sand.u32 $0xFE00, s10  }
0x191: {  	s10 =	sand.u32 $0x70, s22;
	s12 =	sadd.s32 $0x280, s12;
	s0 =	sshrl.u32 s0, $0x2;
	[tilespmem:s25+$0x8500] =	vst v2  }
0x192: {  	s13 =	sadd.s32 $0x20, s13;
	s6 =	sadd.s32 $0x20, s6;
	s0 =	sor.u32 s10, s0;
	v2 =	vld [tilespmem:s19+$0x100]  }
0x193: {  	v3 =	vld [tilespmem:s19+$0x110];
	_ =	sdelay $0x4  }
0x194: {  	v2 =	vmul.f32 v2, v1;
	v3 =	vmul.f32 v3, v0;
	_ =	sdelay $0x1  }
0x195: {  	v2 =	vadd.f32 v3, v2;
	_ =	sdelay $0x1  }
0x196: {  	[tilespmem:s24+$0x8500] =	vst v2  }
0x197: {  	v2 =	vld [tilespmem:s19+$0x120]  }
0x198: {  	v3 =	vld [tilespmem:s19+$0x130];
	_ =	sdelay $0x4  }
0x199: {  	v1 =	vmul.f32 v2, v1;
	v0 =	vmul.f32 v3, v0  }
0x19a: {  	s6 =	sadd.s32 s9, s20  }
0x19b: {  	s6 =	smul.u32 $0x2A0, s6;
	v0 =	vadd.f32 v0, v1;
	_ =	sdelay $0x1  }
0x19c: {  	p0 =	seq.s32 s16, $0xF;
	s24 =	sadd.s32 s5, s6;
	[tilespmem:s0+$0x8500] =	vst v0  }
0x19d: {  	[hbm4b:s24+s2] =	stream.linear.scatter [tilespmem:s31], [sflag:$0x3], $0x1500, $0x38;
	[tilespmem:$0x9900] =	vst v63  }
0x19e: {  	s7 =	simm.s32 @!p0 $0x10;
	_ =	swait.ge [sflag:s11], $0x1500  }
0x19f: {  	s8 =	simm.s32 @!p0 $0x2C00;
	s0 =	sadd.s32 @!p0 $0x2, s20;
	[sflag:s11] =	ssyncset.done $0x0  }
0x1a0: {  	s6 =	sshll.u32 @!p0 s0, $0x4;
	s0 =	smul.u32 @!p0 $0x500, s0;
	[sflag:s11] =	ssyncadd.s32 $0xFFFFEB00  }
0x1a1: {  	[tilespmem:s8], [sflag:$0x1] =	stream.indirect.gather @!p0 [hbm4b:s3+s7], $0x20, s6, s7, $0xb8;
	[tilespmem:$0x9900] =	vst v63  }
0x1a2: {  	s0 =	sshra.s32 @!p0 s0, $0x2;
	s6 =	sadd.s32 @!p0 $0x200, s6;
	s8 =	simm.s32 @!p0 $0x2E00  }
0x1a3: {  	[tilespmem:s8], [sflag:$0x1] =	stream.indirect.gather @!p0 [hbm4b:s4+s7], $0x20, s6, s7, $0xb8;
	[tilespmem:$0x9900] =	vst v63  }
0x1a4: {  	s6 =	sadd.s32 @!p0 $0x400, s0;
	s7 =	simm.s32 @!p0 $0x80;
	s8 =	simm.s32 @!p0 $0x3000  }
0x1a5: {  	[tilespmem:s8], [sflag:$0x1] =	stream.indirect.gather @!p0 [hbm4b:s4+s7], $0x20, s6, s7, $0xb8;
	[tilespmem:$0x9900] =	vst v63  }
0x1a6: {  	s6 =	sadd.s32 @!p0 $0x480, s0;
	s8 =	simm.s32 @!p0 $0x4000  }
0x1a7: {  	[tilespmem:s8], [sflag:$0x1] =	stream.indirect.gather @!p0 [hbm4b:s4+s7], $0x20, s6, s7, $0xb8;
	[tilespmem:$0x9900] =	vst v63  }
0x1a8: {  	s0 =	sadd.s32 @!p0 $0x500, s0;
	s6 =	simm.s32 @!p0 $0x40;
	s7 =	simm.s32 @!p0 $0x5000  }
0x1a9: {  	[tilespmem:s7], [sflag:$0x1] =	stream.indirect.gather @!p0 [hbm4b:s4+s6], $0x20, s0, s6, $0xb8;
	[tilespmem:$0x9900] =	vst v63  }
0x1aa: {  	_ =	swait.ge [sflag:s1], $0x200  }
0x1ab: {  	[sflag:s1] =	ssyncset.done $0x0  }
0x1ac: {  	[sflag:s1] =	ssyncadd.s32 $0xFFFFFE00  }
0x1ad: {  	_ =	swait.ge [sflag:s1], $0x200  }
0x1ae: {  	[sflag:s1] =	ssyncset.done $0x0  }
0x1af: {  	[sflag:s1] =	ssyncadd.s32 $0xFFFFFE00  }
0x1b0: {  	_ =	swait.ge [sflag:s1], $0x2800  }
0x1b1: {  	[sflag:s1] =	ssyncset.done $0x0  }
0x1b2: {  	s25 =	simm.s32 $0x5810;
	[sflag:s1] =	ssyncadd.s32 $0xFFFFD800  }
0x1b3: {  	s26 =	simm.s32 $0x5A10;
	v0 =	vld [tilespmem:s25+$0xFFFFFFF0]  }
0x1b4: {  	v1 =	vld [tilespmem:s26+$0x0]  }
0x1b5: {  	v2 =	vld [tilespmem:s26+$0xFFFFFFF0]  }
0x1b6: {  	v3 =	vld [tilespmem:s25+$0x0];
	_ =	sdelay $0x4  }
0x1b7: {  	s19 =	simm.s32 $0x0;
	v2 =	vmul.f32 v2, v0;
	v1 =	vmul.f32 v1, v3  }
0x1b8: {  	s7 =	sand.u32 $0x200, s19  }
0x1b9: {  	s8 =	sand.u32 $0x70, s19;
	s0 =	sshrl.u32 s7, $0x2;
	v1 =	vadd.f32 v1, v2  }
0x1ba: {  	s0 =	sor.u32 s8, s0  }
0x1bb: {  	s20 =	simm.s32 $0x5D40;
	[tilespmem:s0+$0x8400] =	vst v1  }
0x1bc: {  	v2 =	vld [tilespmem:s20+$0xFFFFFED0]  }
0x1bd: {  	v4 =	vld [tilespmem:s20+$0xFFFFFEC0];
	_ =	sdelay $0x2  }
0x1be: {  	v1 =	vsub.f32 $0.0e+00, v0;
	v0 =	vsub.f32 $0.0e+00, v3  }
0x1bf: {  	s10 =	simm.s32 $0x0  }
0x1c0: {  	s0 =	sand.u32 $0x7E00, s10;
	v2 =	vmul.f32 v2, v0;
	v3 =	vmul.f32 v4, v1  }
0x1c1: {  	s12 =	sshrl.u32 s0, $0x2  }
0x1c2: {  	s0 =	sand.u32 $0x40, s19;
	s6 =	sadd.s32 $0x8500, s12;
	v2 =	vadd.f32 v2, v3  }
0x1c3: {  	s13 =	sor.u32 s0, s6  }
0x1c4: {  	[tilespmem:s13+$0x0] =	vst v2  }
0x1c5: {  	v2 =	vld [tilespmem:s20+$0xFFFFFEE0]  }
0x1c6: {  	v3 =	vld [tilespmem:s20+$0xFFFFFEF0];
	_ =	sdelay $0x4  }
0x1c7: {  	v2 =	vmul.f32 v2, v1;
	v3 =	vmul.f32 v3, v0  }
0x1c8: {  	s22 =	simm.s32 $0x10  }
0x1c9: {  	s7 =	sand.u32 $0x50, s22;
	v2 =	vadd.f32 v3, v2  }
0x1ca: {  	s7 =	sor.u32 s7, s6  }
0x1cb: {  	[tilespmem:s7+$0x0] =	vst v2  }
0x1cc: {  	v2 =	vld [tilespmem:s20+$0xFFFFFF00]  }
0x1cd: {  	v3 =	vld [tilespmem:s20+$0xFFFFFF10];
	_ =	sdelay $0x4  }
0x1ce: {  	v2 =	vmul.f32 v2, v1;
	v3 =	vmul.f32 v3, v0  }
0x1cf: {  	s23 =	simm.s32 $0x20  }
0x1d0: {  	s7 =	sand.u32 $0x60, s23;
	v2 =	vadd.f32 v3, v2  }
0x1d1: {  	s7 =	sor.u32 s7, s6  }
0x1d2: {  	[tilespmem:s7+$0x0] =	vst v2  }
0x1d3: {  	v2 =	vld [tilespmem:s20+$0xFFFFFF20]  }
0x1d4: {  	v3 =	vld [tilespmem:s20+$0xFFFFFF30];
	_ =	sdelay $0x4  }
0x1d5: {  	v2 =	vmul.f32 v2, v1;
	v3 =	vmul.f32 v3, v0  }
0x1d6: {  	s24 =	simm.s32 $0x30  }
0x1d7: {  	s7 =	sand.u32 $0x70, s24;
	v2 =	vadd.f32 v3, v2  }
0x1d8: {  	s6 =	sor.u32 s7, s6  }
0x1d9: {  	[tilespmem:s6+$0x0] =	vst v2  }
0x1da: {  	v2 =	vld [tilespmem:s20+$0xFFFFFF40]  }
0x1db: {  	v3 =	vld [tilespmem:s20+$0xFFFFFF50];
	_ =	sdelay $0x4  }
0x1dc: {  	s25 =	simm.s32 $0x100;
	v2 =	vmul.f32 v2, v1;
	v3 =	vmul.f32 v3, v0  }
0x1dd: {  	s26 =	simm.s32 $0x40;
	s6 =	sand.u32 $0xFE00, s25  }
0x1de: {  	s7 =	sand.u32 $0x40, s26;
	s6 =	sshrl.u32 s6, $0x2;
	v2 =	vadd.f32 v3, v2  }
0x1df: {  	s6 =	sor.u32 s7, s6  }
0x1e0: {  	[tilespmem:s6+$0x8500] =	vst v2  }
0x1e1: {  	v2 =	vld [tilespmem:s20+$0xFFFFFF60]  }
0x1e2: {  	v3 =	vld [tilespmem:s20+$0xFFFFFF70];
	_ =	sdelay $0x4  }
0x1e3: {  	s8 =	simm.s32 $0x140;
	v2 =	vmul.f32 v2, v1;
	v3 =	vmul.f32 v3, v0  }
0x1e4: {  	s10 =	simm.s32 $0x50;
	s6 =	sand.u32 $0xFE00, s8  }
0x1e5: {  	s7 =	sand.u32 $0x50, s10;
	s6 =	sshrl.u32 s6, $0x2;
	v2 =	vadd.f32 v3, v2  }
0x1e6: {  	s6 =	sor.u32 s7, s6  }
0x1e7: {  	[tilespmem:s6+$0x8500] =	vst v2  }
0x1e8: {  	v2 =	vld [tilespmem:s20+$0xFFFFFF80]  }
0x1e9: {  	v3 =	vld [tilespmem:s20+$0xFFFFFF90];
	_ =	sdelay $0x4  }
0x1ea: {  	s12 =	simm.s32 $0x180;
	v2 =	vmul.f32 v2, v1;
	v3 =	vmul.f32 v3, v0  }
0x1eb: {  	s13 =	simm.s32 $0x60;
	s6 =	sand.u32 $0xFE00, s12  }
0x1ec: {  	s7 =	sand.u32 $0x60, s13;
	s6 =	sshrl.u32 s6, $0x2;
	v2 =	vadd.f32 v3, v2  }
0x1ed: {  	s6 =	sor.u32 s7, s6  }
0x1ee: {  	[tilespmem:s6+$0x8500] =	vst v2  }
0x1ef: {  	v2 =	vld [tilespmem:s20+$0xFFFFFFA0]  }
0x1f0: {  	v3 =	vld [tilespmem:s20+$0xFFFFFFB0];
	_ =	sdelay $0x4  }
0x1f1: {  	s22 =	simm.s32 $0x1C0;
	v2 =	vmul.f32 v2, v1;
	v3 =	vmul.f32 v3, v0  }
0x1f2: {  	s23 =	simm.s32 $0x70;
	s6 =	sand.u32 $0xFE00, s22  }
0x1f3: {  	s7 =	sand.u32 $0x70, s23;
	s6 =	sshrl.u32 s6, $0x2;
	v2 =	vadd.f32 v3, v2  }
0x1f4: {  	s6 =	sor.u32 s7, s6  }
0x1f5: {  	[tilespmem:s6+$0x8500] =	vst v2  }
0x1f6: {  	v2 =	vld [tilespmem:s20+$0xFFFFFFC0]  }
0x1f7: {  	v3 =	vld [tilespmem:s20+$0xFFFFFFD0];
	_ =	sdelay $0x4  }
0x1f8: {  	s24 =	simm.s32 $0x200;
	v2 =	vmul.f32 v2, v1;
	v3 =	vmul.f32 v3, v0  }
0x1f9: {  	s6 =	sand.u32 $0xFE00, s24  }
0x1fa: {  	s6 =	sshrl.u32 s6, $0x2;
	v2 =	vadd.f32 v3, v2  }
0x1fb: {  	s6 =	sor.u32 s0, s6  }
0x1fc: {  	[tilespmem:s6+$0x8500] =	vst v2  }
0x1fd: {  	v2 =	vld [tilespmem:s20+$0xFFFFFFE0]  }
0x1fe: {  	v3 =	vld [tilespmem:s20+$0xFFFFFFF0];
	_ =	sdelay $0x4  }
0x1ff: {  	s25 =	simm.s32 $0x240;
	v2 =	vmul.f32 v2, v1;
	v3 =	vmul.f32 v3, v0  }
0x200: {  	s26 =	simm.s32 $0x90;
	s6 =	sand.u32 $0xFE00, s25  }
0x201: {  	s7 =	sand.u32 $0x50, s26;
	s6 =	sshrl.u32 s6, $0x2;
	v2 =	vadd.f32 v3, v2  }
0x202: {  	s6 =	sor.u32 s7, s6  }
0x203: {  	[tilespmem:s6+$0x8500] =	vst v2  }
0x204: {  	v2 =	vld [tilespmem:s20+$0x0]  }
0x205: {  	v3 =	vld [tilespmem:s20+$0x10];
	_ =	sdelay $0x4  }
0x206: {  	s7 =	simm.s32 $0x280;
	v2 =	vmul.f32 v2, v1;
	v3 =	vmul.f32 v3, v0  }
0x207: {  	s8 =	simm.s32 $0xA0;
	s6 =	sand.u32 $0xFE00, s7  }
0x208: {  	s7 =	sand.u32 $0x60, s8;
	s6 =	sshrl.u32 s6, $0x2;
	v2 =	vadd.f32 v3, v2  }
0x209: {  	s6 =	sor.u32 s7, s6  }
0x20a: {  	[tilespmem:s6+$0x8500] =	vst v2  }
0x20b: {  	v2 =	vld [tilespmem:s20+$0x20]  }
0x20c: {  	v3 =	vld [tilespmem:s20+$0x30];
	_ =	sdelay $0x4  }
0x20d: {  	s10 =	simm.s32 $0x2C0;
	v2 =	vmul.f32 v2, v1;
	v3 =	vmul.f32 v3, v0  }
0x20e: {  	s12 =	simm.s32 $0xB0;
	s6 =	sand.u32 $0xFE00, s10  }
0x20f: {  	s7 =	sand.u32 $0x70, s12;
	s6 =	sshrl.u32 s6, $0x2;
	v2 =	vadd.f32 v3, v2  }
0x210: {  	s6 =	sor.u32 s7, s6  }
0x211: {  	[tilespmem:s6+$0x8500] =	vst v2  }
0x212: {  	v2 =	vld [tilespmem:s20+$0x40]  }
0x213: {  	v3 =	vld [tilespmem:s20+$0x50];
	_ =	sdelay $0x4  }
0x214: {  	s13 =	simm.s32 $0x300;
	v2 =	vmul.f32 v2, v1;
	v3 =	vmul.f32 v3, v0  }
0x215: {  	s22 =	simm.s32 $0xC0;
	s6 =	sand.u32 $0xFE00, s13  }
0x216: {  	s7 =	sand.u32 $0x40, s22;
	s6 =	sshrl.u32 s6, $0x2;
	v2 =	vadd.f32 v3, v2  }
0x217: {  	s6 =	sor.u32 s7, s6  }
0x218: {  	[tilespmem:s6+$0x8500] =	vst v2  }
0x219: {  	v2 =	vld [tilespmem:s20+$0x60]  }
0x21a: {  	v3 =	vld [tilespmem:s20+$0x70];
	_ =	sdelay $0x4  }
0x21b: {  	s23 =	simm.s32 $0x340;
	v2 =	vmul.f32 v2, v1;
	v3 =	vmul.f32 v3, v0  }
0x21c: {  	s24 =	simm.s32 $0xD0;
	s6 =	sand.u32 $0xFE00, s23  }
0x21d: {  	s7 =	sand.u32 $0x50, s24;
	s6 =	sshrl.u32 s6, $0x2;
	v2 =	vadd.f32 v3, v2  }
0x21e: {  	s6 =	sor.u32 s7, s6  }
0x21f: {  	[tilespmem:s6+$0x8500] =	vst v2  }
0x220: {  	v2 =	vld [tilespmem:s20+$0x80]  }
0x221: {  	v3 =	vld [tilespmem:s20+$0x90];
	_ =	sdelay $0x4  }
0x222: {  	s25 =	simm.s32 $0x380;
	v2 =	vmul.f32 v2, v1;
	v3 =	vmul.f32 v3, v0  }
0x223: {  	s26 =	simm.s32 $0xE0;
	s6 =	sand.u32 $0xFE00, s25  }
0x224: {  	s7 =	sand.u32 $0x60, s26;
	s6 =	sshrl.u32 s6, $0x2;
	v2 =	vadd.f32 v3, v2  }
0x225: {  	s6 =	sor.u32 s7, s6  }
0x226: {  	[tilespmem:s6+$0x8500] =	vst v2  }
0x227: {  	v2 =	vld [tilespmem:s20+$0xA0]  }
0x228: {  	v3 =	vld [tilespmem:s20+$0xB0];
	_ =	sdelay $0x4  }
0x229: {  	s8 =	simm.s32 $0x3C0;
	v2 =	vmul.f32 v2, v1;
	v3 =	vmul.f32 v3, v0  }
0x22a: {  	s10 =	simm.s32 $0xF0;
	s6 =	sand.u32 $0xFE00, s8  }
0x22b: {  	s7 =	sand.u32 $0x70, s10;
	s6 =	sshrl.u32 s6, $0x2;
	v2 =	vadd.f32 v3, v2  }
0x22c: {  	s6 =	sor.u32 s7, s6  }
0x22d: {  	[tilespmem:s6+$0x8500] =	vst v2  }
0x22e: {  	v2 =	vld [tilespmem:s20+$0xC0]  }
0x22f: {  	v3 =	vld [tilespmem:s20+$0xD0];
	_ =	sdelay $0x4  }
0x230: {  	s12 =	simm.s32 $0x400;
	v2 =	vmul.f32 v2, v1;
	v3 =	vmul.f32 v3, v0  }
0x231: {  	s6 =	sand.u32 $0xFE00, s12  }
0x232: {  	s6 =	sshrl.u32 s6, $0x2;
	v2 =	vadd.f32 v3, v2  }
0x233: {  	s0 =	sor.u32 s0, s6  }
0x234: {  	[tilespmem:s0+$0x8500] =	vst v2  }
0x235: {  	v2 =	vld [tilespmem:s20+$0xE0]  }
0x236: {  	v3 =	vld [tilespmem:s20+$0xF0];
	_ =	sdelay $0x2  }
0x237: {  	s22 =	simm.s32 $0x130;
	s13 =	simm.s32 $0x4C0  }
0x238: {  	s24 =	simm.s32 $0x110;
	s23 =	simm.s32 $0x440;
	s26 =	simm.s32 $0x120  }
0x239: {  	s25 =	simm.s32 $0x480;
	s10 =	sand.u32 $0x70, s22;
	s6 =	sand.u32 $0xFE00, s23;
	v2 =	vmul.f32 v2, v1;
	v3 =	vmul.f32 v3, v0  }
0x23a: {  	s8 =	sand.u32 $0x60, s26;
	s7 =	sand.u32 $0x50, s24;
	s6 =	sshrl.u32 s6, $0x2  }
0x23b: {  	s12 =	simm.s32 $0x5FC0;
	s6 =	sor.u32 s7, s6;
	s7 =	sand.u32 $0xFE00, s25;
	v2 =	vadd.f32 v3, v2  }
0x23c: {  	s23 =	simm.s32 $0x9C0;
	s7 =	sshrl.u32 s7, $0x2;
	s0 =	sand.u32 $0xFE00, s13  }
0x23d: {  	s13 =	sor.u32 s8, s7;
	s7 =	simm.s32 $0x5830;
	s0 =	sshrl.u32 s0, $0x2;
	[tilespmem:s6+$0x8500] =	vst v2  }
0x23e: {  	s8 =	simm.s32 $0x0;
	s0 =	sor.u32 s10, s0;
	s6 =	simm.s32 $0x5A30;
	v2 =	vld [tilespmem:s20+$0x100]  }
.LBB2_11:
0x23f: {  	v3 =	vld [tilespmem:s20+$0x110];
	s19 =	sadd.s32 $0x40, s19;
	s22 =	sadd.s32 $0x140, s22;
	s8 =	sadd.s32 $0x10, s8  }
0x240: {  	p0 =	sne.s32 s23, $0x4FC0;
	s10 =	smov.u32 s23;
	s23 =	sadd.s32 $0x500, s23  }
0x241: {  	_ =	sdelay $0x1  }
0x242: {  	v2 =	vmul.f32 v2, v1  }
0x243: {  	v3 =	vmul.f32 v3, v0;
	_ =	sdelay $0x1  }
0x244: {  	v2 =	vadd.f32 v3, v2;
	_ =	sdelay $0x1  }
0x245: {  	[tilespmem:s13+$0x8500] =	vst v2  }
0x246: {  	v2 =	vld [tilespmem:s20+$0x120]  }
0x247: {  	v3 =	vld [tilespmem:s20+$0x130];
	s20 =	smov.u32 s12;
	_ =	sdelay $0x3  }
0x248: {  	v1 =	vmul.f32 v2, v1  }
0x249: {  	v0 =	vmul.f32 v3, v0;
	_ =	sdelay $0x1  }
0x24a: {  	v0 =	vadd.f32 v0, v1;
	_ =	sdelay $0x1  }
0x24b: {  	[tilespmem:s0+$0x8500] =	vst v0  }
0x24c: {  	v0 =	vld [tilespmem:s7+$0xFFFFFFF0]  }
0x24d: {  	v1 =	vld [tilespmem:s6+$0x0]  }
0x24e: {  	v2 =	vld [tilespmem:s6+$0xFFFFFFF0]  }
0x24f: {  	v3 =	vld [tilespmem:s7+$0x0];
	_ =	sdelay $0x4  }
0x250: {  	v2 =	vmul.f32 v2, v0;
	v1 =	vmul.f32 v1, v3  }
0x251: {  	s0 =	sand.u32 $0x200, s19  }
0x252: {  	s13 =	sand.u32 $0x70, s8;
	s0 =	sshrl.u32 s0, $0x2;
	v1 =	vadd.f32 v1, v2  }
0x253: {  	s0 =	sor.u32 s13, s0  }
0x254: {  	[tilespmem:s0+$0x8400] =	vst v1  }
0x255: {  	v2 =	vld [tilespmem:s12+$0xFFFFFED0]  }
0x256: {  	v4 =	vld [tilespmem:s12+$0xFFFFFEC0];
	_ =	sdelay $0x1  }
0x257: {  	v1 =	vsub.f32 $0.0e+00, v0;
	v0 =	vsub.f32 $0.0e+00, v3  }
0x258: {  	s0 =	sadd.s32 $0xFFFFFB40, s10  }
0x259: {  	s0 =	sand.u32 $0x7E00, s0;
	v2 =	vmul.f32 v2, v0  }
0x25a: {  	s13 =	sshrl.u32 s0, $0x2;
	v3 =	vmul.f32 v4, v1  }
0x25b: {  	s0 =	sand.u32 $0x40, s19;
	s13 =	sadd.s32 $0x8500, s13  }
0x25c: {  	s24 =	sor.u32 s0, s13;
	v2 =	vadd.f32 v2, v3;
	_ =	sdelay $0x1  }
0x25d: {  	[tilespmem:s24+$0x0] =	vst v2  }
0x25e: {  	v2 =	vld [tilespmem:s12+$0xFFFFFEE0]  }
0x25f: {  	v3 =	vld [tilespmem:s12+$0xFFFFFEF0];
	_ =	sdelay $0x3  }
0x260: {  	s24 =	sadd.s32 $0xFFFFFEE0, s22;
	v2 =	vmul.f32 v2, v1  }
0x261: {  	s24 =	sand.u32 $0x50, s24;
	v3 =	vmul.f32 v3, v0  }
0x262: {  	s24 =	sor.u32 s24, s13  }
0x263: {  	v2 =	vadd.f32 v3, v2;
	_ =	sdelay $0x1  }
0x264: {  	[tilespmem:s24+$0x0] =	vst v2  }
0x265: {  	v2 =	vld [tilespmem:s12+$0xFFFFFF00]  }
0x266: {  	v3 =	vld [tilespmem:s12+$0xFFFFFF10];
	_ =	sdelay $0x2  }
0x267: {  	s24 =	sadd.s32 $0xFFFFFEF0, s22  }
0x268: {  	s24 =	sand.u32 $0x60, s24;
	v2 =	vmul.f32 v2, v1  }
0x269: {  	s24 =	sor.u32 s24, s13;
	v3 =	vmul.f32 v3, v0;
	_ =	sdelay $0x1  }
0x26a: {  	v2 =	vadd.f32 v3, v2;
	_ =	sdelay $0x1  }
0x26b: {  	[tilespmem:s24+$0x0] =	vst v2  }
0x26c: {  	v2 =	vld [tilespmem:s12+$0xFFFFFF20]  }
0x26d: {  	v3 =	vld [tilespmem:s12+$0xFFFFFF30];
	_ =	sdelay $0x1  }
0x26e: {  	s24 =	sadd.s32 $0xFFFFFF00, s22  }
0x26f: {  	s24 =	sand.u32 $0x70, s24  }
0x270: {  	s13 =	sor.u32 s24, s13;
	v2 =	vmul.f32 v2, v1  }
0x271: {  	v3 =	vmul.f32 v3, v0;
	_ =	sdelay $0x1  }
0x272: {  	v2 =	vadd.f32 v3, v2;
	_ =	sdelay $0x1  }
0x273: {  	[tilespmem:s13+$0x0] =	vst v2  }
0x274: {  	v2 =	vld [tilespmem:s12+$0xFFFFFF40]  }
0x275: {  	s13 =	sadd.s32 $0xFFFFFC40, s10;
	v3 =	vld [tilespmem:s12+$0xFFFFFF50]  }
0x276: {  	s24 =	sadd.s32 $0xFFFFFF10, s22;
	s13 =	sand.u32 $0xFE00, s13  }
0x277: {  	s24 =	sand.u32 $0x40, s24;
	s13 =	sshrl.u32 s13, $0x2  }
0x278: {  	s13 =	sor.u32 s24, s13  }
0x279: {  	v2 =	vmul.f32 v2, v1  }
0x27a: {  	v3 =	vmul.f32 v3, v0;
	_ =	sdelay $0x1  }
0x27b: {  	v2 =	vadd.f32 v3, v2;
	_ =	sdelay $0x1  }
0x27c: {  	[tilespmem:s13+$0x8500] =	vst v2  }
0x27d: {  	s13 =	sadd.s32 $0xFFFFFC80, s10;
	v2 =	vld [tilespmem:s12+$0xFFFFFF60]  }
0x27e: {  	s24 =	sadd.s32 $0xFFFFFF20, s22;
	s13 =	sand.u32 $0xFE00, s13;
	v3 =	vld [tilespmem:s12+$0xFFFFFF70]  }
0x27f: {  	s24 =	sand.u32 $0x50, s24;
	s13 =	sshrl.u32 s13, $0x2  }
0x280: {  	s13 =	sor.u32 s24, s13;
	_ =	sdelay $0x1  }
0x281: {  	v2 =	vmul.f32 v2, v1  }
0x282: {  	v3 =	vmul.f32 v3, v0;
	_ =	sdelay $0x1  }
0x283: {  	v2 =	vadd.f32 v3, v2;
	_ =	sdelay $0x1  }
0x284: {  	[tilespmem:s13+$0x8500] =	vst v2;
	s13 =	sadd.s32 $0xFFFFFCC0, s10  }
0x285: {  	s24 =	sadd.s32 $0xFFFFFF30, s22;
	v2 =	vld [tilespmem:s12+$0xFFFFFF80];
	s13 =	sand.u32 $0xFE00, s13  }
0x286: {  	s24 =	sand.u32 $0x60, s24;
	v3 =	vld [tilespmem:s12+$0xFFFFFF90];
	s13 =	sshrl.u32 s13, $0x2  }
0x287: {  	s13 =	sor.u32 s24, s13;
	_ =	sdelay $0x2  }
0x288: {  	v2 =	vmul.f32 v2, v1  }
0x289: {  	v3 =	vmul.f32 v3, v0;
	_ =	sdelay $0x1  }
0x28a: {  	v2 =	vadd.f32 v3, v2  }
0x28b: {  	s24 =	sadd.s32 $0xFFFFFD00, s10  }
0x28c: {  	s24 =	sand.u32 $0xFE00, s24;
	[tilespmem:s13+$0x8500] =	vst v2;
	s13 =	sadd.s32 $0xFFFFFF40, s22  }
0x28d: {  	s24 =	sshrl.u32 s24, $0x2;
	v2 =	vld [tilespmem:s12+$0xFFFFFFA0];
	s13 =	sand.u32 $0x70, s13  }
0x28e: {  	v3 =	vld [tilespmem:s12+$0xFFFFFFB0];
	s13 =	sor.u32 s13, s24;
	_ =	sdelay $0x3  }
0x28f: {  	v2 =	vmul.f32 v2, v1  }
0x290: {  	v3 =	vmul.f32 v3, v0;
	_ =	sdelay $0x1  }
0x291: {  	s24 =	sadd.s32 $0xFFFFFD40, s10;
	v2 =	vadd.f32 v3, v2  }
0x292: {  	s24 =	sand.u32 $0xFE00, s24  }
0x293: {  	[tilespmem:s13+$0x8500] =	vst v2;
	s13 =	sshrl.u32 s24, $0x2  }
0x294: {  	v2 =	vld [tilespmem:s12+$0xFFFFFFC0];
	s13 =	sor.u32 s0, s13  }
0x295: {  	v3 =	vld [tilespmem:s12+$0xFFFFFFD0];
	_ =	sdelay $0x3  }
0x296: {  	v2 =	vmul.f32 v2, v1  }
0x297: {  	v3 =	vmul.f32 v3, v0  }
0x298: {  	s24 =	sadd.s32 $0xFFFFFD80, s10  }
0x299: {  	s25 =	sadd.s32 $0xFFFFFF60, s22;
	s24 =	sand.u32 $0xFE00, s24;
	v2 =	vadd.f32 v3, v2  }
0x29a: {  	s25 =	sand.u32 $0x50, s25;
	s24 =	sshrl.u32 s24, $0x2  }
0x29b: {  	[tilespmem:s13+$0x8500] =	vst v2;
	s13 =	sor.u32 s25, s24  }
0x29c: {  	v2 =	vld [tilespmem:s12+$0xFFFFFFE0]  }
0x29d: {  	v3 =	vld [tilespmem:s12+$0xFFFFFFF0];
	_ =	sdelay $0x3  }
0x29e: {  	v2 =	vmul.f32 v2, v1  }
0x29f: {  	s24 =	sadd.s32 $0xFFFFFDC0, s10;
	v3 =	vmul.f32 v3, v0  }
0x2a0: {  	s25 =	sadd.s32 $0xFFFFFF70, s22;
	s24 =	sand.u32 $0xFE00, s24  }
0x2a1: {  	s25 =	sand.u32 $0x60, s25;
	s24 =	sshrl.u32 s24, $0x2;
	v2 =	vadd.f32 v3, v2  }
0x2a2: {  	s24 =	sor.u32 s25, s24  }
0x2a3: {  	[tilespmem:s13+$0x8500] =	vst v2  }
0x2a4: {  	v2 =	vld [tilespmem:s12+$0x0]  }
0x2a5: {  	v3 =	vld [tilespmem:s12+$0x10];
	_ =	sdelay $0x3  }
0x2a6: {  	s13 =	sadd.s32 $0xFFFFFE00, s10;
	v2 =	vmul.f32 v2, v1  }
0x2a7: {  	s25 =	sadd.s32 $0xFFFFFF80, s22;
	s13 =	sand.u32 $0xFE00, s13;
	v3 =	vmul.f32 v3, v0  }
0x2a8: {  	s25 =	sand.u32 $0x70, s25;
	s13 =	sshrl.u32 s13, $0x2  }
0x2a9: {  	s13 =	sor.u32 s25, s13;
	v2 =	vadd.f32 v3, v2;
	_ =	sdelay $0x1  }
0x2aa: {  	[tilespmem:s24+$0x8500] =	vst v2  }
0x2ab: {  	v2 =	vld [tilespmem:s12+$0x20]  }
0x2ac: {  	v3 =	vld [tilespmem:s12+$0x30];
	_ =	sdelay $0x2  }
0x2ad: {  	s24 =	sadd.s32 $0xFFFFFE40, s10  }
0x2ae: {  	s25 =	sadd.s32 $0xFFFFFF90, s22;
	s24 =	sand.u32 $0xFE00, s24;
	v2 =	vmul.f32 v2, v1  }
0x2af: {  	s25 =	sand.u32 $0x40, s25;
	s24 =	sshrl.u32 s24, $0x2;
	v3 =	vmul.f32 v3, v0  }
0x2b0: {  	s24 =	sor.u32 s25, s24  }
0x2b1: {  	v2 =	vadd.f32 v3, v2;
	_ =	sdelay $0x1  }
0x2b2: {  	[tilespmem:s13+$0x8500] =	vst v2  }
0x2b3: {  	v2 =	vld [tilespmem:s12+$0x40]  }
0x2b4: {  	v3 =	vld [tilespmem:s12+$0x50];
	_ =	sdelay $0x1  }
0x2b5: {  	s13 =	sadd.s32 $0xFFFFFE80, s10  }
0x2b6: {  	s25 =	sadd.s32 $0xFFFFFFA0, s22;
	s13 =	sand.u32 $0xFE00, s13  }
0x2b7: {  	s25 =	sand.u32 $0x50, s25;
	s13 =	sshrl.u32 s13, $0x2;
	v2 =	vmul.f32 v2, v1  }
0x2b8: {  	s13 =	sor.u32 s25, s13;
	v3 =	vmul.f32 v3, v0;
	_ =	sdelay $0x1  }
0x2b9: {  	v2 =	vadd.f32 v3, v2;
	_ =	sdelay $0x1  }
0x2ba: {  	[tilespmem:s24+$0x8500] =	vst v2  }
0x2bb: {  	v2 =	vld [tilespmem:s12+$0x60]  }
0x2bc: {  	v3 =	vld [tilespmem:s12+$0x70]  }
0x2bd: {  	s24 =	sadd.s32 $0xFFFFFEC0, s10  }
0x2be: {  	s25 =	sadd.s32 $0xFFFFFFB0, s22;
	s24 =	sand.u32 $0xFE00, s24  }
0x2bf: {  	s25 =	sand.u32 $0x60, s25;
	s24 =	sshrl.u32 s24, $0x2  }
0x2c0: {  	s24 =	sor.u32 s25, s24;
	v2 =	vmul.f32 v2, v1  }
0x2c1: {  	v3 =	vmul.f32 v3, v0;
	_ =	sdelay $0x1  }
0x2c2: {  	v2 =	vadd.f32 v3, v2;
	_ =	sdelay $0x1  }
0x2c3: {  	[tilespmem:s13+$0x8500] =	vst v2  }
0x2c4: {  	v2 =	vld [tilespmem:s12+$0x80]  }
0x2c5: {  	s13 =	sadd.s32 $0xFFFFFF00, s10;
	v3 =	vld [tilespmem:s12+$0x90]  }
0x2c6: {  	s25 =	sadd.s32 $0xFFFFFFC0, s22;
	s13 =	sand.u32 $0xFE00, s13  }
0x2c7: {  	s25 =	sand.u32 $0x70, s25;
	s13 =	sshrl.u32 s13, $0x2  }
0x2c8: {  	s13 =	sor.u32 s25, s13  }
0x2c9: {  	v2 =	vmul.f32 v2, v1  }
0x2ca: {  	v3 =	vmul.f32 v3, v0;
	_ =	sdelay $0x1  }
0x2cb: {  	v2 =	vadd.f32 v3, v2;
	_ =	sdelay $0x1  }
0x2cc: {  	[tilespmem:s24+$0x8500] =	vst v2  }
0x2cd: {  	s24 =	sadd.s32 $0xFFFFFF40, s10;
	v2 =	vld [tilespmem:s12+$0xA0]  }
0x2ce: {  	s24 =	sand.u32 $0xFE00, s24;
	v3 =	vld [tilespmem:s12+$0xB0]  }
0x2cf: {  	s24 =	sshrl.u32 s24, $0x2  }
0x2d0: {  	s0 =	sor.u32 s0, s24;
	_ =	sdelay $0x1  }
0x2d1: {  	v2 =	vmul.f32 v2, v1  }
0x2d2: {  	v3 =	vmul.f32 v3, v0;
	_ =	sdelay $0x1  }
0x2d3: {  	v2 =	vadd.f32 v3, v2;
	_ =	sdelay $0x1  }
0x2d4: {  	[tilespmem:s13+$0x8500] =	vst v2;
	s13 =	sadd.s32 $0xFFFFFF80, s10  }
0x2d5: {  	s24 =	sadd.s32 $0xFFFFFFE0, s22;
	v2 =	vld [tilespmem:s12+$0xC0];
	s13 =	sand.u32 $0xFE00, s13  }
0x2d6: {  	s24 =	sand.u32 $0x50, s24;
	v3 =	vld [tilespmem:s12+$0xD0];
	s13 =	sshrl.u32 s13, $0x2  }
0x2d7: {  	s24 =	sor.u32 s24, s13;
	_ =	sdelay $0x2  }
0x2d8: {  	v2 =	vmul.f32 v2, v1  }
0x2d9: {  	v3 =	vmul.f32 v3, v0;
	_ =	sdelay $0x1  }
0x2da: {  	v2 =	vadd.f32 v3, v2  }
0x2db: {  	s13 =	sadd.s32 $0xFFFFFFC0, s10  }
0x2dc: {  	s13 =	sand.u32 $0xFE00, s13;
	[tilespmem:s0+$0x8500] =	vst v2;
	s0 =	sadd.s32 $0xFFFFFFF0, s22  }
0x2dd: {  	s13 =	sshrl.u32 s13, $0x2;
	v2 =	vld [tilespmem:s12+$0xE0];
	s0 =	sand.u32 $0x60, s0  }
0x2de: {  	v3 =	vld [tilespmem:s12+$0xF0];
	s13 =	sor.u32 s0, s13;
	_ =	sdelay $0x3  }
0x2df: {  	v2 =	vmul.f32 v2, v1  }
0x2e0: {  	v3 =	vmul.f32 v3, v0  }
.Ltmp4:
0x2e1: {  	(pc) =	sbr.rel @p0 .LBB2_11-.Ltmp4, $4  }
0x2e2: {  	v2 =	vadd.f32 v3, v2  }
0x2e3: {  	s0 =	sand.u32 $0xFE00, s10  }
0x2e4: {  	s10 =	sand.u32 $0x70, s22;
	s12 =	sadd.s32 $0x280, s12;
	s0 =	sshrl.u32 s0, $0x2;
	[tilespmem:s24+$0x8500] =	vst v2  }
0x2e5: {  	s6 =	sadd.s32 $0x20, s6;
	s7 =	sadd.s32 $0x20, s7;
	s0 =	sor.u32 s10, s0;
	v2 =	vld [tilespmem:s20+$0x100]  }
0x2e6: {  	v3 =	vld [tilespmem:s20+$0x110];
	_ =	sdelay $0x4  }
0x2e7: {  	v2 =	vmul.f32 v2, v1;
	v3 =	vmul.f32 v3, v0;
	_ =	sdelay $0x1  }
0x2e8: {  	v2 =	vadd.f32 v3, v2;
	_ =	sdelay $0x1  }
0x2e9: {  	[tilespmem:s13+$0x8500] =	vst v2  }
0x2ea: {  	v2 =	vld [tilespmem:s20+$0x120]  }
0x2eb: {  	v61 =	vld [tilespmem:s20+$0x130];
	_ =	sdelay $0x4  }
0x2ec: {  	v62 =	vmul.f32 v2, v1;
	v63 =	vmul.f32 v61, v0  }
0x2ed: {  	s6 =	sadd.s32 s9, s18  }
0x2ee: {  	s16 =	sadd.s32 $0x1, s16;
	s6 =	smul.u32 $0x2A0, s6;
	v0 =	vadd.f32 v63, v62  }
0x2ef: {  	p0 =	sne.s32 s16, $0x10  }
.Ltmp5:
0x2f0: {  	s26 =	sadd.s32 s5, s6;
	[tilespmem:s0+$0x8500] =	vst v0;
	(pc) =	sbr.rel @p0 .LBB2_8-.Ltmp5, $4  }
0x2f1: {  	[hbm4b:s26+s2] =	stream.linear.scatter [tilespmem:s31], [sflag:$0x3], $0x1500, $0x38;
	[tilespmem:$0x9900] =	vst v63  }
0x2f2: {  	_ =	swait.ge [sflag:s11], $0x1500  }
0x2f3: {  	[sflag:s11] =	ssyncset.done $0x0  }
0x2f4: {  	[sflag:s11] =	ssyncadd.s32 $0xFFFFEB00  }
0x2f5: {  	s6 =	rddreg [dreg:$0x8]  }
0x2f6: {  	s0 =	rddreg [dreg:$0x7];
	s6 =	sadd.s32 $0x1, s6  }
0x2f7: {  	p0 =	sne.s32 s6, s0  }
.Ltmp6:
0x2f8: {  	_ = 	snop;
	(pc) =	sbr.rel @p0 .LBB2_1-.Ltmp6, $2  }
0x2f9: {  	_ =	sdelay $0x2  }
0x2fa: {  	s7 =	simm.s32 $0x200;
	s8 =	simm.s32 $0x400  }
0x2fb: {  	_ =	sfence.sel $0x180000  }
0x2fc: {  	[bflag:$0x0] =	sbarrier.arrive $0xFFFF  }
0x2fd: {  	_ =	strace $0x90000047  }
0x2fe: {  	s0 =	stileid.u32;
	[bflag:$0x2] =	sbarrier.arrive $0xFFFF  }
0x2ff: {  	p0 =	sne.s32 s0, $0x0;
	s0 =	rddreg [dreg:$0x3]  }
0x300: {  	s0 =	sadd.s32 @!p0 $0x100000, s0  }
0x301: {  	[sflag:s0] =	ssyncadd.tile.s32 @!p0 $0x1;
	_ =	shalt  }
.Lfunc_end2:
_tile_overlayer_lowered:
.L_overlay_start_2:
0x302: {  	(tag) =	ssettag $0x2  }
0x303: {  	s0 =	rddreg [dreg:$0x0];
	s2 =	stileid.u32  }
0x304: {  	s1 =	rddreg [dreg:$0x1];
	p0 =	sne.s32 s2, $0x0  }
0x305: {  	s3 =	rddreg [dreg:$0x2];
	[bflag:$0x3] =	sbarrier.arrive $0xFFFF;
	s2 =	simm.s32 @!p0 $0x1C03  }
0x306: {  	[timem:s3], [sflag:s2] =	dma.local @!p0 [hbm:s0], s1  }
0x307: {  	s0 =	simm.s32 @!p0 $0x3  }
0x308: {  	_ =	swait.ge @!p0 [sflag:s0], s1  }
0x309: {  	s1 =	ssub.s32 @!p0 $0x0, s1;
	[sflag:s0] =	ssyncset.done @!p0 $0x0  }
0x30a: {  	[sflag:s0] =	ssyncadd.s32 @!p0 s1  }
0x30b: {  	[bflag:$0x3] =	sbarrier.arrive $0xFFFF  }
0x30c: {  	_ =	shalt  }

</sc_bundles>
